<compile_context>
chip_gen: v7x
topology: tpu7x:2x2x1
jax: 0.10.2.dev20260603
libtpu: 0.0.44.dev20260713+nightly
codegen_flags: <defaults>
</compile_context>

<pallas_src>
import functools

import jax
import jax.numpy as jnp
from jax import lax
from jax.experimental import pallas as pl
from jax.experimental.pallas import tpu as pltpu
from jax.experimental.pallas import tpu_sc as plsc

_LANES = 128
_NS = 16
_CH = 10000
_R0_NUM = 1
_R0_DEN = 2


def _round_up(a, b):
    return (a + b - 1) // b * b


def _make_edge_pass(n_pad, e_pad, do_gather):
    rounds = e_pad // (_NS * _CH)
    r0 = rounds * _R0_NUM // _R0_DEN
    r1 = rounds - r0
    ts = n_pad // _NS
    mesh = plsc.VectorSubcoreMesh(core_axis_name="c", subcore_axis_name="s")

    out_type = jax.ShapeDtypeStruct((2, n_pad), jnp.float32)

    if do_gather:
        scratch = [
            pltpu.VMEM((_CH,), jnp.int32),
            pltpu.VMEM((_CH,), jnp.int32),
            pltpu.VMEM((_CH,), jnp.int32),
            pltpu.VMEM((_CH,), jnp.int32),
            pltpu.VMEM((_CH,), jnp.float32),
            pltpu.VMEM_SHARED((n_pad,), jnp.float32),
            pltpu.VMEM_SHARED((n_pad,), jnp.float32),
            pltpu.SemaphoreType.DMA,
            pltpu.SemaphoreType.DMA,
        ]

        @functools.partial(pl.kernel, mesh=mesh, out_type=out_type,
                           scratch_types=scratch)
        def k(src_hbm, dst_hbm, table_hbm, zeros_hbm, out_hbm,
              src_a, dst_a, src_b, dst_b, vals_v, acc_sh, tab_sh,
              sem, psem):
            c = lax.axis_index("c").astype(jnp.int32)
            s = lax.axis_index("s").astype(jnp.int32)
            soff = pl.multiple_of(s * ts, 8)
            pltpu.sync_copy(table_hbm.at[pl.ds(soff, ts)],
                            tab_sh.at[pl.ds(soff, ts)])
            pltpu.sync_copy(zeros_hbm.at[pl.ds(soff, ts)],
                            acc_sh.at[pl.ds(soff, ts)])
            plsc.subcore_barrier()
            my_rounds = jnp.where(c == 0, jnp.int32(r0), jnp.int32(r1))
            cbase = jnp.where(c == 0, jnp.int32(0),
                              jnp.int32(r0)) * jnp.int32(_NS * _CH)
            tbase = cbase + s * jnp.int32(_CH)

            def eoff(i):
                return pl.multiple_of(tbase + i * jnp.int32(_NS * _CH), 8)

            def start_idx(i, sv, dv):
                pltpu.make_async_copy(src_hbm.at[pl.ds(eoff(i), _CH)],
                                      sv, psem).start()
                pltpu.make_async_copy(dst_hbm.at[pl.ds(eoff(i), _CH)],
                                      dv, psem).start()

            def wait_idx(sv, dv):
                pltpu.make_async_copy(src_hbm.at[pl.ds(eoff(jnp.int32(0)),
                                                       _CH)], sv, psem).wait()
                pltpu.make_async_copy(dst_hbm.at[pl.ds(eoff(jnp.int32(0)),
                                                       _CH)], dv, psem).wait()

            def process(sv, dv):
                pltpu.async_copy(tab_sh.at[sv], vals_v, sem).wait()
                pltpu.sync_copy(vals_v, acc_sh.at[dv], add=True)

            @pl.when(my_rounds >= jnp.int32(2))
            def _():
                start_idx(jnp.int32(0), src_a, dst_a)

            def pair_body(i2, carry):
                ra = i2 * jnp.int32(2)
                wait_idx(src_a, dst_a)
                start_idx(ra + jnp.int32(1), src_b, dst_b)
                process(src_a, dst_a)
                wait_idx(src_b, dst_b)

                paired = (my_rounds // jnp.int32(2)) * jnp.int32(2)

                @pl.when(ra + jnp.int32(2) < paired)
                def _():
                    start_idx(ra + jnp.int32(2), src_a, dst_a)

                process(src_b, dst_b)
                return carry

            lax.fori_loop(jnp.int32(0), my_rounds // jnp.int32(2), pair_body,
                          jnp.int32(0))

            @pl.when(my_rounds % jnp.int32(2) == jnp.int32(1))
            def _():
                i = my_rounds - jnp.int32(1)
                pltpu.sync_copy(src_hbm.at[pl.ds(eoff(i), _CH)], src_a)
                pltpu.sync_copy(dst_hbm.at[pl.ds(eoff(i), _CH)], dst_a)
                process(src_a, dst_a)

            plsc.subcore_barrier()
            pltpu.sync_copy(acc_sh.at[pl.ds(soff, ts)],
                            out_hbm.at[c, pl.ds(soff, ts)])
        return k
    else:
        scratch = [
            pltpu.VMEM((_CH,), jnp.int32),
            pltpu.VMEM((_CH,), jnp.int32),
            pltpu.VMEM((_CH,), jnp.float32),
            pltpu.VMEM_SHARED((n_pad,), jnp.float32),
            pltpu.SemaphoreType.DMA,
        ]

        @functools.partial(pl.kernel, mesh=mesh, out_type=out_type,
                           scratch_types=scratch)
        def k(dst_hbm, ones_hbm, zeros_hbm, out_hbm,
              dst_a, dst_b, vals_v, acc_sh, psem):
            c = lax.axis_index("c").astype(jnp.int32)
            s = lax.axis_index("s").astype(jnp.int32)
            soff = pl.multiple_of(s * ts, 8)
            pltpu.sync_copy(zeros_hbm.at[pl.ds(soff, ts)],
                            acc_sh.at[pl.ds(soff, ts)])
            pltpu.sync_copy(ones_hbm, vals_v)
            plsc.subcore_barrier()
            my_rounds = jnp.where(c == 0, jnp.int32(r0), jnp.int32(r1))
            cbase = jnp.where(c == 0, jnp.int32(0),
                              jnp.int32(r0)) * jnp.int32(_NS * _CH)
            tbase = cbase + s * jnp.int32(_CH)

            def eoff(i):
                return pl.multiple_of(tbase + i * jnp.int32(_NS * _CH), 8)

            def start_idx(i, dv):
                pltpu.make_async_copy(dst_hbm.at[pl.ds(eoff(i), _CH)],
                                      dv, psem).start()

            def wait_idx(dv):
                pltpu.make_async_copy(dst_hbm.at[pl.ds(eoff(jnp.int32(0)),
                                                       _CH)], dv, psem).wait()

            def process(dv):
                pltpu.sync_copy(vals_v, acc_sh.at[dv], add=True)

            @pl.when(my_rounds >= jnp.int32(2))
            def _():
                start_idx(jnp.int32(0), dst_a)

            def pair_body(i2, carry):
                ra = i2 * jnp.int32(2)
                wait_idx(dst_a)
                start_idx(ra + jnp.int32(1), dst_b)
                process(dst_a)
                wait_idx(dst_b)
                paired = (my_rounds // jnp.int32(2)) * jnp.int32(2)

                @pl.when(ra + jnp.int32(2) < paired)
                def _():
                    start_idx(ra + jnp.int32(2), dst_a)

                process(dst_b)
                return carry

            lax.fori_loop(jnp.int32(0), my_rounds // jnp.int32(2), pair_body,
                          jnp.int32(0))

            @pl.when(my_rounds % jnp.int32(2) == jnp.int32(1))
            def _():
                i = my_rounds - jnp.int32(1)
                pltpu.sync_copy(dst_hbm.at[pl.ds(eoff(i), _CH)], dst_a)
                process(dst_a)

            plsc.subcore_barrier()
            pltpu.sync_copy(acc_sh.at[pl.ds(soff, ts)],
                            out_hbm.at[c, pl.ds(soff, ts)])
        return k


def _tc_stage1(deg0, x2):
    rn = x2.shape[0]

    def body(deg_ref, x_ref, dinv_ref, u_ref, invdeg_ref):
        deg = deg_ref[0] + deg_ref[1] + 1.0
        dinv = lax.rsqrt(deg)
        dinv_ref[...] = dinv
        invdeg_ref[...] = 1.0 / deg
        u_ref[...] = dinv * x_ref[...]

    shp = jax.ShapeDtypeStruct((rn, _LANES), jnp.float32)
    return pl.pallas_call(body, out_shape=[shp, shp, shp])(deg0, x2)


def _tc_stage2(acc, dinv, x2, invdeg, aux):
    rn = x2.shape[0]

    def body(acc_ref, dinv_ref, x_ref, invdeg_ref, aux_ref, g_ref, v_ref):
        dinv = dinv_ref[...]
        s = dinv * (acc_ref[0] + acc_ref[1]) + x_ref[...] * invdeg_ref[...]
        g = jnp.zeros_like(s)
        for j in range(16):
            w1j = aux_ref[0, j]
            b1j = aux_ref[1, j]
            w2j = aux_ref[2, j]
            g = g + jnp.maximum(s * w1j + b1j, 0.0) * w2j
        g_ref[...] = g
        v_ref[...] = dinv * g

    shp = jax.ShapeDtypeStruct((rn, _LANES), jnp.float32)
    return pl.pallas_call(body, out_shape=[shp, shp])(
        acc, dinv, x2, invdeg, aux)


def _tc_stage3(acc, dinv, g, invdeg, aux):
    rn = g.shape[0]

    def body(acc_ref, dinv_ref, g_ref, invdeg_ref, aux_ref, out_ref):
        h = (dinv_ref[...] * (acc_ref[0] + acc_ref[1])
             + g_ref[...] * invdeg_ref[...] + aux_ref[3, 0])
        z = h - h
        lse = jnp.log(jnp.exp(z))
        out_ref[...] = z - lse

    shp = jax.ShapeDtypeStruct((rn, _LANES), jnp.float32)
    return pl.pallas_call(body, out_shape=shp)(acc, dinv, g, invdeg, aux)


def kernel(x, edge_index, W1, b1, W2, b2):
    n = x.shape[0]
    e = edge_index.shape[1]
    n_pad = _round_up(n + 1, _LANES * 8)
    rn = n_pad // _LANES
    e_pad = _round_up(e, _NS * _CH)
    dummy = n_pad - 1

    ei32 = edge_index.astype(jnp.int32)
    src1 = ei32[0]
    dst1 = ei32[1]
    if e_pad != e:
        pad = jnp.full((e_pad - e,), dummy, jnp.int32)
        src1 = jnp.concatenate([src1, pad])
        dst1 = jnp.concatenate([dst1, pad])

    x1 = jnp.zeros((n_pad,), jnp.float32).at[:n].set(x[:, 0].astype(jnp.float32))
    x2 = x1.reshape(rn, _LANES)
    zeros_n = jnp.zeros((n_pad,), jnp.float32)
    ones_ch = jnp.ones((_CH,), jnp.float32)

    aux = jnp.zeros((8, _LANES), jnp.float32)
    aux = aux.at[0, :16].set(W1[0].astype(jnp.float32))
    aux = aux.at[1, :16].set(b1.astype(jnp.float32))
    aux = aux.at[2, :16].set(W2[:, 0].astype(jnp.float32))
    aux = aux.at[3, 0].set(b2[0].astype(jnp.float32))

    count_k = _make_edge_pass(n_pad, e_pad, do_gather=False)
    gs_k = _make_edge_pass(n_pad, e_pad, do_gather=True)

    deg0 = count_k(dst1, ones_ch, zeros_n)
    dinv, u, invdeg = _tc_stage1(deg0.reshape(2, rn, _LANES), x2)

    acc1 = gs_k(src1, dst1, u.reshape(n_pad), zeros_n)
    g, v = _tc_stage2(acc1.reshape(2, rn, _LANES), dinv, x2, invdeg, aux)

    acc2 = gs_k(src1, dst1, v.reshape(n_pad), zeros_n)
    lsm = _tc_stage3(acc2.reshape(2, rn, _LANES), dinv, g, invdeg, aux)

    return lsm.reshape(n_pad)[:n].reshape(n, 1).astype(jnp.float64)

# --- scband reference (transcript-rebuilt; emitter-appended) ---
"""Pipeline reference for scband-net-33294586479043 (READ-ONLY COPY).

The authoritative reference and input builder live on the scoring server;
editing this copy changes nothing except your own understanding.
"""

import jax, jax.numpy as jnp
import numpy as np

jax.config.update("jax_enable_x64", True)

N = 100000
E = 3200000
H = 16


def gcn_conv(x, edge_index, W, b):
    # Faithful PyG GCNConv: add self-loops, symmetric deg^-1/2 normalization,
    # linear transform, scatter-add aggregation, bias.
    n = x.shape[0]
    loop = jnp.arange(n, dtype=edge_index.dtype)
    src = jnp.concatenate([edge_index[0], loop])
    dst = jnp.concatenate([edge_index[1], loop])
    deg = jax.ops.segment_sum(jnp.ones(src.shape[0], dtype=x.dtype), dst, num_segments=n)
    dinv = jnp.where(deg > 0, deg ** -0.5, 0.0)
    norm = dinv[src] * dinv[dst]
    h = x @ W
    msg = h[src] * norm[:, None]
    out = jax.ops.segment_sum(msg, dst, num_segments=n)
    return out + b


def setup_inputs(seed: int = 0) -> dict:
    key = jax.random.key(seed)
    k1, k2, k3, k4 = jax.random.split(key, 4)
    x = jax.random.normal(k1, (N, 1), dtype=jnp.float32)
    edge_index = jax.random.randint(k2, (2, E), 0, N, dtype=jnp.int64)
    # GCNConv(1, H) and GCNConv(H, 1) parameters (glorot-ish init), float64
    # because the module casts x to double.
    W1 = jax.random.normal(k3, (1, H), dtype=jnp.float64) * (1.0 / np.sqrt(1.0))
    b1 = jnp.zeros((H,), dtype=jnp.float64)
    W2 = jax.random.normal(k4, (H, 1), dtype=jnp.float64) * (1.0 / np.sqrt(H))
    b2 = jnp.zeros((1,), dtype=jnp.float64)
    return {"x": x, "edge_index": edge_index, "W1": W1, "b1": b1, "W2": W2, "b2": b2}


def reference(x, edge_index, W1, b1, W2, b2):
    x = x.astype(jnp.float64)  # x.double()
    h = gcn_conv(x, edge_index, W1, b1)
    h = jax.nn.relu(h)
    # F.dropout with training=self.training is identity in eval mode
    h = gcn_conv(h, edge_index, W2, b2)
    return jax.nn.log_softmax(h, axis=1)

if __name__ == "__main__":
    import jax
    _d = setup_inputs()
    print(jax.jit(kernel)(*tuple(_d.values())))

</pallas_src>

<mosaic_0001>
#map = affine_map<(d0, d1) -> (0)>
#map1 = affine_map<(d0, d1) -> (0, 0)>
module attributes {stable_mosaic.version = 14 : i64} {
  func.func @k(%arg0: i32, %arg1: i32, %arg2: memref<3200000xi32, #tpu.memory_space<hbm>>, %arg3: memref<3200000xi32, #tpu.memory_space<hbm>>, %arg4: memref<100352xf32, #tpu.memory_space<hbm>>, %arg5: memref<100352xf32, #tpu.memory_space<hbm>>, %arg6: memref<2x100352xf32, #tpu.memory_space<hbm>>, %arg7: memref<10000xi32, #tpu.memory_space<vmem>>, %arg8: memref<10000xi32, #tpu.memory_space<vmem>>, %arg9: memref<10000xi32, #tpu.memory_space<vmem>>, %arg10: memref<10000xi32, #tpu.memory_space<vmem>>, %arg11: memref<10000xf32, #tpu.memory_space<vmem>>, %arg12: memref<100352xf32, #tpu.memory_space<vmem_shared>>, %arg13: memref<100352xf32, #tpu.memory_space<vmem_shared>>, %arg14: memref<!tpu.dma_semaphore, #tpu.memory_space<semaphore_mem>>, %arg15: memref<!tpu.dma_semaphore, #tpu.memory_space<semaphore_mem>>) attributes {dimension_semantics = [#tpu.dimension_semantics<core_parallel>, #tpu.dimension_semantics<subcore_parallel>], iteration_bounds = array<i64: 2, 16>, scalar_prefetch = 0 : i64, scratch_operands = 9 : i64, tpu.core_type = #tpu.core_type<sc_vector_subcore>, window_params = [{transform_indices = #map}, {transform_indices = #map}, {transform_indices = #map}, {transform_indices = #map}, {transform_indices = #map1}]} {
    %mul3A = arith.constant 6272 : i32
    %mul3A_0 = arith.muli %arg1, %mul3A : i32
    %multiple_of3A = tpu.assume_multiple %mul3A_0, 8 : i32
    "tpu.region"() ({
      %run_scoped3A = tpu.sem_alloc : memref<!tpu.dma_semaphore, #tpu.memory_space<semaphore_mem>>
      %dma_start3A = tpu.memref_slice %arg13[%multiple_of3A] : memref<100352xf32, #tpu.memory_space<vmem_shared>> -> memref<6272xf32, #tpu.memory_space<vmem_shared>>
      %dma_start3A_62 = tpu.memref_slice %arg4[%multiple_of3A] : memref<100352xf32, #tpu.memory_space<hbm>> -> memref<6272xf32, #tpu.memory_space<hbm>>
      tpu.enqueue_dma source(%dma_start3A_62 : memref<6272xf32, #tpu.memory_space<hbm>>) target(%dma_start3A : memref<6272xf32, #tpu.memory_space<vmem_shared>>) target_semaphore(%run_scoped3A : memref<!tpu.dma_semaphore, #tpu.memory_space<semaphore_mem>>)
      %dma_wait3A = tpu.memref_slice %arg13[%multiple_of3A] : memref<100352xf32, #tpu.memory_space<vmem_shared>> -> memref<6272xf32, #tpu.memory_space<vmem_shared>>
      %dma_wait3A_63 = tpu.memref_slice %arg4[%multiple_of3A] : memref<100352xf32, #tpu.memory_space<hbm>> -> memref<6272xf32, #tpu.memory_space<hbm>>
      tpu.wait_dma2 semaphore(%run_scoped3A : memref<!tpu.dma_semaphore, #tpu.memory_space<semaphore_mem>>) src(%dma_wait3A_63 : memref<6272xf32, #tpu.memory_space<hbm>>) dst(%dma_wait3A : memref<6272xf32, #tpu.memory_space<vmem_shared>>)
      tpu.yield
    }) : () -> ()
    "tpu.region"() ({
      %run_scoped3A = tpu.sem_alloc : memref<!tpu.dma_semaphore, #tpu.memory_space<semaphore_mem>>
      %dma_start3A = tpu.memref_slice %arg12[%multiple_of3A] : memref<100352xf32, #tpu.memory_space<vmem_shared>> -> memref<6272xf32, #tpu.memory_space<vmem_shared>>
      %dma_start3A_62 = tpu.memref_slice %arg5[%multiple_of3A] : memref<100352xf32, #tpu.memory_space<hbm>> -> memref<6272xf32, #tpu.memory_space<hbm>>
      tpu.enqueue_dma source(%dma_start3A_62 : memref<6272xf32, #tpu.memory_space<hbm>>) target(%dma_start3A : memref<6272xf32, #tpu.memory_space<vmem_shared>>) target_semaphore(%run_scoped3A : memref<!tpu.dma_semaphore, #tpu.memory_space<semaphore_mem>>)
      %dma_wait3A = tpu.memref_slice %arg12[%multiple_of3A] : memref<100352xf32, #tpu.memory_space<vmem_shared>> -> memref<6272xf32, #tpu.memory_space<vmem_shared>>
      %dma_wait3A_63 = tpu.memref_slice %arg5[%multiple_of3A] : memref<100352xf32, #tpu.memory_space<hbm>> -> memref<6272xf32, #tpu.memory_space<hbm>>
      tpu.wait_dma2 semaphore(%run_scoped3A : memref<!tpu.dma_semaphore, #tpu.memory_space<semaphore_mem>>) src(%dma_wait3A_63 : memref<6272xf32, #tpu.memory_space<hbm>>) dst(%dma_wait3A : memref<6272xf32, #tpu.memory_space<vmem_shared>>)
      tpu.yield
    }) : () -> ()
    %barrier3A = arith.constant 0 : index
    tpu.barrier barrier_id(%barrier3A)
    %eq3A = arith.constant 0 : i32
    %eq3A_1 = arith.cmpi eq, %arg0, %eq3A : i32
    %jit3A = arith.constant 10 : i32
    %jit3A_2 = arith.constant 10 : i32
    %select_n3A = arith.select %eq3A_1, %jit3A, %jit3A_2 : i32
    %eq3A_3 = arith.constant 0 : i32
    %eq3A_4 = arith.cmpi eq, %arg0, %eq3A_3 : i32
    %jit3A_5 = arith.constant 0 : i32
    %jit3A_6 = arith.constant 10 : i32
    %select_n3A_7 = arith.select %eq3A_4, %jit3A_5, %jit3A_6 : i32
    %mul3A_8 = arith.constant 160000 : i32
    %mul3A_9 = arith.muli %select_n3A_7, %mul3A_8 : i32
    %mul3A_10 = arith.constant 10000 : i32
    %mul3A_11 = arith.muli %arg1, %mul3A_10 : i32
    %add3A = arith.addi %mul3A_9, %mul3A_11 : i32
    %ge3A = arith.constant 2 : i32
    %ge3A_12 = arith.cmpi sge, %select_n3A, %ge3A : i32
    %convert_element_type3A = arith.extui %ge3A_12 : i1 to i32
    %cond3A = arith.constant 0 : i32
    %cond3A_13 = arith.cmpi ne, %convert_element_type3A, %cond3A : i32
    scf.if %cond3A_13 {
      %mul3A_62 = arith.constant 0 : i32
      %mul3A_63 = arith.constant 160000 : i32
      %mul3A_64 = arith.muli %mul3A_62, %mul3A_63 : i32
      %add3A_65 = arith.addi %add3A, %mul3A_64 : i32
      %multiple_of3A_66 = tpu.assume_multiple %add3A_65, 8 : i32
      %dma_start3A = tpu.memref_slice %arg2[%multiple_of3A_66] : memref<3200000xi32, #tpu.memory_space<hbm>> -> memref<10000xi32, #tpu.memory_space<hbm>>
      %dma_start3A_67 = tpu.memref_slice %arg2[%multiple_of3A_66] : memref<3200000xi32, #tpu.memory_space<hbm>> -> memref<10000xi32, #tpu.memory_space<hbm>>
      tpu.enqueue_dma source(%dma_start3A_67 : memref<10000xi32, #tpu.memory_space<hbm>>) target(%arg7 : memref<10000xi32, #tpu.memory_space<vmem>>) target_semaphore(%arg15 : memref<!tpu.dma_semaphore, #tpu.memory_space<semaphore_mem>>)
      %mul3A_68 = arith.constant 0 : i32
      %mul3A_69 = arith.constant 160000 : i32
      %mul3A_70 = arith.muli %mul3A_68, %mul3A_69 : i32
      %add3A_71 = arith.addi %add3A, %mul3A_70 : i32
      %multiple_of3A_72 = tpu.assume_multiple %add3A_71, 8 : i32
      %dma_start3A_73 = tpu.memref_slice %arg3[%multiple_of3A_72] : memref<3200000xi32, #tpu.memory_space<hbm>> -> memref<10000xi32, #tpu.memory_space<hbm>>
      %dma_start3A_74 = tpu.memref_slice %arg3[%multiple_of3A_72] : memref<3200000xi32, #tpu.memory_space<hbm>> -> memref<10000xi32, #tpu.memory_space<hbm>>
      tpu.enqueue_dma source(%dma_start3A_74 : memref<10000xi32, #tpu.memory_space<hbm>>) target(%arg8 : memref<10000xi32, #tpu.memory_space<vmem>>) target_semaphore(%arg15 : memref<!tpu.dma_semaphore, #tpu.memory_space<semaphore_mem>>)
    } else {
    }
    %jit3A_14 = arith.constant 2 : i32
    %div3A = arith.divsi %select_n3A, %jit3A_14 : i32
    %sign3A = arith.constant 0 : i32
    %sign3A_15 = arith.cmpi sgt, %select_n3A, %sign3A : i32
    %sign3A_16 = arith.extui %sign3A_15 : i1 to i32
    %sign3A_17 = arith.constant 0 : i32
    %sign3A_18 = arith.cmpi slt, %select_n3A, %sign3A_17 : i32
    %sign3A_19 = arith.extui %sign3A_18 : i1 to i32
    %sign3A_20 = arith.subi %sign3A_16, %sign3A_19 : i32
    %sign3A_21 = arith.constant 0 : i32
    %sign3A_22 = arith.cmpi sgt, %jit3A_14, %sign3A_21 : i32
    %sign3A_23 = arith.extui %sign3A_22 : i1 to i32
    %sign3A_24 = arith.constant 0 : i32
    %sign3A_25 = arith.cmpi slt, %jit3A_14, %sign3A_24 : i32
    %sign3A_26 = arith.extui %sign3A_25 : i1 to i32
    %sign3A_27 = arith.subi %sign3A_23, %sign3A_26 : i32
    %ne3A = arith.cmpi ne, %sign3A_20, %sign3A_27 : i32
    %rem3A = arith.remsi %select_n3A, %jit3A_14 : i32
    %ne3A_28 = arith.constant 0 : i32
    %ne3A_29 = arith.cmpi ne, %rem3A, %ne3A_28 : i32
    %and3A = arith.andi %ne3A, %ne3A_29 : i1
    %sub3A = arith.constant 1 : i32
    %sub3A_30 = arith.subi %div3A, %sub3A : i32
    %select_n3A_31 = arith.select %and3A, %sub3A_30, %div3A : i32
    %while3A = arith.constant 0 : i32
    %while3A_32 = arith.constant 0 : i32
    %while3A_33 = arith.subi %select_n3A_31, %while3A_32 : i32
    %while3A_34 = arith.addi %while3A_32, %while3A_33 : i32
    %while3A_35 = arith.constant 1 : i32
    %while3A_36 = arith.divsi %while3A_33, %while3A_35 : i32
    %while3A_37 = arith.muli %while3A_36, %while3A_35 : i32
    %while3A_38 = arith.addi %while3A_32, %while3A_37 : i32
    %while3A_39 = arith.constant 1 : i32
    scf.for %while3A_62 = %while3A_32 to %while3A_38 step %while3A_39  : i32 {
      %mul3A_63 = arith.constant 2 : i32
      %mul3A_64 = arith.muli %while3A_62, %mul3A_63 : i32
      %mul3A_65 = arith.constant 0 : i32
      %mul3A_66 = arith.constant 160000 : i32
      %mul3A_67 = arith.muli %mul3A_65, %mul3A_66 : i32
      %add3A_68 = arith.addi %add3A, %mul3A_67 : i32
      %multiple_of3A_69 = tpu.assume_multiple %add3A_68, 8 : i32
      %dma_wait3A = tpu.memref_slice %arg2[%multiple_of3A_69] : memref<3200000xi32, #tpu.memory_space<hbm>> -> memref<10000xi32, #tpu.memory_space<hbm>>
      %dma_wait3A_70 = tpu.memref_slice %arg2[%multiple_of3A_69] : memref<3200000xi32, #tpu.memory_space<hbm>> -> memref<10000xi32, #tpu.memory_space<hbm>>
      tpu.wait_dma2 semaphore(%arg15 : memref<!tpu.dma_semaphore, #tpu.memory_space<semaphore_mem>>) src(%dma_wait3A_70 : memref<10000xi32, #tpu.memory_space<hbm>>) dst(%arg7 : memref<10000xi32, #tpu.memory_space<vmem>>)
      %mul3A_71 = arith.constant 0 : i32
      %mul3A_72 = arith.constant 160000 : i32
      %mul3A_73 = arith.muli %mul3A_71, %mul3A_72 : i32
      %add3A_74 = arith.addi %add3A, %mul3A_73 : i32
      %multiple_of3A_75 = tpu.assume_multiple %add3A_74, 8 : i32
      %dma_wait3A_76 = tpu.memref_slice %arg3[%multiple_of3A_75] : memref<3200000xi32, #tpu.memory_space<hbm>> -> memref<10000xi32, #tpu.memory_space<hbm>>
      %dma_wait3A_77 = tpu.memref_slice %arg3[%multiple_of3A_75] : memref<3200000xi32, #tpu.memory_space<hbm>> -> memref<10000xi32, #tpu.memory_space<hbm>>
      tpu.wait_dma2 semaphore(%arg15 : memref<!tpu.dma_semaphore, #tpu.memory_space<semaphore_mem>>) src(%dma_wait3A_77 : memref<10000xi32, #tpu.memory_space<hbm>>) dst(%arg8 : memref<10000xi32, #tpu.memory_space<vmem>>)
      %add3A_78 = arith.constant 1 : i32
      %add3A_79 = arith.addi %mul3A_64, %add3A_78 : i32
      %mul3A_80 = arith.constant 160000 : i32
      %mul3A_81 = arith.muli %add3A_79, %mul3A_80 : i32
      %add3A_82 = arith.addi %add3A, %mul3A_81 : i32
      %multiple_of3A_83 = tpu.assume_multiple %add3A_82, 8 : i32
      %dma_start3A = tpu.memref_slice %arg2[%multiple_of3A_83] : memref<3200000xi32, #tpu.memory_space<hbm>> -> memref<10000xi32, #tpu.memory_space<hbm>>
      %dma_start3A_84 = tpu.memref_slice %arg2[%multiple_of3A_83] : memref<3200000xi32, #tpu.memory_space<hbm>> -> memref<10000xi32, #tpu.memory_space<hbm>>
      tpu.enqueue_dma source(%dma_start3A_84 : memref<10000xi32, #tpu.memory_space<hbm>>) target(%arg9 : memref<10000xi32, #tpu.memory_space<vmem>>) target_semaphore(%arg15 : memref<!tpu.dma_semaphore, #tpu.memory_space<semaphore_mem>>)
      %mul3A_85 = arith.constant 160000 : i32
      %mul3A_86 = arith.muli %add3A_79, %mul3A_85 : i32
      %add3A_87 = arith.addi %add3A, %mul3A_86 : i32
      %multiple_of3A_88 = tpu.assume_multiple %add3A_87, 8 : i32
      %dma_start3A_89 = tpu.memref_slice %arg3[%multiple_of3A_88] : memref<3200000xi32, #tpu.memory_space<hbm>> -> memref<10000xi32, #tpu.memory_space<hbm>>
      %dma_start3A_90 = tpu.memref_slice %arg3[%multiple_of3A_88] : memref<3200000xi32, #tpu.memory_space<hbm>> -> memref<10000xi32, #tpu.memory_space<hbm>>
      tpu.enqueue_dma source(%dma_start3A_90 : memref<10000xi32, #tpu.memory_space<hbm>>) target(%arg10 : memref<10000xi32, #tpu.memory_space<vmem>>) target_semaphore(%arg15 : memref<!tpu.dma_semaphore, #tpu.memory_space<semaphore_mem>>)
      %dma_start3A_91 = arith.constant 0 : i32
      %dma_start3A_92 = tpu.memref_slice %arg13[%dma_start3A_91] : memref<100352xf32, #tpu.memory_space<vmem_shared>> -> memref<100352xf32, #tpu.memory_space<vmem_shared>>
      tpu.enqueue_indirect_dma source(%dma_start3A_92 : memref<100352xf32, #tpu.memory_space<vmem_shared>>) target(%arg11 : memref<10000xf32, #tpu.memory_space<vmem>>) offsets(%arg7 : memref<10000xi32, #tpu.memory_space<vmem>>) semaphore(%arg14 : memref<!tpu.dma_semaphore, #tpu.memory_space<semaphore_mem>>)
      %dma_wait3A_93 = arith.constant 0 : i32
      %dma_wait3A_94 = tpu.memref_slice %arg13[%dma_wait3A_93] : memref<100352xf32, #tpu.memory_space<vmem_shared>> -> memref<100352xf32, #tpu.memory_space<vmem_shared>>
      tpu.wait_indirect_dma semaphore(%arg14 : memref<!tpu.dma_semaphore, #tpu.memory_space<semaphore_mem>>) src(%dma_wait3A_94 : memref<100352xf32, #tpu.memory_space<vmem_shared>>) dst(%arg11 : memref<10000xf32, #tpu.memory_space<vmem>>)
      "tpu.region"() ({
        %run_scoped3A = tpu.sem_alloc : memref<!tpu.dma_semaphore, #tpu.memory_space<semaphore_mem>>
        %dma_start3A_145 = arith.constant 0 : i32
        %dma_start3A_146 = tpu.memref_slice %arg12[%dma_start3A_145] : memref<100352xf32, #tpu.memory_space<vmem_shared>> -> memref<100352xf32, #tpu.memory_space<vmem_shared>>
        tpu.enqueue_indirect_dma source(%arg11 : memref<10000xf32, #tpu.memory_space<vmem>>) target(%dma_start3A_146 : memref<100352xf32, #tpu.memory_space<vmem_shared>>) offsets(%arg8 : memref<10000xi32, #tpu.memory_space<vmem>>) semaphore(%run_scoped3A : memref<!tpu.dma_semaphore, #tpu.memory_space<semaphore_mem>>) {add = true}
        %dma_wait3A_147 = arith.constant 0 : i32
        %dma_wait3A_148 = tpu.memref_slice %arg12[%dma_wait3A_147] : memref<100352xf32, #tpu.memory_space<vmem_shared>> -> memref<100352xf32, #tpu.memory_space<vmem_shared>>
        tpu.wait_indirect_dma semaphore(%run_scoped3A : memref<!tpu.dma_semaphore, #tpu.memory_space<semaphore_mem>>) src(%arg11 : memref<10000xf32, #tpu.memory_space<vmem>>) dst(%dma_wait3A_148 : memref<100352xf32, #tpu.memory_space<vmem_shared>>)
        tpu.yield
      }) : () -> ()
      %mul3A_95 = arith.constant 0 : i32
      %mul3A_96 = arith.constant 160000 : i32
      %mul3A_97 = arith.muli %mul3A_95, %mul3A_96 : i32
      %add3A_98 = arith.addi %add3A, %mul3A_97 : i32
      %multiple_of3A_99 = tpu.assume_multiple %add3A_98, 8 : i32
      %dma_wait3A_100 = tpu.memref_slice %arg2[%multiple_of3A_99] : memref<3200000xi32, #tpu.memory_space<hbm>> -> memref<10000xi32, #tpu.memory_space<hbm>>
      %dma_wait3A_101 = tpu.memref_slice %arg2[%multiple_of3A_99] : memref<3200000xi32, #tpu.memory_space<hbm>> -> memref<10000xi32, #tpu.memory_space<hbm>>
      tpu.wait_dma2 semaphore(%arg15 : memref<!tpu.dma_semaphore, #tpu.memory_space<semaphore_mem>>) src(%dma_wait3A_101 : memref<10000xi32, #tpu.memory_space<hbm>>) dst(%arg9 : memref<10000xi32, #tpu.memory_space<vmem>>)
      %mul3A_102 = arith.constant 0 : i32
      %mul3A_103 = arith.constant 160000 : i32
      %mul3A_104 = arith.muli %mul3A_102, %mul3A_103 : i32
      %add3A_105 = arith.addi %add3A, %mul3A_104 : i32
      %multiple_of3A_106 = tpu.assume_multiple %add3A_105, 8 : i32
      %dma_wait3A_107 = tpu.memref_slice %arg3[%multiple_of3A_106] : memref<3200000xi32, #tpu.memory_space<hbm>> -> memref<10000xi32, #tpu.memory_space<hbm>>
      %dma_wait3A_108 = tpu.memref_slice %arg3[%multiple_of3A_106] : memref<3200000xi32, #tpu.memory_space<hbm>> -> memref<10000xi32, #tpu.memory_space<hbm>>
      tpu.wait_dma2 semaphore(%arg15 : memref<!tpu.dma_semaphore, #tpu.memory_space<semaphore_mem>>) src(%dma_wait3A_108 : memref<10000xi32, #tpu.memory_space<hbm>>) dst(%arg10 : memref<10000xi32, #tpu.memory_space<vmem>>)
      %jit3A_109 = arith.constant 2 : i32
      %div3A_110 = arith.divsi %select_n3A, %jit3A_109 : i32
      %sign3A_111 = arith.constant 0 : i32
      %sign3A_112 = arith.cmpi sgt, %select_n3A, %sign3A_111 : i32
      %sign3A_113 = arith.extui %sign3A_112 : i1 to i32
      %sign3A_114 = arith.constant 0 : i32
      %sign3A_115 = arith.cmpi slt, %select_n3A, %sign3A_114 : i32
      %sign3A_116 = arith.extui %sign3A_115 : i1 to i32
      %sign3A_117 = arith.subi %sign3A_113, %sign3A_116 : i32
      %sign3A_118 = arith.constant 0 : i32
      %sign3A_119 = arith.cmpi sgt, %jit3A_109, %sign3A_118 : i32
      %sign3A_120 = arith.extui %sign3A_119 : i1 to i32
      %sign3A_121 = arith.constant 0 : i32
      %sign3A_122 = arith.cmpi slt, %jit3A_109, %sign3A_121 : i32
      %sign3A_123 = arith.extui %sign3A_122 : i1 to i32
      %sign3A_124 = arith.subi %sign3A_120, %sign3A_123 : i32
      %ne3A_125 = arith.cmpi ne, %sign3A_117, %sign3A_124 : i32
      %rem3A_126 = arith.remsi %select_n3A, %jit3A_109 : i32
      %ne3A_127 = arith.constant 0 : i32
      %ne3A_128 = arith.cmpi ne, %rem3A_126, %ne3A_127 : i32
      %and3A_129 = arith.andi %ne3A_125, %ne3A_128 : i1
      %sub3A_130 = arith.constant 1 : i32
      %sub3A_131 = arith.subi %div3A_110, %sub3A_130 : i32
      %select_n3A_132 = arith.select %and3A_129, %sub3A_131, %div3A_110 : i32
      %mul3A_133 = arith.constant 2 : i32
      %mul3A_134 = arith.muli %select_n3A_132, %mul3A_133 : i32
      %add3A_135 = arith.constant 2 : i32
      %add3A_136 = arith.addi %mul3A_64, %add3A_135 : i32
      %lt3A_137 = arith.cmpi slt, %add3A_136, %mul3A_134 : i32
      %convert_element_type3A_138 = arith.extui %lt3A_137 : i1 to i32
      %cond3A_139 = arith.constant 0 : i32
      %cond3A_140 = arith.cmpi ne, %convert_element_type3A_138, %cond3A_139 : i32
      scf.if %cond3A_140 {
        %add3A_145 = arith.constant 2 : i32
        %add3A_146 = arith.addi %mul3A_64, %add3A_145 : i32
        %mul3A_147 = arith.constant 160000 : i32
        %mul3A_148 = arith.muli %add3A_146, %mul3A_147 : i32
        %add3A_149 = arith.addi %add3A, %mul3A_148 : i32
        %multiple_of3A_150 = tpu.assume_multiple %add3A_149, 8 : i32
        %dma_start3A_151 = tpu.memref_slice %arg2[%multiple_of3A_150] : memref<3200000xi32, #tpu.memory_space<hbm>> -> memref<10000xi32, #tpu.memory_space<hbm>>
        %dma_start3A_152 = tpu.memref_slice %arg2[%multiple_of3A_150] : memref<3200000xi32, #tpu.memory_space<hbm>> -> memref<10000xi32, #tpu.memory_space<hbm>>
        tpu.enqueue_dma source(%dma_start3A_152 : memref<10000xi32, #tpu.memory_space<hbm>>) target(%arg7 : memref<10000xi32, #tpu.memory_space<vmem>>) target_semaphore(%arg15 : memref<!tpu.dma_semaphore, #tpu.memory_space<semaphore_mem>>)
        %mul3A_153 = arith.constant 160000 : i32
        %mul3A_154 = arith.muli %add3A_146, %mul3A_153 : i32
        %add3A_155 = arith.addi %add3A, %mul3A_154 : i32
        %multiple_of3A_156 = tpu.assume_multiple %add3A_155, 8 : i32
        %dma_start3A_157 = tpu.memref_slice %arg3[%multiple_of3A_156] : memref<3200000xi32, #tpu.memory_space<hbm>> -> memref<10000xi32, #tpu.memory_space<hbm>>
        %dma_start3A_158 = tpu.memref_slice %arg3[%multiple_of3A_156] : memref<3200000xi32, #tpu.memory_space<hbm>> -> memref<10000xi32, #tpu.memory_space<hbm>>
        tpu.enqueue_dma source(%dma_start3A_158 : memref<10000xi32, #tpu.memory_space<hbm>>) target(%arg8 : memref<10000xi32, #tpu.memory_space<vmem>>) target_semaphore(%arg15 : memref<!tpu.dma_semaphore, #tpu.memory_space<semaphore_mem>>)
      } else {
      }
      %dma_start3A_141 = arith.constant 0 : i32
      %dma_start3A_142 = tpu.memref_slice %arg13[%dma_start3A_141] : memref<100352xf32, #tpu.memory_space<vmem_shared>> -> memref<100352xf32, #tpu.memory_space<vmem_shared>>
      tpu.enqueue_indirect_dma source(%dma_start3A_142 : memref<100352xf32, #tpu.memory_space<vmem_shared>>) target(%arg11 : memref<10000xf32, #tpu.memory_space<vmem>>) offsets(%arg9 : memref<10000xi32, #tpu.memory_space<vmem>>) semaphore(%arg14 : memref<!tpu.dma_semaphore, #tpu.memory_space<semaphore_mem>>)
      %dma_wait3A_143 = arith.constant 0 : i32
      %dma_wait3A_144 = tpu.memref_slice %arg13[%dma_wait3A_143] : memref<100352xf32, #tpu.memory_space<vmem_shared>> -> memref<100352xf32, #tpu.memory_space<vmem_shared>>
      tpu.wait_indirect_dma semaphore(%arg14 : memref<!tpu.dma_semaphore, #tpu.memory_space<semaphore_mem>>) src(%dma_wait3A_144 : memref<100352xf32, #tpu.memory_space<vmem_shared>>) dst(%arg11 : memref<10000xf32, #tpu.memory_space<vmem>>)
      "tpu.region"() ({
        %run_scoped3A = tpu.sem_alloc : memref<!tpu.dma_semaphore, #tpu.memory_space<semaphore_mem>>
        %dma_start3A_145 = arith.constant 0 : i32
        %dma_start3A_146 = tpu.memref_slice %arg12[%dma_start3A_145] : memref<100352xf32, #tpu.memory_space<vmem_shared>> -> memref<100352xf32, #tpu.memory_space<vmem_shared>>
        tpu.enqueue_indirect_dma source(%arg11 : memref<10000xf32, #tpu.memory_space<vmem>>) target(%dma_start3A_146 : memref<100352xf32, #tpu.memory_space<vmem_shared>>) offsets(%arg10 : memref<10000xi32, #tpu.memory_space<vmem>>) semaphore(%run_scoped3A : memref<!tpu.dma_semaphore, #tpu.memory_space<semaphore_mem>>) {add = true}
        %dma_wait3A_147 = arith.constant 0 : i32
        %dma_wait3A_148 = tpu.memref_slice %arg12[%dma_wait3A_147] : memref<100352xf32, #tpu.memory_space<vmem_shared>> -> memref<100352xf32, #tpu.memory_space<vmem_shared>>
        tpu.wait_indirect_dma semaphore(%run_scoped3A : memref<!tpu.dma_semaphore, #tpu.memory_space<semaphore_mem>>) src(%arg11 : memref<10000xf32, #tpu.memory_space<vmem>>) dst(%dma_wait3A_148 : memref<100352xf32, #tpu.memory_space<vmem_shared>>)
        tpu.yield
      }) : () -> ()
    }
    %while3A_40 = arith.constant 1 : i32
    scf.for %while3A_62 = %while3A_38 to %while3A_34 step %while3A_40  : i32 {
      %mul3A_63 = arith.constant 2 : i32
      %mul3A_64 = arith.muli %while3A_62, %mul3A_63 : i32
      %mul3A_65 = arith.constant 0 : i32
      %mul3A_66 = arith.constant 160000 : i32
      %mul3A_67 = arith.muli %mul3A_65, %mul3A_66 : i32
      %add3A_68 = arith.addi %add3A, %mul3A_67 : i32
      %multiple_of3A_69 = tpu.assume_multiple %add3A_68, 8 : i32
      %dma_wait3A = tpu.memref_slice %arg2[%multiple_of3A_69] : memref<3200000xi32, #tpu.memory_space<hbm>> -> memref<10000xi32, #tpu.memory_space<hbm>>
      %dma_wait3A_70 = tpu.memref_slice %arg2[%multiple_of3A_69] : memref<3200000xi32, #tpu.memory_space<hbm>> -> memref<10000xi32, #tpu.memory_space<hbm>>
      tpu.wait_dma2 semaphore(%arg15 : memref<!tpu.dma_semaphore, #tpu.memory_space<semaphore_mem>>) src(%dma_wait3A_70 : memref<10000xi32, #tpu.memory_space<hbm>>) dst(%arg7 : memref<10000xi32, #tpu.memory_space<vmem>>)
      %mul3A_71 = arith.constant 0 : i32
      %mul3A_72 = arith.constant 160000 : i32
      %mul3A_73 = arith.muli %mul3A_71, %mul3A_72 : i32
      %add3A_74 = arith.addi %add3A, %mul3A_73 : i32
      %multiple_of3A_75 = tpu.assume_multiple %add3A_74, 8 : i32
      %dma_wait3A_76 = tpu.memref_slice %arg3[%multiple_of3A_75] : memref<3200000xi32, #tpu.memory_space<hbm>> -> memref<10000xi32, #tpu.memory_space<hbm>>
      %dma_wait3A_77 = tpu.memref_slice %arg3[%multiple_of3A_75] : memref<3200000xi32, #tpu.memory_space<hbm>> -> memref<10000xi32, #tpu.memory_space<hbm>>
      tpu.wait_dma2 semaphore(%arg15 : memref<!tpu.dma_semaphore, #tpu.memory_space<semaphore_mem>>) src(%dma_wait3A_77 : memref<10000xi32, #tpu.memory_space<hbm>>) dst(%arg8 : memref<10000xi32, #tpu.memory_space<vmem>>)
      %add3A_78 = arith.constant 1 : i32
      %add3A_79 = arith.addi %mul3A_64, %add3A_78 : i32
      %mul3A_80 = arith.constant 160000 : i32
      %mul3A_81 = arith.muli %add3A_79, %mul3A_80 : i32
      %add3A_82 = arith.addi %add3A, %mul3A_81 : i32
      %multiple_of3A_83 = tpu.assume_multiple %add3A_82, 8 : i32
      %dma_start3A = tpu.memref_slice %arg2[%multiple_of3A_83] : memref<3200000xi32, #tpu.memory_space<hbm>> -> memref<10000xi32, #tpu.memory_space<hbm>>
      %dma_start3A_84 = tpu.memref_slice %arg2[%multiple_of3A_83] : memref<3200000xi32, #tpu.memory_space<hbm>> -> memref<10000xi32, #tpu.memory_space<hbm>>
      tpu.enqueue_dma source(%dma_start3A_84 : memref<10000xi32, #tpu.memory_space<hbm>>) target(%arg9 : memref<10000xi32, #tpu.memory_space<vmem>>) target_semaphore(%arg15 : memref<!tpu.dma_semaphore, #tpu.memory_space<semaphore_mem>>)
      %mul3A_85 = arith.constant 160000 : i32
      %mul3A_86 = arith.muli %add3A_79, %mul3A_85 : i32
      %add3A_87 = arith.addi %add3A, %mul3A_86 : i32
      %multiple_of3A_88 = tpu.assume_multiple %add3A_87, 8 : i32
      %dma_start3A_89 = tpu.memref_slice %arg3[%multiple_of3A_88] : memref<3200000xi32, #tpu.memory_space<hbm>> -> memref<10000xi32, #tpu.memory_space<hbm>>
      %dma_start3A_90 = tpu.memref_slice %arg3[%multiple_of3A_88] : memref<3200000xi32, #tpu.memory_space<hbm>> -> memref<10000xi32, #tpu.memory_space<hbm>>
      tpu.enqueue_dma source(%dma_start3A_90 : memref<10000xi32, #tpu.memory_space<hbm>>) target(%arg10 : memref<10000xi32, #tpu.memory_space<vmem>>) target_semaphore(%arg15 : memref<!tpu.dma_semaphore, #tpu.memory_space<semaphore_mem>>)
      %dma_start3A_91 = arith.constant 0 : i32
      %dma_start3A_92 = tpu.memref_slice %arg13[%dma_start3A_91] : memref<100352xf32, #tpu.memory_space<vmem_shared>> -> memref<100352xf32, #tpu.memory_space<vmem_shared>>
      tpu.enqueue_indirect_dma source(%dma_start3A_92 : memref<100352xf32, #tpu.memory_space<vmem_shared>>) target(%arg11 : memref<10000xf32, #tpu.memory_space<vmem>>) offsets(%arg7 : memref<10000xi32, #tpu.memory_space<vmem>>) semaphore(%arg14 : memref<!tpu.dma_semaphore, #tpu.memory_space<semaphore_mem>>)
      %dma_wait3A_93 = arith.constant 0 : i32
      %dma_wait3A_94 = tpu.memref_slice %arg13[%dma_wait3A_93] : memref<100352xf32, #tpu.memory_space<vmem_shared>> -> memref<100352xf32, #tpu.memory_space<vmem_shared>>
      tpu.wait_indirect_dma semaphore(%arg14 : memref<!tpu.dma_semaphore, #tpu.memory_space<semaphore_mem>>) src(%dma_wait3A_94 : memref<100352xf32, #tpu.memory_space<vmem_shared>>) dst(%arg11 : memref<10000xf32, #tpu.memory_space<vmem>>)
      "tpu.region"() ({
        %run_scoped3A = tpu.sem_alloc : memref<!tpu.dma_semaphore, #tpu.memory_space<semaphore_mem>>
        %dma_start3A_145 = arith.constant 0 : i32
        %dma_start3A_146 = tpu.memref_slice %arg12[%dma_start3A_145] : memref<100352xf32, #tpu.memory_space<vmem_shared>> -> memref<100352xf32, #tpu.memory_space<vmem_shared>>
        tpu.enqueue_indirect_dma source(%arg11 : memref<10000xf32, #tpu.memory_space<vmem>>) target(%dma_start3A_146 : memref<100352xf32, #tpu.memory_space<vmem_shared>>) offsets(%arg8 : memref<10000xi32, #tpu.memory_space<vmem>>) semaphore(%run_scoped3A : memref<!tpu.dma_semaphore, #tpu.memory_space<semaphore_mem>>) {add = true}
        %dma_wait3A_147 = arith.constant 0 : i32
        %dma_wait3A_148 = tpu.memref_slice %arg12[%dma_wait3A_147] : memref<100352xf32, #tpu.memory_space<vmem_shared>> -> memref<100352xf32, #tpu.memory_space<vmem_shared>>
        tpu.wait_indirect_dma semaphore(%run_scoped3A : memref<!tpu.dma_semaphore, #tpu.memory_space<semaphore_mem>>) src(%arg11 : memref<10000xf32, #tpu.memory_space<vmem>>) dst(%dma_wait3A_148 : memref<100352xf32, #tpu.memory_space<vmem_shared>>)
        tpu.yield
      }) : () -> ()
      %mul3A_95 = arith.constant 0 : i32
      %mul3A_96 = arith.constant 160000 : i32
      %mul3A_97 = arith.muli %mul3A_95, %mul3A_96 : i32
      %add3A_98 = arith.addi %add3A, %mul3A_97 : i32
      %multiple_of3A_99 = tpu.assume_multiple %add3A_98, 8 : i32
      %dma_wait3A_100 = tpu.memref_slice %arg2[%multiple_of3A_99] : memref<3200000xi32, #tpu.memory_space<hbm>> -> memref<10000xi32, #tpu.memory_space<hbm>>
      %dma_wait3A_101 = tpu.memref_slice %arg2[%multiple_of3A_99] : memref<3200000xi32, #tpu.memory_space<hbm>> -> memref<10000xi32, #tpu.memory_space<hbm>>
      tpu.wait_dma2 semaphore(%arg15 : memref<!tpu.dma_semaphore, #tpu.memory_space<semaphore_mem>>) src(%dma_wait3A_101 : memref<10000xi32, #tpu.memory_space<hbm>>) dst(%arg9 : memref<10000xi32, #tpu.memory_space<vmem>>)
      %mul3A_102 = arith.constant 0 : i32
      %mul3A_103 = arith.constant 160000 : i32
      %mul3A_104 = arith.muli %mul3A_102, %mul3A_103 : i32
      %add3A_105 = arith.addi %add3A, %mul3A_104 : i32
      %multiple_of3A_106 = tpu.assume_multiple %add3A_105, 8 : i32
      %dma_wait3A_107 = tpu.memref_slice %arg3[%multiple_of3A_106] : memref<3200000xi32, #tpu.memory_space<hbm>> -> memref<10000xi32, #tpu.memory_space<hbm>>
      %dma_wait3A_108 = tpu.memref_slice %arg3[%multiple_of3A_106] : memref<3200000xi32, #tpu.memory_space<hbm>> -> memref<10000xi32, #tpu.memory_space<hbm>>
      tpu.wait_dma2 semaphore(%arg15 : memref<!tpu.dma_semaphore, #tpu.memory_space<semaphore_mem>>) src(%dma_wait3A_108 : memref<10000xi32, #tpu.memory_space<hbm>>) dst(%arg10 : memref<10000xi32, #tpu.memory_space<vmem>>)
      %jit3A_109 = arith.constant 2 : i32
      %div3A_110 = arith.divsi %select_n3A, %jit3A_109 : i32
      %sign3A_111 = arith.constant 0 : i32
      %sign3A_112 = arith.cmpi sgt, %select_n3A, %sign3A_111 : i32
      %sign3A_113 = arith.extui %sign3A_112 : i1 to i32
      %sign3A_114 = arith.constant 0 : i32
      %sign3A_115 = arith.cmpi slt, %select_n3A, %sign3A_114 : i32
      %sign3A_116 = arith.extui %sign3A_115 : i1 to i32
      %sign3A_117 = arith.subi %sign3A_113, %sign3A_116 : i32
      %sign3A_118 = arith.constant 0 : i32
      %sign3A_119 = arith.cmpi sgt, %jit3A_109, %sign3A_118 : i32
      %sign3A_120 = arith.extui %sign3A_119 : i1 to i32
      %sign3A_121 = arith.constant 0 : i32
      %sign3A_122 = arith.cmpi slt, %jit3A_109, %sign3A_121 : i32
      %sign3A_123 = arith.extui %sign3A_122 : i1 to i32
      %sign3A_124 = arith.subi %sign3A_120, %sign3A_123 : i32
      %ne3A_125 = arith.cmpi ne, %sign3A_117, %sign3A_124 : i32
      %rem3A_126 = arith.remsi %select_n3A, %jit3A_109 : i32
      %ne3A_127 = arith.constant 0 : i32
      %ne3A_128 = arith.cmpi ne, %rem3A_126, %ne3A_127 : i32
      %and3A_129 = arith.andi %ne3A_125, %ne3A_128 : i1
      %sub3A_130 = arith.constant 1 : i32
      %sub3A_131 = arith.subi %div3A_110, %sub3A_130 : i32
      %select_n3A_132 = arith.select %and3A_129, %sub3A_131, %div3A_110 : i32
      %mul3A_133 = arith.constant 2 : i32
      %mul3A_134 = arith.muli %select_n3A_132, %mul3A_133 : i32
      %add3A_135 = arith.constant 2 : i32
      %add3A_136 = arith.addi %mul3A_64, %add3A_135 : i32
      %lt3A_137 = arith.cmpi slt, %add3A_136, %mul3A_134 : i32
      %convert_element_type3A_138 = arith.extui %lt3A_137 : i1 to i32
      %cond3A_139 = arith.constant 0 : i32
      %cond3A_140 = arith.cmpi ne, %convert_element_type3A_138, %cond3A_139 : i32
      scf.if %cond3A_140 {
        %add3A_145 = arith.constant 2 : i32
        %add3A_146 = arith.addi %mul3A_64, %add3A_145 : i32
        %mul3A_147 = arith.constant 160000 : i32
        %mul3A_148 = arith.muli %add3A_146, %mul3A_147 : i32
        %add3A_149 = arith.addi %add3A, %mul3A_148 : i32
        %multiple_of3A_150 = tpu.assume_multiple %add3A_149, 8 : i32
        %dma_start3A_151 = tpu.memref_slice %arg2[%multiple_of3A_150] : memref<3200000xi32, #tpu.memory_space<hbm>> -> memref<10000xi32, #tpu.memory_space<hbm>>
        %dma_start3A_152 = tpu.memref_slice %arg2[%multiple_of3A_150] : memref<3200000xi32, #tpu.memory_space<hbm>> -> memref<10000xi32, #tpu.memory_space<hbm>>
        tpu.enqueue_dma source(%dma_start3A_152 : memref<10000xi32, #tpu.memory_space<hbm>>) target(%arg7 : memref<10000xi32, #tpu.memory_space<vmem>>) target_semaphore(%arg15 : memref<!tpu.dma_semaphore, #tpu.memory_space<semaphore_mem>>)
        %mul3A_153 = arith.constant 160000 : i32
        %mul3A_154 = arith.muli %add3A_146, %mul3A_153 : i32
        %add3A_155 = arith.addi %add3A, %mul3A_154 : i32
        %multiple_of3A_156 = tpu.assume_multiple %add3A_155, 8 : i32
        %dma_start3A_157 = tpu.memref_slice %arg3[%multiple_of3A_156] : memref<3200000xi32, #tpu.memory_space<hbm>> -> memref<10000xi32, #tpu.memory_space<hbm>>
        %dma_start3A_158 = tpu.memref_slice %arg3[%multiple_of3A_156] : memref<3200000xi32, #tpu.memory_space<hbm>> -> memref<10000xi32, #tpu.memory_space<hbm>>
        tpu.enqueue_dma source(%dma_start3A_158 : memref<10000xi32, #tpu.memory_space<hbm>>) target(%arg8 : memref<10000xi32, #tpu.memory_space<vmem>>) target_semaphore(%arg15 : memref<!tpu.dma_semaphore, #tpu.memory_space<semaphore_mem>>)
      } else {
      }
      %dma_start3A_141 = arith.constant 0 : i32
      %dma_start3A_142 = tpu.memref_slice %arg13[%dma_start3A_141] : memref<100352xf32, #tpu.memory_space<vmem_shared>> -> memref<100352xf32, #tpu.memory_space<vmem_shared>>
      tpu.enqueue_indirect_dma source(%dma_start3A_142 : memref<100352xf32, #tpu.memory_space<vmem_shared>>) target(%arg11 : memref<10000xf32, #tpu.memory_space<vmem>>) offsets(%arg9 : memref<10000xi32, #tpu.memory_space<vmem>>) semaphore(%arg14 : memref<!tpu.dma_semaphore, #tpu.memory_space<semaphore_mem>>)
      %dma_wait3A_143 = arith.constant 0 : i32
      %dma_wait3A_144 = tpu.memref_slice %arg13[%dma_wait3A_143] : memref<100352xf32, #tpu.memory_space<vmem_shared>> -> memref<100352xf32, #tpu.memory_space<vmem_shared>>
      tpu.wait_indirect_dma semaphore(%arg14 : memref<!tpu.dma_semaphore, #tpu.memory_space<semaphore_mem>>) src(%dma_wait3A_144 : memref<100352xf32, #tpu.memory_space<vmem_shared>>) dst(%arg11 : memref<10000xf32, #tpu.memory_space<vmem>>)
      "tpu.region"() ({
        %run_scoped3A = tpu.sem_alloc : memref<!tpu.dma_semaphore, #tpu.memory_space<semaphore_mem>>
        %dma_start3A_145 = arith.constant 0 : i32
        %dma_start3A_146 = tpu.memref_slice %arg12[%dma_start3A_145] : memref<100352xf32, #tpu.memory_space<vmem_shared>> -> memref<100352xf32, #tpu.memory_space<vmem_shared>>
        tpu.enqueue_indirect_dma source(%arg11 : memref<10000xf32, #tpu.memory_space<vmem>>) target(%dma_start3A_146 : memref<100352xf32, #tpu.memory_space<vmem_shared>>) offsets(%arg10 : memref<10000xi32, #tpu.memory_space<vmem>>) semaphore(%run_scoped3A : memref<!tpu.dma_semaphore, #tpu.memory_space<semaphore_mem>>) {add = true}
        %dma_wait3A_147 = arith.constant 0 : i32
        %dma_wait3A_148 = tpu.memref_slice %arg12[%dma_wait3A_147] : memref<100352xf32, #tpu.memory_space<vmem_shared>> -> memref<100352xf32, #tpu.memory_space<vmem_shared>>
        tpu.wait_indirect_dma semaphore(%run_scoped3A : memref<!tpu.dma_semaphore, #tpu.memory_space<semaphore_mem>>) src(%arg11 : memref<10000xf32, #tpu.memory_space<vmem>>) dst(%dma_wait3A_148 : memref<100352xf32, #tpu.memory_space<vmem_shared>>)
        tpu.yield
      }) : () -> ()
    }
    %jit3A_41 = arith.constant 2 : i32
    %eq3A_42 = arith.constant 0 : i32
    %eq3A_43 = arith.cmpi eq, %jit3A_41, %eq3A_42 : i32
    %jit3A_44 = arith.constant 1 : i32
    %select_n3A_45 = arith.select %eq3A_43, %jit3A_44, %jit3A_41 : i32
    %rem3A_46 = arith.remsi %select_n3A, %select_n3A_45 : i32
    %ne3A_47 = arith.constant 0 : i32
    %ne3A_48 = arith.cmpi ne, %rem3A_46, %ne3A_47 : i32
    %lt3A = arith.constant 0 : i32
    %lt3A_49 = arith.cmpi slt, %rem3A_46, %lt3A : i32
    %lt3A_50 = arith.constant 0 : i32
    %lt3A_51 = arith.cmpi slt, %select_n3A_45, %lt3A_50 : i32
    %ne3A_52 = arith.xori %lt3A_49, %lt3A_51 : i1
    %and3A_53 = arith.andi %ne3A_52, %ne3A_48 : i1
    %add3A_54 = arith.addi %rem3A_46, %select_n3A_45 : i32
    %select_n3A_55 = arith.select %and3A_53, %add3A_54, %rem3A_46 : i32
    %eq3A_56 = arith.constant 1 : i32
    %eq3A_57 = arith.cmpi eq, %select_n3A_55, %eq3A_56 : i32
    %convert_element_type3A_58 = arith.extui %eq3A_57 : i1 to i32
    %cond3A_59 = arith.constant 0 : i32
    %cond3A_60 = arith.cmpi ne, %convert_element_type3A_58, %cond3A_59 : i32
    scf.if %cond3A_60 {
      %sub3A_62 = arith.constant 1 : i32
      %sub3A_63 = arith.subi %select_n3A, %sub3A_62 : i32
      %mul3A_64 = arith.constant 160000 : i32
      %mul3A_65 = arith.muli %sub3A_63, %mul3A_64 : i32
      %add3A_66 = arith.addi %add3A, %mul3A_65 : i32
      %multiple_of3A_67 = tpu.assume_multiple %add3A_66, 8 : i32
      "tpu.region"() ({
        %run_scoped3A = tpu.sem_alloc : memref<!tpu.dma_semaphore, #tpu.memory_space<semaphore_mem>>
        %dma_start3A_74 = tpu.memref_slice %arg2[%multiple_of3A_67] : memref<3200000xi32, #tpu.memory_space<hbm>> -> memref<10000xi32, #tpu.memory_space<hbm>>
        %dma_start3A_75 = tpu.memref_slice %arg2[%multiple_of3A_67] : memref<3200000xi32, #tpu.memory_space<hbm>> -> memref<10000xi32, #tpu.memory_space<hbm>>
        tpu.enqueue_dma source(%dma_start3A_75 : memref<10000xi32, #tpu.memory_space<hbm>>) target(%arg7 : memref<10000xi32, #tpu.memory_space<vmem>>) target_semaphore(%run_scoped3A : memref<!tpu.dma_semaphore, #tpu.memory_space<semaphore_mem>>)
        %dma_wait3A_76 = tpu.memref_slice %arg2[%multiple_of3A_67] : memref<3200000xi32, #tpu.memory_space<hbm>> -> memref<10000xi32, #tpu.memory_space<hbm>>
        %dma_wait3A_77 = tpu.memref_slice %arg2[%multiple_of3A_67] : memref<3200000xi32, #tpu.memory_space<hbm>> -> memref<10000xi32, #tpu.memory_space<hbm>>
        tpu.wait_dma2 semaphore(%run_scoped3A : memref<!tpu.dma_semaphore, #tpu.memory_space<semaphore_mem>>) src(%dma_wait3A_77 : memref<10000xi32, #tpu.memory_space<hbm>>) dst(%arg7 : memref<10000xi32, #tpu.memory_space<vmem>>)
        tpu.yield
      }) : () -> ()
      %mul3A_68 = arith.constant 160000 : i32
      %mul3A_69 = arith.muli %sub3A_63, %mul3A_68 : i32
      %add3A_70 = arith.addi %add3A, %mul3A_69 : i32
      %multiple_of3A_71 = tpu.assume_multiple %add3A_70, 8 : i32
      "tpu.region"() ({
        %run_scoped3A = tpu.sem_alloc : memref<!tpu.dma_semaphore, #tpu.memory_space<semaphore_mem>>
        %dma_start3A_74 = tpu.memref_slice %arg3[%multiple_of3A_71] : memref<3200000xi32, #tpu.memory_space<hbm>> -> memref<10000xi32, #tpu.memory_space<hbm>>
        %dma_start3A_75 = tpu.memref_slice %arg3[%multiple_of3A_71] : memref<3200000xi32, #tpu.memory_space<hbm>> -> memref<10000xi32, #tpu.memory_space<hbm>>
        tpu.enqueue_dma source(%dma_start3A_75 : memref<10000xi32, #tpu.memory_space<hbm>>) target(%arg8 : memref<10000xi32, #tpu.memory_space<vmem>>) target_semaphore(%run_scoped3A : memref<!tpu.dma_semaphore, #tpu.memory_space<semaphore_mem>>)
        %dma_wait3A_76 = tpu.memref_slice %arg3[%multiple_of3A_71] : memref<3200000xi32, #tpu.memory_space<hbm>> -> memref<10000xi32, #tpu.memory_space<hbm>>
        %dma_wait3A_77 = tpu.memref_slice %arg3[%multiple_of3A_71] : memref<3200000xi32, #tpu.memory_space<hbm>> -> memref<10000xi32, #tpu.memory_space<hbm>>
        tpu.wait_dma2 semaphore(%run_scoped3A : memref<!tpu.dma_semaphore, #tpu.memory_space<semaphore_mem>>) src(%dma_wait3A_77 : memref<10000xi32, #tpu.memory_space<hbm>>) dst(%arg8 : memref<10000xi32, #tpu.memory_space<vmem>>)
        tpu.yield
      }) : () -> ()
      %dma_start3A = arith.constant 0 : i32
      %dma_start3A_72 = tpu.memref_slice %arg13[%dma_start3A] : memref<100352xf32, #tpu.memory_space<vmem_shared>> -> memref<100352xf32, #tpu.memory_space<vmem_shared>>
      tpu.enqueue_indirect_dma source(%dma_start3A_72 : memref<100352xf32, #tpu.memory_space<vmem_shared>>) target(%arg11 : memref<10000xf32, #tpu.memory_space<vmem>>) offsets(%arg7 : memref<10000xi32, #tpu.memory_space<vmem>>) semaphore(%arg14 : memref<!tpu.dma_semaphore, #tpu.memory_space<semaphore_mem>>)
      %dma_wait3A = arith.constant 0 : i32
      %dma_wait3A_73 = tpu.memref_slice %arg13[%dma_wait3A] : memref<100352xf32, #tpu.memory_space<vmem_shared>> -> memref<100352xf32, #tpu.memory_space<vmem_shared>>
      tpu.wait_indirect_dma semaphore(%arg14 : memref<!tpu.dma_semaphore, #tpu.memory_space<semaphore_mem>>) src(%dma_wait3A_73 : memref<100352xf32, #tpu.memory_space<vmem_shared>>) dst(%arg11 : memref<10000xf32, #tpu.memory_space<vmem>>)
      "tpu.region"() ({
        %run_scoped3A = tpu.sem_alloc : memref<!tpu.dma_semaphore, #tpu.memory_space<semaphore_mem>>
        %dma_start3A_74 = arith.constant 0 : i32
        %dma_start3A_75 = tpu.memref_slice %arg12[%dma_start3A_74] : memref<100352xf32, #tpu.memory_space<vmem_shared>> -> memref<100352xf32, #tpu.memory_space<vmem_shared>>
        tpu.enqueue_indirect_dma source(%arg11 : memref<10000xf32, #tpu.memory_space<vmem>>) target(%dma_start3A_75 : memref<100352xf32, #tpu.memory_space<vmem_shared>>) offsets(%arg8 : memref<10000xi32, #tpu.memory_space<vmem>>) semaphore(%run_scoped3A : memref<!tpu.dma_semaphore, #tpu.memory_space<semaphore_mem>>) {add = true}
        %dma_wait3A_76 = arith.constant 0 : i32
        %dma_wait3A_77 = tpu.memref_slice %arg12[%dma_wait3A_76] : memref<100352xf32, #tpu.memory_space<vmem_shared>> -> memref<100352xf32, #tpu.memory_space<vmem_shared>>
        tpu.wait_indirect_dma semaphore(%run_scoped3A : memref<!tpu.dma_semaphore, #tpu.memory_space<semaphore_mem>>) src(%arg11 : memref<10000xf32, #tpu.memory_space<vmem>>) dst(%dma_wait3A_77 : memref<100352xf32, #tpu.memory_space<vmem_shared>>)
        tpu.yield
      }) : () -> ()
    } else {
    }
    %barrier3A_61 = arith.constant 0 : index
    tpu.barrier barrier_id(%barrier3A_61)
    "tpu.region"() ({
      %run_scoped3A = tpu.sem_alloc : memref<!tpu.dma_semaphore, #tpu.memory_space<semaphore_mem>>
      %dma_start3A = tpu.memref_slice %arg6[%arg0, %multiple_of3A] : memref<2x100352xf32, #tpu.memory_space<hbm>> -> memref<1x6272xf32, #tpu.memory_space<hbm>>
      %dma_start3A_62 = tpu.memref_squeeze %dma_start3A : memref<1x6272xf32, #tpu.memory_space<hbm>> -> memref<6272xf32, #tpu.memory_space<hbm>>
      %dma_start3A_63 = tpu.memref_slice %arg12[%multiple_of3A] : memref<100352xf32, #tpu.memory_space<vmem_shared>> -> memref<6272xf32, #tpu.memory_space<vmem_shared>>
      tpu.enqueue_dma source(%dma_start3A_63 : memref<6272xf32, #tpu.memory_space<vmem_shared>>) target(%dma_start3A_62 : memref<6272xf32, #tpu.memory_space<hbm>>) target_semaphore(%run_scoped3A : memref<!tpu.dma_semaphore, #tpu.memory_space<semaphore_mem>>)
      %dma_wait3A = tpu.memref_slice %arg6[%arg0, %multiple_of3A] : memref<2x100352xf32, #tpu.memory_space<hbm>> -> memref<1x6272xf32, #tpu.memory_space<hbm>>
      %dma_wait3A_64 = tpu.memref_squeeze %dma_wait3A : memref<1x6272xf32, #tpu.memory_space<hbm>> -> memref<6272xf32, #tpu.memory_space<hbm>>
      %dma_wait3A_65 = tpu.memref_slice %arg12[%multiple_of3A] : memref<100352xf32, #tpu.memory_space<vmem_shared>> -> memref<6272xf32, #tpu.memory_space<vmem_shared>>
      tpu.wait_dma2 semaphore(%run_scoped3A : memref<!tpu.dma_semaphore, #tpu.memory_space<semaphore_mem>>) src(%dma_wait3A_65 : memref<6272xf32, #tpu.memory_space<vmem_shared>>) dst(%dma_wait3A_64 : memref<6272xf32, #tpu.memory_space<hbm>>)
      tpu.yield
    }) : () -> ()
    return
  }
}

#map = affine_map<(d0, d1) -> (0)>
#map1 = affine_map<(d0, d1) -> (0, 0)>
module attributes {stable_mosaic.version = 14 : i64} {
  func.func @k(%arg0: i32, %arg1: i32, %arg2: memref<3200000xi32, #tpu.memory_space<hbm>>, %arg3: memref<3200000xi32, #tpu.memory_space<hbm>>, %arg4: memref<100352xf32, #tpu.memory_space<hbm>>, %arg5: memref<100352xf32, #tpu.memory_space<hbm>>, %arg6: memref<2x100352xf32, #tpu.memory_space<hbm>>, %arg7: memref<10000xi32, #tpu.memory_space<vmem>>, %arg8: memref<10000xi32, #tpu.memory_space<vmem>>, %arg9: memref<10000xi32, #tpu.memory_space<vmem>>, %arg10: memref<10000xi32, #tpu.memory_space<vmem>>, %arg11: memref<10000xf32, #tpu.memory_space<vmem>>, %arg12: memref<100352xf32, #tpu.memory_space<vmem_shared>>, %arg13: memref<100352xf32, #tpu.memory_space<vmem_shared>>, %arg14: memref<!tpu.dma_semaphore, #tpu.memory_space<semaphore_mem>>, %arg15: memref<!tpu.dma_semaphore, #tpu.memory_space<semaphore_mem>>) attributes {dimension_semantics = [#tpu.dimension_semantics<core_parallel>, #tpu.dimension_semantics<subcore_parallel>], iteration_bounds = array<i64: 2, 16>, scalar_prefetch = 0 : i64, scratch_operands = 9 : i64, tpu.core_type = #tpu.core_type<sc_vector_subcore>, window_params = [{transform_indices = #map}, {transform_indices = #map}, {transform_indices = #map}, {transform_indices = #map}, {transform_indices = #map1}]} {
    %mul3A = arith.constant 6272 : i32
    %mul3A_0 = arith.muli %arg1, %mul3A : i32
    %multiple_of3A = tpu.assume_multiple %mul3A_0, 8 : i32
    "tpu.region"() ({
      %run_scoped3A = tpu.sem_alloc : memref<!tpu.dma_semaphore, #tpu.memory_space<semaphore_mem>>
      %dma_start3A = tpu.memref_slice %arg13[%multiple_of3A] : memref<100352xf32, #tpu.memory_space<vmem_shared>> -> memref<6272xf32, #tpu.memory_space<vmem_shared>>
      %dma_start3A_62 = tpu.memref_slice %arg4[%multiple_of3A] : memref<100352xf32, #tpu.memory_space<hbm>> -> memref<6272xf32, #tpu.memory_space<hbm>>
      tpu.enqueue_dma source(%dma_start3A_62 : memref<6272xf32, #tpu.memory_space<hbm>>) target(%dma_start3A : memref<6272xf32, #tpu.memory_space<vmem_shared>>) target_semaphore(%run_scoped3A : memref<!tpu.dma_semaphore, #tpu.memory_space<semaphore_mem>>)
      %dma_wait3A = tpu.memref_slice %arg13[%multiple_of3A] : memref<100352xf32, #tpu.memory_space<vmem_shared>> -> memref<6272xf32, #tpu.memory_space<vmem_shared>>
      %dma_wait3A_63 = tpu.memref_slice %arg4[%multiple_of3A] : memref<100352xf32, #tpu.memory_space<hbm>> -> memref<6272xf32, #tpu.memory_space<hbm>>
      tpu.wait_dma2 semaphore(%run_scoped3A : memref<!tpu.dma_semaphore, #tpu.memory_space<semaphore_mem>>) src(%dma_wait3A_63 : memref<6272xf32, #tpu.memory_space<hbm>>) dst(%dma_wait3A : memref<6272xf32, #tpu.memory_space<vmem_shared>>)
      tpu.yield
    }) : () -> ()
    "tpu.region"() ({
      %run_scoped3A = tpu.sem_alloc : memref<!tpu.dma_semaphore, #tpu.memory_space<semaphore_mem>>
      %dma_start3A = tpu.memref_slice %arg12[%multiple_of3A] : memref<100352xf32, #tpu.memory_space<vmem_shared>> -> memref<6272xf32, #tpu.memory_space<vmem_shared>>
      %dma_start3A_62 = tpu.memref_slice %arg5[%multiple_of3A] : memref<100352xf32, #tpu.memory_space<hbm>> -> memref<6272xf32, #tpu.memory_space<hbm>>
      tpu.enqueue_dma source(%dma_start3A_62 : memref<6272xf32, #tpu.memory_space<hbm>>) target(%dma_start3A : memref<6272xf32, #tpu.memory_space<vmem_shared>>) target_semaphore(%run_scoped3A : memref<!tpu.dma_semaphore, #tpu.memory_space<semaphore_mem>>)
      %dma_wait3A = tpu.memref_slice %arg12[%multiple_of3A] : memref<100352xf32, #tpu.memory_space<vmem_shared>> -> memref<6272xf32, #tpu.memory_space<vmem_shared>>
      %dma_wait3A_63 = tpu.memref_slice %arg5[%multiple_of3A] : memref<100352xf32, #tpu.memory_space<hbm>> -> memref<6272xf32, #tpu.memory_space<hbm>>
      tpu.wait_dma2 semaphore(%run_scoped3A : memref<!tpu.dma_semaphore, #tpu.memory_space<semaphore_mem>>) src(%dma_wait3A_63 : memref<6272xf32, #tpu.memory_space<hbm>>) dst(%dma_wait3A : memref<6272xf32, #tpu.memory_space<vmem_shared>>)
      tpu.yield
    }) : () -> ()
    %barrier3A = arith.constant 0 : index
    tpu.barrier barrier_id(%barrier3A)
    %eq3A = arith.constant 0 : i32
    %eq3A_1 = arith.cmpi eq, %arg0, %eq3A : i32
    %jit3A = arith.constant 10 : i32
    %jit3A_2 = arith.constant 10 : i32
    %select_n3A = arith.select %eq3A_1, %jit3A, %jit3A_2 : i32
    %eq3A_3 = arith.constant 0 : i32
    %eq3A_4 = arith.cmpi eq, %arg0, %eq3A_3 : i32
    %jit3A_5 = arith.constant 0 : i32
    %jit3A_6 = arith.constant 10 : i32
    %select_n3A_7 = arith.select %eq3A_4, %jit3A_5, %jit3A_6 : i32
    %mul3A_8 = arith.constant 160000 : i32
    %mul3A_9 = arith.muli %select_n3A_7, %mul3A_8 : i32
    %mul3A_10 = arith.constant 10000 : i32
    %mul3A_11 = arith.muli %arg1, %mul3A_10 : i32
    %add3A = arith.addi %mul3A_9, %mul3A_11 : i32
    %ge3A = arith.constant 2 : i32
    %ge3A_12 = arith.cmpi sge, %select_n3A, %ge3A : i32
    %convert_element_type3A = arith.extui %ge3A_12 : i1 to i32
    %cond3A = arith.constant 0 : i32
    %cond3A_13 = arith.cmpi ne, %convert_element_type3A, %cond3A : i32
    scf.if %cond3A_13 {
      %mul3A_62 = arith.constant 0 : i32
      %mul3A_63 = arith.constant 160000 : i32
      %mul3A_64 = arith.muli %mul3A_62, %mul3A_63 : i32
      %add3A_65 = arith.addi %add3A, %mul3A_64 : i32
      %multiple_of3A_66 = tpu.assume_multiple %add3A_65, 8 : i32
      %dma_start3A = tpu.memref_slice %arg2[%multiple_of3A_66] : memref<3200000xi32, #tpu.memory_space<hbm>> -> memref<10000xi32, #tpu.memory_space<hbm>>
      %dma_start3A_67 = tpu.memref_slice %arg2[%multiple_of3A_66] : memref<3200000xi32, #tpu.memory_space<hbm>> -> memref<10000xi32, #tpu.memory_space<hbm>>
      tpu.enqueue_dma source(%dma_start3A_67 : memref<10000xi32, #tpu.memory_space<hbm>>) target(%arg7 : memref<10000xi32, #tpu.memory_space<vmem>>) target_semaphore(%arg15 : memref<!tpu.dma_semaphore, #tpu.memory_space<semaphore_mem>>)
      %mul3A_68 = arith.constant 0 : i32
      %mul3A_69 = arith.constant 160000 : i32
      %mul3A_70 = arith.muli %mul3A_68, %mul3A_69 : i32
      %add3A_71 = arith.addi %add3A, %mul3A_70 : i32
      %multiple_of3A_72 = tpu.assume_multiple %add3A_71, 8 : i32
      %dma_start3A_73 = tpu.memref_slice %arg3[%multiple_of3A_72] : memref<3200000xi32, #tpu.memory_space<hbm>> -> memref<10000xi32, #tpu.memory_space<hbm>>
      %dma_start3A_74 = tpu.memref_slice %arg3[%multiple_of3A_72] : memref<3200000xi32, #tpu.memory_space<hbm>> -> memref<10000xi32, #tpu.memory_space<hbm>>
      tpu.enqueue_dma source(%dma_start3A_74 : memref<10000xi32, #tpu.memory_space<hbm>>) target(%arg8 : memref<10000xi32, #tpu.memory_space<vmem>>) target_semaphore(%arg15 : memref<!tpu.dma_semaphore, #tpu.memory_space<semaphore_mem>>)
    } else {
    }
    %jit3A_14 = arith.constant 2 : i32
    %div3A = arith.divsi %select_n3A, %jit3A_14 : i32
    %sign3A = arith.constant 0 : i32
    %sign3A_15 = arith.cmpi sgt, %select_n3A, %sign3A : i32
    %sign3A_16 = arith.extui %sign3A_15 : i1 to i32
    %sign3A_17 = arith.constant 0 : i32
    %sign3A_18 = arith.cmpi slt, %select_n3A, %sign3A_17 : i32
    %sign3A_19 = arith.extui %sign3A_18 : i1 to i32
    %sign3A_20 = arith.subi %sign3A_16, %sign3A_19 : i32
    %sign3A_21 = arith.constant 0 : i32
    %sign3A_22 = arith.cmpi sgt, %jit3A_14, %sign3A_21 : i32
    %sign3A_23 = arith.extui %sign3A_22 : i1 to i32
    %sign3A_24 = arith.constant 0 : i32
    %sign3A_25 = arith.cmpi slt, %jit3A_14, %sign3A_24 : i32
    %sign3A_26 = arith.extui %sign3A_25 : i1 to i32
    %sign3A_27 = arith.subi %sign3A_23, %sign3A_26 : i32
    %ne3A = arith.cmpi ne, %sign3A_20, %sign3A_27 : i32
    %rem3A = arith.remsi %select_n3A, %jit3A_14 : i32
    %ne3A_28 = arith.constant 0 : i32
    %ne3A_29 = arith.cmpi ne, %rem3A, %ne3A_28 : i32
    %and3A = arith.andi %ne3A, %ne3A_29 : i1
    %sub3A = arith.constant 1 : i32
    %sub3A_30 = arith.subi %div3A, %sub3A : i32
    %select_n3A_31 = arith.select %and3A, %sub3A_30, %div3A : i32
    %while3A = arith.constant 0 : i32
    %while3A_32 = arith.constant 0 : i32
    %while3A_33 = arith.subi %select_n3A_31, %while3A_32 : i32
    %while3A_34 = arith.addi %while3A_32, %while3A_33 : i32
    %while3A_35 = arith.constant 1 : i32
    %while3A_36 = arith.divsi %while3A_33, %while3A_35 : i32
    %while3A_37 = arith.muli %while3A_36, %while3A_35 : i32
    %while3A_38 = arith.addi %while3A_32, %while3A_37 : i32
    %while3A_39 = arith.constant 1 : i32
    scf.for %while3A_62 = %while3A_32 to %while3A_38 step %while3A_39  : i32 {
      %mul3A_63 = arith.constant 2 : i32
      %mul3A_64 = arith.muli %while3A_62, %mul3A_63 : i32
      %mul3A_65 = arith.constant 0 : i32
      %mul3A_66 = arith.constant 160000 : i32
      %mul3A_67 = arith.muli %mul3A_65, %mul3A_66 : i32
      %add3A_68 = arith.addi %add3A, %mul3A_67 : i32
      %multiple_of3A_69 = tpu.assume_multiple %add3A_68, 8 : i32
      %dma_wait3A = tpu.memref_slice %arg2[%multiple_of3A_69] : memref<3200000xi32, #tpu.memory_space<hbm>> -> memref<10000xi32, #tpu.memory_space<hbm>>
      %dma_wait3A_70 = tpu.memref_slice %arg2[%multiple_of3A_69] : memref<3200000xi32, #tpu.memory_space<hbm>> -> memref<10000xi32, #tpu.memory_space<hbm>>
      tpu.wait_dma2 semaphore(%arg15 : memref<!tpu.dma_semaphore, #tpu.memory_space<semaphore_mem>>) src(%dma_wait3A_70 : memref<10000xi32, #tpu.memory_space<hbm>>) dst(%arg7 : memref<10000xi32, #tpu.memory_space<vmem>>)
      %mul3A_71 = arith.constant 0 : i32
      %mul3A_72 = arith.constant 160000 : i32
      %mul3A_73 = arith.muli %mul3A_71, %mul3A_72 : i32
      %add3A_74 = arith.addi %add3A, %mul3A_73 : i32
      %multiple_of3A_75 = tpu.assume_multiple %add3A_74, 8 : i32
      %dma_wait3A_76 = tpu.memref_slice %arg3[%multiple_of3A_75] : memref<3200000xi32, #tpu.memory_space<hbm>> -> memref<10000xi32, #tpu.memory_space<hbm>>
      %dma_wait3A_77 = tpu.memref_slice %arg3[%multiple_of3A_75] : memref<3200000xi32, #tpu.memory_space<hbm>> -> memref<10000xi32, #tpu.memory_space<hbm>>
      tpu.wait_dma2 semaphore(%arg15 : memref<!tpu.dma_semaphore, #tpu.memory_space<semaphore_mem>>) src(%dma_wait3A_77 : memref<10000xi32, #tpu.memory_space<hbm>>) dst(%arg8 : memref<10000xi32, #tpu.memory_space<vmem>>)
      %add3A_78 = arith.constant 1 : i32
      %add3A_79 = arith.addi %mul3A_64, %add3A_78 : i32
      %mul3A_80 = arith.constant 160000 : i32
      %mul3A_81 = arith.muli %add3A_79, %mul3A_80 : i32
      %add3A_82 = arith.addi %add3A, %mul3A_81 : i32
      %multiple_of3A_83 = tpu.assume_multiple %add3A_82, 8 : i32
      %dma_start3A = tpu.memref_slice %arg2[%multiple_of3A_83] : memref<3200000xi32, #tpu.memory_space<hbm>> -> memref<10000xi32, #tpu.memory_space<hbm>>
      %dma_start3A_84 = tpu.memref_slice %arg2[%multiple_of3A_83] : memref<3200000xi32, #tpu.memory_space<hbm>> -> memref<10000xi32, #tpu.memory_space<hbm>>
      tpu.enqueue_dma source(%dma_start3A_84 : memref<10000xi32, #tpu.memory_space<hbm>>) target(%arg9 : memref<10000xi32, #tpu.memory_space<vmem>>) target_semaphore(%arg15 : memref<!tpu.dma_semaphore, #tpu.memory_space<semaphore_mem>>)
      %mul3A_85 = arith.constant 160000 : i32
      %mul3A_86 = arith.muli %add3A_79, %mul3A_85 : i32
      %add3A_87 = arith.addi %add3A, %mul3A_86 : i32
      %multiple_of3A_88 = tpu.assume_multiple %add3A_87, 8 : i32
      %dma_start3A_89 = tpu.memref_slice %arg3[%multiple_of3A_88] : memref<3200000xi32, #tpu.memory_space<hbm>> -> memref<10000xi32, #tpu.memory_space<hbm>>
      %dma_start3A_90 = tpu.memref_slice %arg3[%multiple_of3A_88] : memref<3200000xi32, #tpu.memory_space<hbm>> -> memref<10000xi32, #tpu.memory_space<hbm>>
      tpu.enqueue_dma source(%dma_start3A_90 : memref<10000xi32, #tpu.memory_space<hbm>>) target(%arg10 : memref<10000xi32, #tpu.memory_space<vmem>>) target_semaphore(%arg15 : memref<!tpu.dma_semaphore, #tpu.memory_space<semaphore_mem>>)
      %dma_start3A_91 = arith.constant 0 : i32
      %dma_start3A_92 = tpu.memref_slice %arg13[%dma_start3A_91] : memref<100352xf32, #tpu.memory_space<vmem_shared>> -> memref<100352xf32, #tpu.memory_space<vmem_shared>>
      tpu.enqueue_indirect_dma source(%dma_start3A_92 : memref<100352xf32, #tpu.memory_space<vmem_shared>>) target(%arg11 : memref<10000xf32, #tpu.memory_space<vmem>>) offsets(%arg7 : memref<10000xi32, #tpu.memory_space<vmem>>) semaphore(%arg14 : memref<!tpu.dma_semaphore, #tpu.memory_space<semaphore_mem>>)
      %dma_wait3A_93 = arith.constant 0 : i32
      %dma_wait3A_94 = tpu.memref_slice %arg13[%dma_wait3A_93] : memref<100352xf32, #tpu.memory_space<vmem_shared>> -> memref<100352xf32, #tpu.memory_space<vmem_shared>>
      tpu.wait_indirect_dma semaphore(%arg14 : memref<!tpu.dma_semaphore, #tpu.memory_space<semaphore_mem>>) src(%dma_wait3A_94 : memref<100352xf32, #tpu.memory_space<vmem_shared>>) dst(%arg11 : memref<10000xf32, #tpu.memory_space<vmem>>)
      "tpu.region"() ({
        %run_scoped3A = tpu.sem_alloc : memref<!tpu.dma_semaphore, #tpu.memory_space<semaphore_mem>>
        %dma_start3A_145 = arith.constant 0 : i32
        %dma_start3A_146 = tpu.memref_slice %arg12[%dma_start3A_145] : memref<100352xf32, #tpu.memory_space<vmem_shared>> -> memref<100352xf32, #tpu.memory_space<vmem_shared>>
        tpu.enqueue_indirect_dma source(%arg11 : memref<10000xf32, #tpu.memory_space<vmem>>) target(%dma_start3A_146 : memref<100352xf32, #tpu.memory_space<vmem_shared>>) offsets(%arg8 : memref<10000xi32, #tpu.memory_space<vmem>>) semaphore(%run_scoped3A : memref<!tpu.dma_semaphore, #tpu.memory_space<semaphore_mem>>) {add = true}
        %dma_wait3A_147 = arith.constant 0 : i32
        %dma_wait3A_148 = tpu.memref_slice %arg12[%dma_wait3A_147] : memref<100352xf32, #tpu.memory_space<vmem_shared>> -> memref<100352xf32, #tpu.memory_space<vmem_shared>>
        tpu.wait_indirect_dma semaphore(%run_scoped3A : memref<!tpu.dma_semaphore, #tpu.memory_space<semaphore_mem>>) src(%arg11 : memref<10000xf32, #tpu.memory_space<vmem>>) dst(%dma_wait3A_148 : memref<100352xf32, #tpu.memory_space<vmem_shared>>)
        tpu.yield
      }) : () -> ()
      %mul3A_95 = arith.constant 0 : i32
      %mul3A_96 = arith.constant 160000 : i32
      %mul3A_97 = arith.muli %mul3A_95, %mul3A_96 : i32
      %add3A_98 = arith.addi %add3A, %mul3A_97 : i32
      %multiple_of3A_99 = tpu.assume_multiple %add3A_98, 8 : i32
      %dma_wait3A_100 = tpu.memref_slice %arg2[%multiple_of3A_99] : memref<3200000xi32, #tpu.memory_space<hbm>> -> memref<10000xi32, #tpu.memory_space<hbm>>
      %dma_wait3A_101 = tpu.memref_slice %arg2[%multiple_of3A_99] : memref<3200000xi32, #tpu.memory_space<hbm>> -> memref<10000xi32, #tpu.memory_space<hbm>>
      tpu.wait_dma2 semaphore(%arg15 : memref<!tpu.dma_semaphore, #tpu.memory_space<semaphore_mem>>) src(%dma_wait3A_101 : memref<10000xi32, #tpu.memory_space<hbm>>) dst(%arg9 : memref<10000xi32, #tpu.memory_space<vmem>>)
      %mul3A_102 = arith.constant 0 : i32
      %mul3A_103 = arith.constant 160000 : i32
      %mul3A_104 = arith.muli %mul3A_102, %mul3A_103 : i32
      %add3A_105 = arith.addi %add3A, %mul3A_104 : i32
      %multiple_of3A_106 = tpu.assume_multiple %add3A_105, 8 : i32
      %dma_wait3A_107 = tpu.memref_slice %arg3[%multiple_of3A_106] : memref<3200000xi32, #tpu.memory_space<hbm>> -> memref<10000xi32, #tpu.memory_space<hbm>>
      %dma_wait3A_108 = tpu.memref_slice %arg3[%multiple_of3A_106] : memref<3200000xi32, #tpu.memory_space<hbm>> -> memref<10000xi32, #tpu.memory_space<hbm>>
      tpu.wait_dma2 semaphore(%arg15 : memref<!tpu.dma_semaphore, #tpu.memory_space<semaphore_mem>>) src(%dma_wait3A_108 : memref<10000xi32, #tpu.memory_space<hbm>>) dst(%arg10 : memref<10000xi32, #tpu.memory_space<vmem>>)
      %jit3A_109 = arith.constant 2 : i32
      %div3A_110 = arith.divsi %select_n3A, %jit3A_109 : i32
      %sign3A_111 = arith.constant 0 : i32
      %sign3A_112 = arith.cmpi sgt, %select_n3A, %sign3A_111 : i32
      %sign3A_113 = arith.extui %sign3A_112 : i1 to i32
      %sign3A_114 = arith.constant 0 : i32
      %sign3A_115 = arith.cmpi slt, %select_n3A, %sign3A_114 : i32
      %sign3A_116 = arith.extui %sign3A_115 : i1 to i32
      %sign3A_117 = arith.subi %sign3A_113, %sign3A_116 : i32
      %sign3A_118 = arith.constant 0 : i32
      %sign3A_119 = arith.cmpi sgt, %jit3A_109, %sign3A_118 : i32
      %sign3A_120 = arith.extui %sign3A_119 : i1 to i32
      %sign3A_121 = arith.constant 0 : i32
      %sign3A_122 = arith.cmpi slt, %jit3A_109, %sign3A_121 : i32
      %sign3A_123 = arith.extui %sign3A_122 : i1 to i32
      %sign3A_124 = arith.subi %sign3A_120, %sign3A_123 : i32
      %ne3A_125 = arith.cmpi ne, %sign3A_117, %sign3A_124 : i32
      %rem3A_126 = arith.remsi %select_n3A, %jit3A_109 : i32
      %ne3A_127 = arith.constant 0 : i32
      %ne3A_128 = arith.cmpi ne, %rem3A_126, %ne3A_127 : i32
      %and3A_129 = arith.andi %ne3A_125, %ne3A_128 : i1
      %sub3A_130 = arith.constant 1 : i32
      %sub3A_131 = arith.subi %div3A_110, %sub3A_130 : i32
      %select_n3A_132 = arith.select %and3A_129, %sub3A_131, %div3A_110 : i32
      %mul3A_133 = arith.constant 2 : i32
      %mul3A_134 = arith.muli %select_n3A_132, %mul3A_133 : i32
      %add3A_135 = arith.constant 2 : i32
      %add3A_136 = arith.addi %mul3A_64, %add3A_135 : i32
      %lt3A_137 = arith.cmpi slt, %add3A_136, %mul3A_134 : i32
      %convert_element_type3A_138 = arith.extui %lt3A_137 : i1 to i32
      %cond3A_139 = arith.constant 0 : i32
      %cond3A_140 = arith.cmpi ne, %convert_element_type3A_138, %cond3A_139 : i32
      scf.if %cond3A_140 {
        %add3A_145 = arith.constant 2 : i32
        %add3A_146 = arith.addi %mul3A_64, %add3A_145 : i32
        %mul3A_147 = arith.constant 160000 : i32
        %mul3A_148 = arith.muli %add3A_146, %mul3A_147 : i32
        %add3A_149 = arith.addi %add3A, %mul3A_148 : i32
        %multiple_of3A_150 = tpu.assume_multiple %add3A_149, 8 : i32
        %dma_start3A_151 = tpu.memref_slice %arg2[%multiple_of3A_150] : memref<3200000xi32, #tpu.memory_space<hbm>> -> memref<10000xi32, #tpu.memory_space<hbm>>
        %dma_start3A_152 = tpu.memref_slice %arg2[%multiple_of3A_150] : memref<3200000xi32, #tpu.memory_space<hbm>> -> memref<10000xi32, #tpu.memory_space<hbm>>
        tpu.enqueue_dma source(%dma_start3A_152 : memref<10000xi32, #tpu.memory_space<hbm>>) target(%arg7 : memref<10000xi32, #tpu.memory_space<vmem>>) target_semaphore(%arg15 : memref<!tpu.dma_semaphore, #tpu.memory_space<semaphore_mem>>)
        %mul3A_153 = arith.constant 160000 : i32
        %mul3A_154 = arith.muli %add3A_146, %mul3A_153 : i32
        %add3A_155 = arith.addi %add3A, %mul3A_154 : i32
        %multiple_of3A_156 = tpu.assume_multiple %add3A_155, 8 : i32
        %dma_start3A_157 = tpu.memref_slice %arg3[%multiple_of3A_156] : memref<3200000xi32, #tpu.memory_space<hbm>> -> memref<10000xi32, #tpu.memory_space<hbm>>
        %dma_start3A_158 = tpu.memref_slice %arg3[%multiple_of3A_156] : memref<3200000xi32, #tpu.memory_space<hbm>> -> memref<10000xi32, #tpu.memory_space<hbm>>
        tpu.enqueue_dma source(%dma_start3A_158 : memref<10000xi32, #tpu.memory_space<hbm>>) target(%arg8 : memref<10000xi32, #tpu.memory_space<vmem>>) target_semaphore(%arg15 : memref<!tpu.dma_semaphore, #tpu.memory_space<semaphore_mem>>)
      } else {
      }
      %dma_start3A_141 = arith.constant 0 : i32
      %dma_start3A_142 = tpu.memref_slice %arg13[%dma_start3A_141] : memref<100352xf32, #tpu.memory_space<vmem_shared>> -> memref<100352xf32, #tpu.memory_space<vmem_shared>>
      tpu.enqueue_indirect_dma source(%dma_start3A_142 : memref<100352xf32, #tpu.memory_space<vmem_shared>>) target(%arg11 : memref<10000xf32, #tpu.memory_space<vmem>>) offsets(%arg9 : memref<10000xi32, #tpu.memory_space<vmem>>) semaphore(%arg14 : memref<!tpu.dma_semaphore, #tpu.memory_space<semaphore_mem>>)
      %dma_wait3A_143 = arith.constant 0 : i32
      %dma_wait3A_144 = tpu.memref_slice %arg13[%dma_wait3A_143] : memref<100352xf32, #tpu.memory_space<vmem_shared>> -> memref<100352xf32, #tpu.memory_space<vmem_shared>>
      tpu.wait_indirect_dma semaphore(%arg14 : memref<!tpu.dma_semaphore, #tpu.memory_space<semaphore_mem>>) src(%dma_wait3A_144 : memref<100352xf32, #tpu.memory_space<vmem_shared>>) dst(%arg11 : memref<10000xf32, #tpu.memory_space<vmem>>)
      "tpu.region"() ({
        %run_scoped3A = tpu.sem_alloc : memref<!tpu.dma_semaphore, #tpu.memory_space<semaphore_mem>>
        %dma_start3A_145 = arith.constant 0 : i32
        %dma_start3A_146 = tpu.memref_slice %arg12[%dma_start3A_145] : memref<100352xf32, #tpu.memory_space<vmem_shared>> -> memref<100352xf32, #tpu.memory_space<vmem_shared>>
        tpu.enqueue_indirect_dma source(%arg11 : memref<10000xf32, #tpu.memory_space<vmem>>) target(%dma_start3A_146 : memref<100352xf32, #tpu.memory_space<vmem_shared>>) offsets(%arg10 : memref<10000xi32, #tpu.memory_space<vmem>>) semaphore(%run_scoped3A : memref<!tpu.dma_semaphore, #tpu.memory_space<semaphore_mem>>) {add = true}
        %dma_wait3A_147 = arith.constant 0 : i32
        %dma_wait3A_148 = tpu.memref_slice %arg12[%dma_wait3A_147] : memref<100352xf32, #tpu.memory_space<vmem_shared>> -> memref<100352xf32, #tpu.memory_space<vmem_shared>>
        tpu.wait_indirect_dma semaphore(%run_scoped3A : memref<!tpu.dma_semaphore, #tpu.memory_space<semaphore_mem>>) src(%arg11 : memref<10000xf32, #tpu.memory_space<vmem>>) dst(%dma_wait3A_148 : memref<100352xf32, #tpu.memory_space<vmem_shared>>)
        tpu.yield
      }) : () -> ()
    }
    %while3A_40 = arith.constant 1 : i32
    scf.for %while3A_62 = %while3A_38 to %while3A_34 step %while3A_40  : i32 {
      %mul3A_63 = arith.constant 2 : i32
      %mul3A_64 = arith.muli %while3A_62, %mul3A_63 : i32
      %mul3A_65 = arith.constant 0 : i32
      %mul3A_66 = arith.constant 160000 : i32
      %mul3A_67 = arith.muli %mul3A_65, %mul3A_66 : i32
      %add3A_68 = arith.addi %add3A, %mul3A_67 : i32
      %multiple_of3A_69 = tpu.assume_multiple %add3A_68, 8 : i32
      %dma_wait3A = tpu.memref_slice %arg2[%multiple_of3A_69] : memref<3200000xi32, #tpu.memory_space<hbm>> -> memref<10000xi32, #tpu.memory_space<hbm>>
      %dma_wait3A_70 = tpu.memref_slice %arg2[%multiple_of3A_69] : memref<3200000xi32, #tpu.memory_space<hbm>> -> memref<10000xi32, #tpu.memory_space<hbm>>
      tpu.wait_dma2 semaphore(%arg15 : memref<!tpu.dma_semaphore, #tpu.memory_space<semaphore_mem>>) src(%dma_wait3A_70 : memref<10000xi32, #tpu.memory_space<hbm>>) dst(%arg7 : memref<10000xi32, #tpu.memory_space<vmem>>)
      %mul3A_71 = arith.constant 0 : i32
      %mul3A_72 = arith.constant 160000 : i32
      %mul3A_73 = arith.muli %mul3A_71, %mul3A_72 : i32
      %add3A_74 = arith.addi %add3A, %mul3A_73 : i32
      %multiple_of3A_75 = tpu.assume_multiple %add3A_74, 8 : i32
      %dma_wait3A_76 = tpu.memref_slice %arg3[%multiple_of3A_75] : memref<3200000xi32, #tpu.memory_space<hbm>> -> memref<10000xi32, #tpu.memory_space<hbm>>
      %dma_wait3A_77 = tpu.memref_slice %arg3[%multiple_of3A_75] : memref<3200000xi32, #tpu.memory_space<hbm>> -> memref<10000xi32, #tpu.memory_space<hbm>>
      tpu.wait_dma2 semaphore(%arg15 : memref<!tpu.dma_semaphore, #tpu.memory_space<semaphore_mem>>) src(%dma_wait3A_77 : memref<10000xi32, #tpu.memory_space<hbm>>) dst(%arg8 : memref<10000xi32, #tpu.memory_space<vmem>>)
      %add3A_78 = arith.constant 1 : i32
      %add3A_79 = arith.addi %mul3A_64, %add3A_78 : i32
      %mul3A_80 = arith.constant 160000 : i32
      %mul3A_81 = arith.muli %add3A_79, %mul3A_80 : i32
      %add3A_82 = arith.addi %add3A, %mul3A_81 : i32
      %multiple_of3A_83 = tpu.assume_multiple %add3A_82, 8 : i32
      %dma_start3A = tpu.memref_slice %arg2[%multiple_of3A_83] : memref<3200000xi32, #tpu.memory_space<hbm>> -> memref<10000xi32, #tpu.memory_space<hbm>>
      %dma_start3A_84 = tpu.memref_slice %arg2[%multiple_of3A_83] : memref<3200000xi32, #tpu.memory_space<hbm>> -> memref<10000xi32, #tpu.memory_space<hbm>>
      tpu.enqueue_dma source(%dma_start3A_84 : memref<10000xi32, #tpu.memory_space<hbm>>) target(%arg9 : memref<10000xi32, #tpu.memory_space<vmem>>) target_semaphore(%arg15 : memref<!tpu.dma_semaphore, #tpu.memory_space<semaphore_mem>>)
      %mul3A_85 = arith.constant 160000 : i32
      %mul3A_86 = arith.muli %add3A_79, %mul3A_85 : i32
      %add3A_87 = arith.addi %add3A, %mul3A_86 : i32
      %multiple_of3A_88 = tpu.assume_multiple %add3A_87, 8 : i32
      %dma_start3A_89 = tpu.memref_slice %arg3[%multiple_of3A_88] : memref<3200000xi32, #tpu.memory_space<hbm>> -> memref<10000xi32, #tpu.memory_space<hbm>>
      %dma_start3A_90 = tpu.memref_slice %arg3[%multiple_of3A_88] : memref<3200000xi32, #tpu.memory_space<hbm>> -> memref<10000xi32, #tpu.memory_space<hbm>>
      tpu.enqueue_dma source(%dma_start3A_90 : memref<10000xi32, #tpu.memory_space<hbm>>) target(%arg10 : memref<10000xi32, #tpu.memory_space<vmem>>) target_semaphore(%arg15 : memref<!tpu.dma_semaphore, #tpu.memory_space<semaphore_mem>>)
      %dma_start3A_91 = arith.constant 0 : i32
      %dma_start3A_92 = tpu.memref_slice %arg13[%dma_start3A_91] : memref<100352xf32, #tpu.memory_space<vmem_shared>> -> memref<100352xf32, #tpu.memory_space<vmem_shared>>
      tpu.enqueue_indirect_dma source(%dma_start3A_92 : memref<100352xf32, #tpu.memory_space<vmem_shared>>) target(%arg11 : memref<10000xf32, #tpu.memory_space<vmem>>) offsets(%arg7 : memref<10000xi32, #tpu.memory_space<vmem>>) semaphore(%arg14 : memref<!tpu.dma_semaphore, #tpu.memory_space<semaphore_mem>>)
      %dma_wait3A_93 = arith.constant 0 : i32
      %dma_wait3A_94 = tpu.memref_slice %arg13[%dma_wait3A_93] : memref<100352xf32, #tpu.memory_space<vmem_shared>> -> memref<100352xf32, #tpu.memory_space<vmem_shared>>
      tpu.wait_indirect_dma semaphore(%arg14 : memref<!tpu.dma_semaphore, #tpu.memory_space<semaphore_mem>>) src(%dma_wait3A_94 : memref<100352xf32, #tpu.memory_space<vmem_shared>>) dst(%arg11 : memref<10000xf32, #tpu.memory_space<vmem>>)
      "tpu.region"() ({
        %run_scoped3A = tpu.sem_alloc : memref<!tpu.dma_semaphore, #tpu.memory_space<semaphore_mem>>
        %dma_start3A_145 = arith.constant 0 : i32
        %dma_start3A_146 = tpu.memref_slice %arg12[%dma_start3A_145] : memref<100352xf32, #tpu.memory_space<vmem_shared>> -> memref<100352xf32, #tpu.memory_space<vmem_shared>>
        tpu.enqueue_indirect_dma source(%arg11 : memref<10000xf32, #tpu.memory_space<vmem>>) target(%dma_start3A_146 : memref<100352xf32, #tpu.memory_space<vmem_shared>>) offsets(%arg8 : memref<10000xi32, #tpu.memory_space<vmem>>) semaphore(%run_scoped3A : memref<!tpu.dma_semaphore, #tpu.memory_space<semaphore_mem>>) {add = true}
        %dma_wait3A_147 = arith.constant 0 : i32
        %dma_wait3A_148 = tpu.memref_slice %arg12[%dma_wait3A_147] : memref<100352xf32, #tpu.memory_space<vmem_shared>> -> memref<100352xf32, #tpu.memory_space<vmem_shared>>
        tpu.wait_indirect_dma semaphore(%run_scoped3A : memref<!tpu.dma_semaphore, #tpu.memory_space<semaphore_mem>>) src(%arg11 : memref<10000xf32, #tpu.memory_space<vmem>>) dst(%dma_wait3A_148 : memref<100352xf32, #tpu.memory_space<vmem_shared>>)
        tpu.yield
      }) : () -> ()
      %mul3A_95 = arith.constant 0 : i32
      %mul3A_96 = arith.constant 160000 : i32
      %mul3A_97 = arith.muli %mul3A_95, %mul3A_96 : i32
      %add3A_98 = arith.addi %add3A, %mul3A_97 : i32
      %multiple_of3A_99 = tpu.assume_multiple %add3A_98, 8 : i32
      %dma_wait3A_100 = tpu.memref_slice %arg2[%multiple_of3A_99] : memref<3200000xi32, #tpu.memory_space<hbm>> -> memref<10000xi32, #tpu.memory_space<hbm>>
      %dma_wait3A_101 = tpu.memref_slice %arg2[%multiple_of3A_99] : memref<3200000xi32, #tpu.memory_space<hbm>> -> memref<10000xi32, #tpu.memory_space<hbm>>
      tpu.wait_dma2 semaphore(%arg15 : memref<!tpu.dma_semaphore, #tpu.memory_space<semaphore_mem>>) src(%dma_wait3A_101 : memref<10000xi32, #tpu.memory_space<hbm>>) dst(%arg9 : memref<10000xi32, #tpu.memory_space<vmem>>)
      %mul3A_102 = arith.constant 0 : i32
      %mul3A_103 = arith.constant 160000 : i32
      %mul3A_104 = arith.muli %mul3A_102, %mul3A_103 : i32
      %add3A_105 = arith.addi %add3A, %mul3A_104 : i32
      %multiple_of3A_106 = tpu.assume_multiple %add3A_105, 8 : i32
      %dma_wait3A_107 = tpu.memref_slice %arg3[%multiple_of3A_106] : memref<3200000xi32, #tpu.memory_space<hbm>> -> memref<10000xi32, #tpu.memory_space<hbm>>
      %dma_wait3A_108 = tpu.memref_slice %arg3[%multiple_of3A_106] : memref<3200000xi32, #tpu.memory_space<hbm>> -> memref<10000xi32, #tpu.memory_space<hbm>>
      tpu.wait_dma2 semaphore(%arg15 : memref<!tpu.dma_semaphore, #tpu.memory_space<semaphore_mem>>) src(%dma_wait3A_108 : memref<10000xi32, #tpu.memory_space<hbm>>) dst(%arg10 : memref<10000xi32, #tpu.memory_space<vmem>>)
      %jit3A_109 = arith.constant 2 : i32
      %div3A_110 = arith.divsi %select_n3A, %jit3A_109 : i32
      %sign3A_111 = arith.constant 0 : i32
      %sign3A_112 = arith.cmpi sgt, %select_n3A, %sign3A_111 : i32
      %sign3A_113 = arith.extui %sign3A_112 : i1 to i32
      %sign3A_114 = arith.constant 0 : i32
      %sign3A_115 = arith.cmpi slt, %select_n3A, %sign3A_114 : i32
      %sign3A_116 = arith.extui %sign3A_115 : i1 to i32
      %sign3A_117 = arith.subi %sign3A_113, %sign3A_116 : i32
      %sign3A_118 = arith.constant 0 : i32
      %sign3A_119 = arith.cmpi sgt, %jit3A_109, %sign3A_118 : i32
      %sign3A_120 = arith.extui %sign3A_119 : i1 to i32
      %sign3A_121 = arith.constant 0 : i32
      %sign3A_122 = arith.cmpi slt, %jit3A_109, %sign3A_121 : i32
      %sign3A_123 = arith.extui %sign3A_122 : i1 to i32
      %sign3A_124 = arith.subi %sign3A_120, %sign3A_123 : i32
      %ne3A_125 = arith.cmpi ne, %sign3A_117, %sign3A_124 : i32
      %rem3A_126 = arith.remsi %select_n3A, %jit3A_109 : i32
      %ne3A_127 = arith.constant 0 : i32
      %ne3A_128 = arith.cmpi ne, %rem3A_126, %ne3A_127 : i32
      %and3A_129 = arith.andi %ne3A_125, %ne3A_128 : i1
      %sub3A_130 = arith.constant 1 : i32
      %sub3A_131 = arith.subi %div3A_110, %sub3A_130 : i32
      %select_n3A_132 = arith.select %and3A_129, %sub3A_131, %div3A_110 : i32
      %mul3A_133 = arith.constant 2 : i32
      %mul3A_134 = arith.muli %select_n3A_132, %mul3A_133 : i32
      %add3A_135 = arith.constant 2 : i32
      %add3A_136 = arith.addi %mul3A_64, %add3A_135 : i32
      %lt3A_137 = arith.cmpi slt, %add3A_136, %mul3A_134 : i32
      %convert_element_type3A_138 = arith.extui %lt3A_137 : i1 to i32
      %cond3A_139 = arith.constant 0 : i32
      %cond3A_140 = arith.cmpi ne, %convert_element_type3A_138, %cond3A_139 : i32
      scf.if %cond3A_140 {
        %add3A_145 = arith.constant 2 : i32
        %add3A_146 = arith.addi %mul3A_64, %add3A_145 : i32
        %mul3A_147 = arith.constant 160000 : i32
        %mul3A_148 = arith.muli %add3A_146, %mul3A_147 : i32
        %add3A_149 = arith.addi %add3A, %mul3A_148 : i32
        %multiple_of3A_150 = tpu.assume_multiple %add3A_149, 8 : i32
        %dma_start3A_151 = tpu.memref_slice %arg2[%multiple_of3A_150] : memref<3200000xi32, #tpu.memory_space<hbm>> -> memref<10000xi32, #tpu.memory_space<hbm>>
        %dma_start3A_152 = tpu.memref_slice %arg2[%multiple_of3A_150] : memref<3200000xi32, #tpu.memory_space<hbm>> -> memref<10000xi32, #tpu.memory_space<hbm>>
        tpu.enqueue_dma source(%dma_start3A_152 : memref<10000xi32, #tpu.memory_space<hbm>>) target(%arg7 : memref<10000xi32, #tpu.memory_space<vmem>>) target_semaphore(%arg15 : memref<!tpu.dma_semaphore, #tpu.memory_space<semaphore_mem>>)
        %mul3A_153 = arith.constant 160000 : i32
        %mul3A_154 = arith.muli %add3A_146, %mul3A_153 : i32
        %add3A_155 = arith.addi %add3A, %mul3A_154 : i32
        %multiple_of3A_156 = tpu.assume_multiple %add3A_155, 8 : i32
        %dma_start3A_157 = tpu.memref_slice %arg3[%multiple_of3A_156] : memref<3200000xi32, #tpu.memory_space<hbm>> -> memref<10000xi32, #tpu.memory_space<hbm>>
        %dma_start3A_158 = tpu.memref_slice %arg3[%multiple_of3A_156] : memref<3200000xi32, #tpu.memory_space<hbm>> -> memref<10000xi32, #tpu.memory_space<hbm>>
        tpu.enqueue_dma source(%dma_start3A_158 : memref<10000xi32, #tpu.memory_space<hbm>>) target(%arg8 : memref<10000xi32, #tpu.memory_space<vmem>>) target_semaphore(%arg15 : memref<!tpu.dma_semaphore, #tpu.memory_space<semaphore_mem>>)
      } else {
      }
      %dma_start3A_141 = arith.constant 0 : i32
      %dma_start3A_142 = tpu.memref_slice %arg13[%dma_start3A_141] : memref<100352xf32, #tpu.memory_space<vmem_shared>> -> memref<100352xf32, #tpu.memory_space<vmem_shared>>
      tpu.enqueue_indirect_dma source(%dma_start3A_142 : memref<100352xf32, #tpu.memory_space<vmem_shared>>) target(%arg11 : memref<10000xf32, #tpu.memory_space<vmem>>) offsets(%arg9 : memref<10000xi32, #tpu.memory_space<vmem>>) semaphore(%arg14 : memref<!tpu.dma_semaphore, #tpu.memory_space<semaphore_mem>>)
      %dma_wait3A_143 = arith.constant 0 : i32
      %dma_wait3A_144 = tpu.memref_slice %arg13[%dma_wait3A_143] : memref<100352xf32, #tpu.memory_space<vmem_shared>> -> memref<100352xf32, #tpu.memory_space<vmem_shared>>
      tpu.wait_indirect_dma semaphore(%arg14 : memref<!tpu.dma_semaphore, #tpu.memory_space<semaphore_mem>>) src(%dma_wait3A_144 : memref<100352xf32, #tpu.memory_space<vmem_shared>>) dst(%arg11 : memref<10000xf32, #tpu.memory_space<vmem>>)
      "tpu.region"() ({
        %run_scoped3A = tpu.sem_alloc : memref<!tpu.dma_semaphore, #tpu.memory_space<semaphore_mem>>
        %dma_start3A_145 = arith.constant 0 : i32
        %dma_start3A_146 = tpu.memref_slice %arg12[%dma_start3A_145] : memref<100352xf32, #tpu.memory_space<vmem_shared>> -> memref<100352xf32, #tpu.memory_space<vmem_shared>>
        tpu.enqueue_indirect_dma source(%arg11 : memref<10000xf32, #tpu.memory_space<vmem>>) target(%dma_start3A_146 : memref<100352xf32, #tpu.memory_space<vmem_shared>>) offsets(%arg10 : memref<10000xi32, #tpu.memory_space<vmem>>) semaphore(%run_scoped3A : memref<!tpu.dma_semaphore, #tpu.memory_space<semaphore_mem>>) {add = true}
        %dma_wait3A_147 = arith.constant 0 : i32
        %dma_wait3A_148 = tpu.memref_slice %arg12[%dma_wait3A_147] : memref<100352xf32, #tpu.memory_space<vmem_shared>> -> memref<100352xf32, #tpu.memory_space<vmem_shared>>
        tpu.wait_indirect_dma semaphore(%run_scoped3A : memref<!tpu.dma_semaphore, #tpu.memory_space<semaphore_mem>>) src(%arg11 : memref<10000xf32, #tpu.memory_space<vmem>>) dst(%dma_wait3A_148 : memref<100352xf32, #tpu.memory_space<vmem_shared>>)
        tpu.yield
      }) : () -> ()
    }
    %jit3A_41 = arith.constant 2 : i32
    %eq3A_42 = arith.constant 0 : i32
    %eq3A_43 = arith.cmpi eq, %jit3A_41, %eq3A_42 : i32
    %jit3A_44 = arith.constant 1 : i32
    %select_n3A_45 = arith.select %eq3A_43, %jit3A_44, %jit3A_41 : i32
    %rem3A_46 = arith.remsi %select_n3A, %select_n3A_45 : i32
    %ne3A_47 = arith.constant 0 : i32
    %ne3A_48 = arith.cmpi ne, %rem3A_46, %ne3A_47 : i32
    %lt3A = arith.constant 0 : i32
    %lt3A_49 = arith.cmpi slt, %rem3A_46, %lt3A : i32
    %lt3A_50 = arith.constant 0 : i32
    %lt3A_51 = arith.cmpi slt, %select_n3A_45, %lt3A_50 : i32
    %ne3A_52 = arith.xori %lt3A_49, %lt3A_51 : i1
    %and3A_53 = arith.andi %ne3A_52, %ne3A_48 : i1
    %add3A_54 = arith.addi %rem3A_46, %select_n3A_45 : i32
    %select_n3A_55 = arith.select %and3A_53, %add3A_54, %rem3A_46 : i32
    %eq3A_56 = arith.constant 1 : i32
    %eq3A_57 = arith.cmpi eq, %select_n3A_55, %eq3A_56 : i32
    %convert_element_type3A_58 = arith.extui %eq3A_57 : i1 to i32
    %cond3A_59 = arith.constant 0 : i32
    %cond3A_60 = arith.cmpi ne, %convert_element_type3A_58, %cond3A_59 : i32
    scf.if %cond3A_60 {
      %sub3A_62 = arith.constant 1 : i32
      %sub3A_63 = arith.subi %select_n3A, %sub3A_62 : i32
      %mul3A_64 = arith.constant 160000 : i32
      %mul3A_65 = arith.muli %sub3A_63, %mul3A_64 : i32
      %add3A_66 = arith.addi %add3A, %mul3A_65 : i32
      %multiple_of3A_67 = tpu.assume_multiple %add3A_66, 8 : i32
      "tpu.region"() ({
        %run_scoped3A = tpu.sem_alloc : memref<!tpu.dma_semaphore, #tpu.memory_space<semaphore_mem>>
        %dma_start3A_74 = tpu.memref_slice %arg2[%multiple_of3A_67] : memref<3200000xi32, #tpu.memory_space<hbm>> -> memref<10000xi32, #tpu.memory_space<hbm>>
        %dma_start3A_75 = tpu.memref_slice %arg2[%multiple_of3A_67] : memref<3200000xi32, #tpu.memory_space<hbm>> -> memref<10000xi32, #tpu.memory_space<hbm>>
        tpu.enqueue_dma source(%dma_start3A_75 : memref<10000xi32, #tpu.memory_space<hbm>>) target(%arg7 : memref<10000xi32, #tpu.memory_space<vmem>>) target_semaphore(%run_scoped3A : memref<!tpu.dma_semaphore, #tpu.memory_space<semaphore_mem>>)
        %dma_wait3A_76 = tpu.memref_slice %arg2[%multiple_of3A_67] : memref<3200000xi32, #tpu.memory_space<hbm>> -> memref<10000xi32, #tpu.memory_space<hbm>>
        %dma_wait3A_77 = tpu.memref_slice %arg2[%multiple_of3A_67] : memref<3200000xi32, #tpu.memory_space<hbm>> -> memref<10000xi32, #tpu.memory_space<hbm>>
        tpu.wait_dma2 semaphore(%run_scoped3A : memref<!tpu.dma_semaphore, #tpu.memory_space<semaphore_mem>>) src(%dma_wait3A_77 : memref<10000xi32, #tpu.memory_space<hbm>>) dst(%arg7 : memref<10000xi32, #tpu.memory_space<vmem>>)
        tpu.yield
      }) : () -> ()
      %mul3A_68 = arith.constant 160000 : i32
      %mul3A_69 = arith.muli %sub3A_63, %mul3A_68 : i32
      %add3A_70 = arith.addi %add3A, %mul3A_69 : i32
      %multiple_of3A_71 = tpu.assume_multiple %add3A_70, 8 : i32
      "tpu.region"() ({
        %run_scoped3A = tpu.sem_alloc : memref<!tpu.dma_semaphore, #tpu.memory_space<semaphore_mem>>
        %dma_start3A_74 = tpu.memref_slice %arg3[%multiple_of3A_71] : memref<3200000xi32, #tpu.memory_space<hbm>> -> memref<10000xi32, #tpu.memory_space<hbm>>
        %dma_start3A_75 = tpu.memref_slice %arg3[%multiple_of3A_71] : memref<3200000xi32, #tpu.memory_space<hbm>> -> memref<10000xi32, #tpu.memory_space<hbm>>
        tpu.enqueue_dma source(%dma_start3A_75 : memref<10000xi32, #tpu.memory_space<hbm>>) target(%arg8 : memref<10000xi32, #tpu.memory_space<vmem>>) target_semaphore(%run_scoped3A : memref<!tpu.dma_semaphore, #tpu.memory_space<semaphore_mem>>)
        %dma_wait3A_76 = tpu.memref_slice %arg3[%multiple_of3A_71] : memref<3200000xi32, #tpu.memory_space<hbm>> -> memref<10000xi32, #tpu.memory_space<hbm>>
        %dma_wait3A_77 = tpu.memref_slice %arg3[%multiple_of3A_71] : memref<3200000xi32, #tpu.memory_space<hbm>> -> memref<10000xi32, #tpu.memory_space<hbm>>
        tpu.wait_dma2 semaphore(%run_scoped3A : memref<!tpu.dma_semaphore, #tpu.memory_space<semaphore_mem>>) src(%dma_wait3A_77 : memref<10000xi32, #tpu.memory_space<hbm>>) dst(%arg8 : memref<10000xi32, #tpu.memory_space<vmem>>)
        tpu.yield
      }) : () -> ()
      %dma_start3A = arith.constant 0 : i32
      %dma_start3A_72 = tpu.memref_slice %arg13[%dma_start3A] : memref<100352xf32, #tpu.memory_space<vmem_shared>> -> memref<100352xf32, #tpu.memory_space<vmem_shared>>
      tpu.enqueue_indirect_dma source(%dma_start3A_72 : memref<100352xf32, #tpu.memory_space<vmem_shared>>) target(%arg11 : memref<10000xf32, #tpu.memory_space<vmem>>) offsets(%arg7 : memref<10000xi32, #tpu.memory_space<vmem>>) semaphore(%arg14 : memref<!tpu.dma_semaphore, #tpu.memory_space<semaphore_mem>>)
      %dma_wait3A = arith.constant 0 : i32
      %dma_wait3A_73 = tpu.memref_slice %arg13[%dma_wait3A] : memref<100352xf32, #tpu.memory_space<vmem_shared>> -> memref<100352xf32, #tpu.memory_space<vmem_shared>>
      tpu.wait_indirect_dma semaphore(%arg14 : memref<!tpu.dma_semaphore, #tpu.memory_space<semaphore_mem>>) src(%dma_wait3A_73 : memref<100352xf32, #tpu.memory_space<vmem_shared>>) dst(%arg11 : memref<10000xf32, #tpu.memory_space<vmem>>)
      "tpu.region"() ({
        %run_scoped3A = tpu.sem_alloc : memref<!tpu.dma_semaphore, #tpu.memory_space<semaphore_mem>>
        %dma_start3A_74 = arith.constant 0 : i32
        %dma_start3A_75 = tpu.memref_slice %arg12[%dma_start3A_74] : memref<100352xf32, #tpu.memory_space<vmem_shared>> -> memref<100352xf32, #tpu.memory_space<vmem_shared>>
        tpu.enqueue_indirect_dma source(%arg11 : memref<10000xf32, #tpu.memory_space<vmem>>) target(%dma_start3A_75 : memref<100352xf32, #tpu.memory_space<vmem_shared>>) offsets(%arg8 : memref<10000xi32, #tpu.memory_space<vmem>>) semaphore(%run_scoped3A : memref<!tpu.dma_semaphore, #tpu.memory_space<semaphore_mem>>) {add = true}
        %dma_wait3A_76 = arith.constant 0 : i32
        %dma_wait3A_77 = tpu.memref_slice %arg12[%dma_wait3A_76] : memref<100352xf32, #tpu.memory_space<vmem_shared>> -> memref<100352xf32, #tpu.memory_space<vmem_shared>>
        tpu.wait_indirect_dma semaphore(%run_scoped3A : memref<!tpu.dma_semaphore, #tpu.memory_space<semaphore_mem>>) src(%arg11 : memref<10000xf32, #tpu.memory_space<vmem>>) dst(%dma_wait3A_77 : memref<100352xf32, #tpu.memory_space<vmem_shared>>)
        tpu.yield
      }) : () -> ()
    } else {
    }
    %barrier3A_61 = arith.constant 0 : index
    tpu.barrier barrier_id(%barrier3A_61)
    "tpu.region"() ({
      %run_scoped3A = tpu.sem_alloc : memref<!tpu.dma_semaphore, #tpu.memory_space<semaphore_mem>>
      %dma_start3A = tpu.memref_slice %arg6[%arg0, %multiple_of3A] : memref<2x100352xf32, #tpu.memory_space<hbm>> -> memref<1x6272xf32, #tpu.memory_space<hbm>>
      %dma_start3A_62 = tpu.memref_squeeze %dma_start3A : memref<1x6272xf32, #tpu.memory_space<hbm>> -> memref<6272xf32, #tpu.memory_space<hbm>>
      %dma_start3A_63 = tpu.memref_slice %arg12[%multiple_of3A] : memref<100352xf32, #tpu.memory_space<vmem_shared>> -> memref<6272xf32, #tpu.memory_space<vmem_shared>>
      tpu.enqueue_dma source(%dma_start3A_63 : memref<6272xf32, #tpu.memory_space<vmem_shared>>) target(%dma_start3A_62 : memref<6272xf32, #tpu.memory_space<hbm>>) target_semaphore(%run_scoped3A : memref<!tpu.dma_semaphore, #tpu.memory_space<semaphore_mem>>)
      %dma_wait3A = tpu.memref_slice %arg6[%arg0, %multiple_of3A] : memref<2x100352xf32, #tpu.memory_space<hbm>> -> memref<1x6272xf32, #tpu.memory_space<hbm>>
      %dma_wait3A_64 = tpu.memref_squeeze %dma_wait3A : memref<1x6272xf32, #tpu.memory_space<hbm>> -> memref<6272xf32, #tpu.memory_space<hbm>>
      %dma_wait3A_65 = tpu.memref_slice %arg12[%multiple_of3A] : memref<100352xf32, #tpu.memory_space<vmem_shared>> -> memref<6272xf32, #tpu.memory_space<vmem_shared>>
      tpu.wait_dma2 semaphore(%run_scoped3A : memref<!tpu.dma_semaphore, #tpu.memory_space<semaphore_mem>>) src(%dma_wait3A_65 : memref<6272xf32, #tpu.memory_space<vmem_shared>>) dst(%dma_wait3A_64 : memref<6272xf32, #tpu.memory_space<hbm>>)
      tpu.yield
    }) : () -> ()
    return
  }
}

#map = affine_map<(d0, d1) -> (0)>
#map1 = affine_map<(d0, d1) -> (0, 0)>
module attributes {stable_mosaic.version = 14 : i64} {
  func.func @k(%arg0: i32, %arg1: i32, %arg2: memref<3200000xi32, #tpu.memory_space<hbm>>, %arg3: memref<10000xf32, #tpu.memory_space<hbm>>, %arg4: memref<100352xf32, #tpu.memory_space<hbm>>, %arg5: memref<2x100352xf32, #tpu.memory_space<hbm>>, %arg6: memref<10000xi32, #tpu.memory_space<vmem>>, %arg7: memref<10000xi32, #tpu.memory_space<vmem>>, %arg8: memref<10000xf32, #tpu.memory_space<vmem>>, %arg9: memref<100352xf32, #tpu.memory_space<vmem_shared>>, %arg10: memref<!tpu.dma_semaphore, #tpu.memory_space<semaphore_mem>>) attributes {dimension_semantics = [#tpu.dimension_semantics<core_parallel>, #tpu.dimension_semantics<subcore_parallel>], iteration_bounds = array<i64: 2, 16>, scalar_prefetch = 0 : i64, scratch_operands = 5 : i64, tpu.core_type = #tpu.core_type<sc_vector_subcore>, window_params = [{transform_indices = #map}, {transform_indices = #map}, {transform_indices = #map}, {transform_indices = #map1}]} {
    %mul3A = arith.constant 6272 : i32
    %mul3A_0 = arith.muli %arg1, %mul3A : i32
    %multiple_of3A = tpu.assume_multiple %mul3A_0, 8 : i32
    "tpu.region"() ({
      %run_scoped3A = tpu.sem_alloc : memref<!tpu.dma_semaphore, #tpu.memory_space<semaphore_mem>>
      %dma_start3A = tpu.memref_slice %arg9[%multiple_of3A] : memref<100352xf32, #tpu.memory_space<vmem_shared>> -> memref<6272xf32, #tpu.memory_space<vmem_shared>>
      %dma_start3A_62 = tpu.memref_slice %arg4[%multiple_of3A] : memref<100352xf32, #tpu.memory_space<hbm>> -> memref<6272xf32, #tpu.memory_space<hbm>>
      tpu.enqueue_dma source(%dma_start3A_62 : memref<6272xf32, #tpu.memory_space<hbm>>) target(%dma_start3A : memref<6272xf32, #tpu.memory_space<vmem_shared>>) target_semaphore(%run_scoped3A : memref<!tpu.dma_semaphore, #tpu.memory_space<semaphore_mem>>)
      %dma_wait3A = tpu.memref_slice %arg9[%multiple_of3A] : memref<100352xf32, #tpu.memory_space<vmem_shared>> -> memref<6272xf32, #tpu.memory_space<vmem_shared>>
      %dma_wait3A_63 = tpu.memref_slice %arg4[%multiple_of3A] : memref<100352xf32, #tpu.memory_space<hbm>> -> memref<6272xf32, #tpu.memory_space<hbm>>
      tpu.wait_dma2 semaphore(%run_scoped3A : memref<!tpu.dma_semaphore, #tpu.memory_space<semaphore_mem>>) src(%dma_wait3A_63 : memref<6272xf32, #tpu.memory_space<hbm>>) dst(%dma_wait3A : memref<6272xf32, #tpu.memory_space<vmem_shared>>)
      tpu.yield
    }) : () -> ()
    "tpu.region"() ({
      %run_scoped3A = tpu.sem_alloc : memref<!tpu.dma_semaphore, #tpu.memory_space<semaphore_mem>>
      tpu.enqueue_dma source(%arg3 : memref<10000xf32, #tpu.memory_space<hbm>>) target(%arg8 : memref<10000xf32, #tpu.memory_space<vmem>>) target_semaphore(%run_scoped3A : memref<!tpu.dma_semaphore, #tpu.memory_space<semaphore_mem>>)
      tpu.wait_dma2 semaphore(%run_scoped3A : memref<!tpu.dma_semaphore, #tpu.memory_space<semaphore_mem>>) src(%arg3 : memref<10000xf32, #tpu.memory_space<hbm>>) dst(%arg8 : memref<10000xf32, #tpu.memory_space<vmem>>)
      tpu.yield
    }) : () -> ()
    %barrier3A = arith.constant 0 : index
    tpu.barrier barrier_id(%barrier3A)
    %eq3A = arith.constant 0 : i32
    %eq3A_1 = arith.cmpi eq, %arg0, %eq3A : i32
    %jit3A = arith.constant 10 : i32
    %jit3A_2 = arith.constant 10 : i32
    %select_n3A = arith.select %eq3A_1, %jit3A, %jit3A_2 : i32
    %eq3A_3 = arith.constant 0 : i32
    %eq3A_4 = arith.cmpi eq, %arg0, %eq3A_3 : i32
    %jit3A_5 = arith.constant 0 : i32
    %jit3A_6 = arith.constant 10 : i32
    %select_n3A_7 = arith.select %eq3A_4, %jit3A_5, %jit3A_6 : i32
    %mul3A_8 = arith.constant 160000 : i32
    %mul3A_9 = arith.muli %select_n3A_7, %mul3A_8 : i32
    %mul3A_10 = arith.constant 10000 : i32
    %mul3A_11 = arith.muli %arg1, %mul3A_10 : i32
    %add3A = arith.addi %mul3A_9, %mul3A_11 : i32
    %ge3A = arith.constant 2 : i32
    %ge3A_12 = arith.cmpi sge, %select_n3A, %ge3A : i32
    %convert_element_type3A = arith.extui %ge3A_12 : i1 to i32
    %cond3A = arith.constant 0 : i32
    %cond3A_13 = arith.cmpi ne, %convert_element_type3A, %cond3A : i32
    scf.if %cond3A_13 {
      %mul3A_62 = arith.constant 0 : i32
      %mul3A_63 = arith.constant 160000 : i32
      %mul3A_64 = arith.muli %mul3A_62, %mul3A_63 : i32
      %add3A_65 = arith.addi %add3A, %mul3A_64 : i32
      %multiple_of3A_66 = tpu.assume_multiple %add3A_65, 8 : i32
      %dma_start3A = tpu.memref_slice %arg2[%multiple_of3A_66] : memref<3200000xi32, #tpu.memory_space<hbm>> -> memref<10000xi32, #tpu.memory_space<hbm>>
      %dma_start3A_67 = tpu.memref_slice %arg2[%multiple_of3A_66] : memref<3200000xi32, #tpu.memory_space<hbm>> -> memref<10000xi32, #tpu.memory_space<hbm>>
      tpu.enqueue_dma source(%dma_start3A_67 : memref<10000xi32, #tpu.memory_space<hbm>>) target(%arg6 : memref<10000xi32, #tpu.memory_space<vmem>>) target_semaphore(%arg10 : memref<!tpu.dma_semaphore, #tpu.memory_space<semaphore_mem>>)
    } else {
    }
    %jit3A_14 = arith.constant 2 : i32
    %div3A = arith.divsi %select_n3A, %jit3A_14 : i32
    %sign3A = arith.constant 0 : i32
    %sign3A_15 = arith.cmpi sgt, %select_n3A, %sign3A : i32
    %sign3A_16 = arith.extui %sign3A_15 : i1 to i32
    %sign3A_17 = arith.constant 0 : i32
    %sign3A_18 = arith.cmpi slt, %select_n3A, %sign3A_17 : i32
    %sign3A_19 = arith.extui %sign3A_18 : i1 to i32
    %sign3A_20 = arith.subi %sign3A_16, %sign3A_19 : i32
    %sign3A_21 = arith.constant 0 : i32
    %sign3A_22 = arith.cmpi sgt, %jit3A_14, %sign3A_21 : i32
    %sign3A_23 = arith.extui %sign3A_22 : i1 to i32
    %sign3A_24 = arith.constant 0 : i32
    %sign3A_25 = arith.cmpi slt, %jit3A_14, %sign3A_24 : i32
    %sign3A_26 = arith.extui %sign3A_25 : i1 to i32
    %sign3A_27 = arith.subi %sign3A_23, %sign3A_26 : i32
    %ne3A = arith.cmpi ne, %sign3A_20, %sign3A_27 : i32
    %rem3A = arith.remsi %select_n3A, %jit3A_14 : i32
    %ne3A_28 = arith.constant 0 : i32
    %ne3A_29 = arith.cmpi ne, %rem3A, %ne3A_28 : i32
    %and3A = arith.andi %ne3A, %ne3A_29 : i1
    %sub3A = arith.constant 1 : i32
    %sub3A_30 = arith.subi %div3A, %sub3A : i32
    %select_n3A_31 = arith.select %and3A, %sub3A_30, %div3A : i32
    %while3A = arith.constant 0 : i32
    %while3A_32 = arith.constant 0 : i32
    %while3A_33 = arith.subi %select_n3A_31, %while3A_32 : i32
    %while3A_34 = arith.addi %while3A_32, %while3A_33 : i32
    %while3A_35 = arith.constant 1 : i32
    %while3A_36 = arith.divsi %while3A_33, %while3A_35 : i32
    %while3A_37 = arith.muli %while3A_36, %while3A_35 : i32
    %while3A_38 = arith.addi %while3A_32, %while3A_37 : i32
    %while3A_39 = arith.constant 1 : i32
    scf.for %while3A_62 = %while3A_32 to %while3A_38 step %while3A_39  : i32 {
      %mul3A_63 = arith.constant 2 : i32
      %mul3A_64 = arith.muli %while3A_62, %mul3A_63 : i32
      %mul3A_65 = arith.constant 0 : i32
      %mul3A_66 = arith.constant 160000 : i32
      %mul3A_67 = arith.muli %mul3A_65, %mul3A_66 : i32
      %add3A_68 = arith.addi %add3A, %mul3A_67 : i32
      %multiple_of3A_69 = tpu.assume_multiple %add3A_68, 8 : i32
      %dma_wait3A = tpu.memref_slice %arg2[%multiple_of3A_69] : memref<3200000xi32, #tpu.memory_space<hbm>> -> memref<10000xi32, #tpu.memory_space<hbm>>
      %dma_wait3A_70 = tpu.memref_slice %arg2[%multiple_of3A_69] : memref<3200000xi32, #tpu.memory_space<hbm>> -> memref<10000xi32, #tpu.memory_space<hbm>>
      tpu.wait_dma2 semaphore(%arg10 : memref<!tpu.dma_semaphore, #tpu.memory_space<semaphore_mem>>) src(%dma_wait3A_70 : memref<10000xi32, #tpu.memory_space<hbm>>) dst(%arg6 : memref<10000xi32, #tpu.memory_space<vmem>>)
      %add3A_71 = arith.constant 1 : i32
      %add3A_72 = arith.addi %mul3A_64, %add3A_71 : i32
      %mul3A_73 = arith.constant 160000 : i32
      %mul3A_74 = arith.muli %add3A_72, %mul3A_73 : i32
      %add3A_75 = arith.addi %add3A, %mul3A_74 : i32
      %multiple_of3A_76 = tpu.assume_multiple %add3A_75, 8 : i32
      %dma_start3A = tpu.memref_slice %arg2[%multiple_of3A_76] : memref<3200000xi32, #tpu.memory_space<hbm>> -> memref<10000xi32, #tpu.memory_space<hbm>>
      %dma_start3A_77 = tpu.memref_slice %arg2[%multiple_of3A_76] : memref<3200000xi32, #tpu.memory_space<hbm>> -> memref<10000xi32, #tpu.memory_space<hbm>>
      tpu.enqueue_dma source(%dma_start3A_77 : memref<10000xi32, #tpu.memory_space<hbm>>) target(%arg7 : memref<10000xi32, #tpu.memory_space<vmem>>) target_semaphore(%arg10 : memref<!tpu.dma_semaphore, #tpu.memory_space<semaphore_mem>>)
      "tpu.region"() ({
        %run_scoped3A = tpu.sem_alloc : memref<!tpu.dma_semaphore, #tpu.memory_space<semaphore_mem>>
        %dma_start3A_117 = arith.constant 0 : i32
        %dma_start3A_118 = tpu.memref_slice %arg9[%dma_start3A_117] : memref<100352xf32, #tpu.memory_space<vmem_shared>> -> memref<100352xf32, #tpu.memory_space<vmem_shared>>
        tpu.enqueue_indirect_dma source(%arg8 : memref<10000xf32, #tpu.memory_space<vmem>>) target(%dma_start3A_118 : memref<100352xf32, #tpu.memory_space<vmem_shared>>) offsets(%arg6 : memref<10000xi32, #tpu.memory_space<vmem>>) semaphore(%run_scoped3A : memref<!tpu.dma_semaphore, #tpu.memory_space<semaphore_mem>>) {add = true}
        %dma_wait3A_119 = arith.constant 0 : i32
        %dma_wait3A_120 = tpu.memref_slice %arg9[%dma_wait3A_119] : memref<100352xf32, #tpu.memory_space<vmem_shared>> -> memref<100352xf32, #tpu.memory_space<vmem_shared>>
        tpu.wait_indirect_dma semaphore(%run_scoped3A : memref<!tpu.dma_semaphore, #tpu.memory_space<semaphore_mem>>) src(%arg8 : memref<10000xf32, #tpu.memory_space<vmem>>) dst(%dma_wait3A_120 : memref<100352xf32, #tpu.memory_space<vmem_shared>>)
        tpu.yield
      }) : () -> ()
      %mul3A_78 = arith.constant 0 : i32
      %mul3A_79 = arith.constant 160000 : i32
      %mul3A_80 = arith.muli %mul3A_78, %mul3A_79 : i32
      %add3A_81 = arith.addi %add3A, %mul3A_80 : i32
      %multiple_of3A_82 = tpu.assume_multiple %add3A_81, 8 : i32
      %dma_wait3A_83 = tpu.memref_slice %arg2[%multiple_of3A_82] : memref<3200000xi32, #tpu.memory_space<hbm>> -> memref<10000xi32, #tpu.memory_space<hbm>>
      %dma_wait3A_84 = tpu.memref_slice %arg2[%multiple_of3A_82] : memref<3200000xi32, #tpu.memory_space<hbm>> -> memref<10000xi32, #tpu.memory_space<hbm>>
      tpu.wait_dma2 semaphore(%arg10 : memref<!tpu.dma_semaphore, #tpu.memory_space<semaphore_mem>>) src(%dma_wait3A_84 : memref<10000xi32, #tpu.memory_space<hbm>>) dst(%arg7 : memref<10000xi32, #tpu.memory_space<vmem>>)
      %jit3A_85 = arith.constant 2 : i32
      %div3A_86 = arith.divsi %select_n3A, %jit3A_85 : i32
      %sign3A_87 = arith.constant 0 : i32
      %sign3A_88 = arith.cmpi sgt, %select_n3A, %sign3A_87 : i32
      %sign3A_89 = arith.extui %sign3A_88 : i1 to i32
      %sign3A_90 = arith.constant 0 : i32
      %sign3A_91 = arith.cmpi slt, %select_n3A, %sign3A_90 : i32
      %sign3A_92 = arith.extui %sign3A_91 : i1 to i32
      %sign3A_93 = arith.subi %sign3A_89, %sign3A_92 : i32
      %sign3A_94 = arith.constant 0 : i32
      %sign3A_95 = arith.cmpi sgt, %jit3A_85, %sign3A_94 : i32
      %sign3A_96 = arith.extui %sign3A_95 : i1 to i32
      %sign3A_97 = arith.constant 0 : i32
      %sign3A_98 = arith.cmpi slt, %jit3A_85, %sign3A_97 : i32
      %sign3A_99 = arith.extui %sign3A_98 : i1 to i32
      %sign3A_100 = arith.subi %sign3A_96, %sign3A_99 : i32
      %ne3A_101 = arith.cmpi ne, %sign3A_93, %sign3A_100 : i32
      %rem3A_102 = arith.remsi %select_n3A, %jit3A_85 : i32
      %ne3A_103 = arith.constant 0 : i32
      %ne3A_104 = arith.cmpi ne, %rem3A_102, %ne3A_103 : i32
      %and3A_105 = arith.andi %ne3A_101, %ne3A_104 : i1
      %sub3A_106 = arith.constant 1 : i32
      %sub3A_107 = arith.subi %div3A_86, %sub3A_106 : i32
      %select_n3A_108 = arith.select %and3A_105, %sub3A_107, %div3A_86 : i32
      %mul3A_109 = arith.constant 2 : i32
      %mul3A_110 = arith.muli %select_n3A_108, %mul3A_109 : i32
      %add3A_111 = arith.constant 2 : i32
      %add3A_112 = arith.addi %mul3A_64, %add3A_111 : i32
      %lt3A_113 = arith.cmpi slt, %add3A_112, %mul3A_110 : i32
      %convert_element_type3A_114 = arith.extui %lt3A_113 : i1 to i32
      %cond3A_115 = arith.constant 0 : i32
      %cond3A_116 = arith.cmpi ne, %convert_element_type3A_114, %cond3A_115 : i32
      scf.if %cond3A_116 {
        %add3A_117 = arith.constant 2 : i32
        %add3A_118 = arith.addi %mul3A_64, %add3A_117 : i32
        %mul3A_119 = arith.constant 160000 : i32
        %mul3A_120 = arith.muli %add3A_118, %mul3A_119 : i32
        %add3A_121 = arith.addi %add3A, %mul3A_120 : i32
        %multiple_of3A_122 = tpu.assume_multiple %add3A_121, 8 : i32
        %dma_start3A_123 = tpu.memref_slice %arg2[%multiple_of3A_122] : memref<3200000xi32, #tpu.memory_space<hbm>> -> memref<10000xi32, #tpu.memory_space<hbm>>
        %dma_start3A_124 = tpu.memref_slice %arg2[%multiple_of3A_122] : memref<3200000xi32, #tpu.memory_space<hbm>> -> memref<10000xi32, #tpu.memory_space<hbm>>
        tpu.enqueue_dma source(%dma_start3A_124 : memref<10000xi32, #tpu.memory_space<hbm>>) target(%arg6 : memref<10000xi32, #tpu.memory_space<vmem>>) target_semaphore(%arg10 : memref<!tpu.dma_semaphore, #tpu.memory_space<semaphore_mem>>)
      } else {
      }
      "tpu.region"() ({
        %run_scoped3A = tpu.sem_alloc : memref<!tpu.dma_semaphore, #tpu.memory_space<semaphore_mem>>
        %dma_start3A_117 = arith.constant 0 : i32
        %dma_start3A_118 = tpu.memref_slice %arg9[%dma_start3A_117] : memref<100352xf32, #tpu.memory_space<vmem_shared>> -> memref<100352xf32, #tpu.memory_space<vmem_shared>>
        tpu.enqueue_indirect_dma source(%arg8 : memref<10000xf32, #tpu.memory_space<vmem>>) target(%dma_start3A_118 : memref<100352xf32, #tpu.memory_space<vmem_shared>>) offsets(%arg7 : memref<10000xi32, #tpu.memory_space<vmem>>) semaphore(%run_scoped3A : memref<!tpu.dma_semaphore, #tpu.memory_space<semaphore_mem>>) {add = true}
        %dma_wait3A_119 = arith.constant 0 : i32
        %dma_wait3A_120 = tpu.memref_slice %arg9[%dma_wait3A_119] : memref<100352xf32, #tpu.memory_space<vmem_shared>> -> memref<100352xf32, #tpu.memory_space<vmem_shared>>
        tpu.wait_indirect_dma semaphore(%run_scoped3A : memref<!tpu.dma_semaphore, #tpu.memory_space<semaphore_mem>>) src(%arg8 : memref<10000xf32, #tpu.memory_space<vmem>>) dst(%dma_wait3A_120 : memref<100352xf32, #tpu.memory_space<vmem_shared>>)
        tpu.yield
      }) : () -> ()
    }
    %while3A_40 = arith.constant 1 : i32
    scf.for %while3A_62 = %while3A_38 to %while3A_34 step %while3A_40  : i32 {
      %mul3A_63 = arith.constant 2 : i32
      %mul3A_64 = arith.muli %while3A_62, %mul3A_63 : i32
      %mul3A_65 = arith.constant 0 : i32
      %mul3A_66 = arith.constant 160000 : i32
      %mul3A_67 = arith.muli %mul3A_65, %mul3A_66 : i32
      %add3A_68 = arith.addi %add3A, %mul3A_67 : i32
      %multiple_of3A_69 = tpu.assume_multiple %add3A_68, 8 : i32
      %dma_wait3A = tpu.memref_slice %arg2[%multiple_of3A_69] : memref<3200000xi32, #tpu.memory_space<hbm>> -> memref<10000xi32, #tpu.memory_space<hbm>>
      %dma_wait3A_70 = tpu.memref_slice %arg2[%multiple_of3A_69] : memref<3200000xi32, #tpu.memory_space<hbm>> -> memref<10000xi32, #tpu.memory_space<hbm>>
      tpu.wait_dma2 semaphore(%arg10 : memref<!tpu.dma_semaphore, #tpu.memory_space<semaphore_mem>>) src(%dma_wait3A_70 : memref<10000xi32, #tpu.memory_space<hbm>>) dst(%arg6 : memref<10000xi32, #tpu.memory_space<vmem>>)
      %add3A_71 = arith.constant 1 : i32
      %add3A_72 = arith.addi %mul3A_64, %add3A_71 : i32
      %mul3A_73 = arith.constant 160000 : i32
      %mul3A_74 = arith.muli %add3A_72, %mul3A_73 : i32
      %add3A_75 = arith.addi %add3A, %mul3A_74 : i32
      %multiple_of3A_76 = tpu.assume_multiple %add3A_75, 8 : i32
      %dma_start3A = tpu.memref_slice %arg2[%multiple_of3A_76] : memref<3200000xi32, #tpu.memory_space<hbm>> -> memref<10000xi32, #tpu.memory_space<hbm>>
      %dma_start3A_77 = tpu.memref_slice %arg2[%multiple_of3A_76] : memref<3200000xi32, #tpu.memory_space<hbm>> -> memref<10000xi32, #tpu.memory_space<hbm>>
      tpu.enqueue_dma source(%dma_start3A_77 : memref<10000xi32, #tpu.memory_space<hbm>>) target(%arg7 : memref<10000xi32, #tpu.memory_space<vmem>>) target_semaphore(%arg10 : memref<!tpu.dma_semaphore, #tpu.memory_space<semaphore_mem>>)
      "tpu.region"() ({
        %run_scoped3A = tpu.sem_alloc : memref<!tpu.dma_semaphore, #tpu.memory_space<semaphore_mem>>
        %dma_start3A_117 = arith.constant 0 : i32
        %dma_start3A_118 = tpu.memref_slice %arg9[%dma_start3A_117] : memref<100352xf32, #tpu.memory_space<vmem_shared>> -> memref<100352xf32, #tpu.memory_space<vmem_shared>>
        tpu.enqueue_indirect_dma source(%arg8 : memref<10000xf32, #tpu.memory_space<vmem>>) target(%dma_start3A_118 : memref<100352xf32, #tpu.memory_space<vmem_shared>>) offsets(%arg6 : memref<10000xi32, #tpu.memory_space<vmem>>) semaphore(%run_scoped3A : memref<!tpu.dma_semaphore, #tpu.memory_space<semaphore_mem>>) {add = true}
        %dma_wait3A_119 = arith.constant 0 : i32
        %dma_wait3A_120 = tpu.memref_slice %arg9[%dma_wait3A_119] : memref<100352xf32, #tpu.memory_space<vmem_shared>> -> memref<100352xf32, #tpu.memory_space<vmem_shared>>
        tpu.wait_indirect_dma semaphore(%run_scoped3A : memref<!tpu.dma_semaphore, #tpu.memory_space<semaphore_mem>>) src(%arg8 : memref<10000xf32, #tpu.memory_space<vmem>>) dst(%dma_wait3A_120 : memref<100352xf32, #tpu.memory_space<vmem_shared>>)
        tpu.yield
      }) : () -> ()
      %mul3A_78 = arith.constant 0 : i32
      %mul3A_79 = arith.constant 160000 : i32
      %mul3A_80 = arith.muli %mul3A_78, %mul3A_79 : i32
      %add3A_81 = arith.addi %add3A, %mul3A_80 : i32
      %multiple_of3A_82 = tpu.assume_multiple %add3A_81, 8 : i32
      %dma_wait3A_83 = tpu.memref_slice %arg2[%multiple_of3A_82] : memref<3200000xi32, #tpu.memory_space<hbm>> -> memref<10000xi32, #tpu.memory_space<hbm>>
      %dma_wait3A_84 = tpu.memref_slice %arg2[%multiple_of3A_82] : memref<3200000xi32, #tpu.memory_space<hbm>> -> memref<10000xi32, #tpu.memory_space<hbm>>
      tpu.wait_dma2 semaphore(%arg10 : memref<!tpu.dma_semaphore, #tpu.memory_space<semaphore_mem>>) src(%dma_wait3A_84 : memref<10000xi32, #tpu.memory_space<hbm>>) dst(%arg7 : memref<10000xi32, #tpu.memory_space<vmem>>)
      %jit3A_85 = arith.constant 2 : i32
      %div3A_86 = arith.divsi %select_n3A, %jit3A_85 : i32
      %sign3A_87 = arith.constant 0 : i32
      %sign3A_88 = arith.cmpi sgt, %select_n3A, %sign3A_87 : i32
      %sign3A_89 = arith.extui %sign3A_88 : i1 to i32
      %sign3A_90 = arith.constant 0 : i32
      %sign3A_91 = arith.cmpi slt, %select_n3A, %sign3A_90 : i32
      %sign3A_92 = arith.extui %sign3A_91 : i1 to i32
      %sign3A_93 = arith.subi %sign3A_89, %sign3A_92 : i32
      %sign3A_94 = arith.constant 0 : i32
      %sign3A_95 = arith.cmpi sgt, %jit3A_85, %sign3A_94 : i32
      %sign3A_96 = arith.extui %sign3A_95 : i1 to i32
      %sign3A_97 = arith.constant 0 : i32
      %sign3A_98 = arith.cmpi slt, %jit3A_85, %sign3A_97 : i32
      %sign3A_99 = arith.extui %sign3A_98 : i1 to i32
      %sign3A_100 = arith.subi %sign3A_96, %sign3A_99 : i32
      %ne3A_101 = arith.cmpi ne, %sign3A_93, %sign3A_100 : i32
      %rem3A_102 = arith.remsi %select_n3A, %jit3A_85 : i32
      %ne3A_103 = arith.constant 0 : i32
      %ne3A_104 = arith.cmpi ne, %rem3A_102, %ne3A_103 : i32
      %and3A_105 = arith.andi %ne3A_101, %ne3A_104 : i1
      %sub3A_106 = arith.constant 1 : i32
      %sub3A_107 = arith.subi %div3A_86, %sub3A_106 : i32
      %select_n3A_108 = arith.select %and3A_105, %sub3A_107, %div3A_86 : i32
      %mul3A_109 = arith.constant 2 : i32
      %mul3A_110 = arith.muli %select_n3A_108, %mul3A_109 : i32
      %add3A_111 = arith.constant 2 : i32
      %add3A_112 = arith.addi %mul3A_64, %add3A_111 : i32
      %lt3A_113 = arith.cmpi slt, %add3A_112, %mul3A_110 : i32
      %convert_element_type3A_114 = arith.extui %lt3A_113 : i1 to i32
      %cond3A_115 = arith.constant 0 : i32
      %cond3A_116 = arith.cmpi ne, %convert_element_type3A_114, %cond3A_115 : i32
      scf.if %cond3A_116 {
        %add3A_117 = arith.constant 2 : i32
        %add3A_118 = arith.addi %mul3A_64, %add3A_117 : i32
        %mul3A_119 = arith.constant 160000 : i32
        %mul3A_120 = arith.muli %add3A_118, %mul3A_119 : i32
        %add3A_121 = arith.addi %add3A, %mul3A_120 : i32
        %multiple_of3A_122 = tpu.assume_multiple %add3A_121, 8 : i32
        %dma_start3A_123 = tpu.memref_slice %arg2[%multiple_of3A_122] : memref<3200000xi32, #tpu.memory_space<hbm>> -> memref<10000xi32, #tpu.memory_space<hbm>>
        %dma_start3A_124 = tpu.memref_slice %arg2[%multiple_of3A_122] : memref<3200000xi32, #tpu.memory_space<hbm>> -> memref<10000xi32, #tpu.memory_space<hbm>>
        tpu.enqueue_dma source(%dma_start3A_124 : memref<10000xi32, #tpu.memory_space<hbm>>) target(%arg6 : memref<10000xi32, #tpu.memory_space<vmem>>) target_semaphore(%arg10 : memref<!tpu.dma_semaphore, #tpu.memory_space<semaphore_mem>>)
      } else {
      }
      "tpu.region"() ({
        %run_scoped3A = tpu.sem_alloc : memref<!tpu.dma_semaphore, #tpu.memory_space<semaphore_mem>>
        %dma_start3A_117 = arith.constant 0 : i32
        %dma_start3A_118 = tpu.memref_slice %arg9[%dma_start3A_117] : memref<100352xf32, #tpu.memory_space<vmem_shared>> -> memref<100352xf32, #tpu.memory_space<vmem_shared>>
        tpu.enqueue_indirect_dma source(%arg8 : memref<10000xf32, #tpu.memory_space<vmem>>) target(%dma_start3A_118 : memref<100352xf32, #tpu.memory_space<vmem_shared>>) offsets(%arg7 : memref<10000xi32, #tpu.memory_space<vmem>>) semaphore(%run_scoped3A : memref<!tpu.dma_semaphore, #tpu.memory_space<semaphore_mem>>) {add = true}
        %dma_wait3A_119 = arith.constant 0 : i32
        %dma_wait3A_120 = tpu.memref_slice %arg9[%dma_wait3A_119] : memref<100352xf32, #tpu.memory_space<vmem_shared>> -> memref<100352xf32, #tpu.memory_space<vmem_shared>>
        tpu.wait_indirect_dma semaphore(%run_scoped3A : memref<!tpu.dma_semaphore, #tpu.memory_space<semaphore_mem>>) src(%arg8 : memref<10000xf32, #tpu.memory_space<vmem>>) dst(%dma_wait3A_120 : memref<100352xf32, #tpu.memory_space<vmem_shared>>)
        tpu.yield
      }) : () -> ()
    }
    %jit3A_41 = arith.constant 2 : i32
    %eq3A_42 = arith.constant 0 : i32
    %eq3A_43 = arith.cmpi eq, %jit3A_41, %eq3A_42 : i32
    %jit3A_44 = arith.constant 1 : i32
    %select_n3A_45 = arith.select %eq3A_43, %jit3A_44, %jit3A_41 : i32
    %rem3A_46 = arith.remsi %select_n3A, %select_n3A_45 : i32
    %ne3A_47 = arith.constant 0 : i32
    %ne3A_48 = arith.cmpi ne, %rem3A_46, %ne3A_47 : i32
    %lt3A = arith.constant 0 : i32
    %lt3A_49 = arith.cmpi slt, %rem3A_46, %lt3A : i32
    %lt3A_50 = arith.constant 0 : i32
    %lt3A_51 = arith.cmpi slt, %select_n3A_45, %lt3A_50 : i32
    %ne3A_52 = arith.xori %lt3A_49, %lt3A_51 : i1
    %and3A_53 = arith.andi %ne3A_52, %ne3A_48 : i1
    %add3A_54 = arith.addi %rem3A_46, %select_n3A_45 : i32
    %select_n3A_55 = arith.select %and3A_53, %add3A_54, %rem3A_46 : i32
    %eq3A_56 = arith.constant 1 : i32
    %eq3A_57 = arith.cmpi eq, %select_n3A_55, %eq3A_56 : i32
    %convert_element_type3A_58 = arith.extui %eq3A_57 : i1 to i32
    %cond3A_59 = arith.constant 0 : i32
    %cond3A_60 = arith.cmpi ne, %convert_element_type3A_58, %cond3A_59 : i32
    scf.if %cond3A_60 {
      %sub3A_62 = arith.constant 1 : i32
      %sub3A_63 = arith.subi %select_n3A, %sub3A_62 : i32
      %mul3A_64 = arith.constant 160000 : i32
      %mul3A_65 = arith.muli %sub3A_63, %mul3A_64 : i32
      %add3A_66 = arith.addi %add3A, %mul3A_65 : i32
      %multiple_of3A_67 = tpu.assume_multiple %add3A_66, 8 : i32
      "tpu.region"() ({
        %run_scoped3A = tpu.sem_alloc : memref<!tpu.dma_semaphore, #tpu.memory_space<semaphore_mem>>
        %dma_start3A = tpu.memref_slice %arg2[%multiple_of3A_67] : memref<3200000xi32, #tpu.memory_space<hbm>> -> memref<10000xi32, #tpu.memory_space<hbm>>
        %dma_start3A_68 = tpu.memref_slice %arg2[%multiple_of3A_67] : memref<3200000xi32, #tpu.memory_space<hbm>> -> memref<10000xi32, #tpu.memory_space<hbm>>
        tpu.enqueue_dma source(%dma_start3A_68 : memref<10000xi32, #tpu.memory_space<hbm>>) target(%arg6 : memref<10000xi32, #tpu.memory_space<vmem>>) target_semaphore(%run_scoped3A : memref<!tpu.dma_semaphore, #tpu.memory_space<semaphore_mem>>)
        %dma_wait3A = tpu.memref_slice %arg2[%multiple_of3A_67] : memref<3200000xi32, #tpu.memory_space<hbm>> -> memref<10000xi32, #tpu.memory_space<hbm>>
        %dma_wait3A_69 = tpu.memref_slice %arg2[%multiple_of3A_67] : memref<3200000xi32, #tpu.memory_space<hbm>> -> memref<10000xi32, #tpu.memory_space<hbm>>
        tpu.wait_dma2 semaphore(%run_scoped3A : memref<!tpu.dma_semaphore, #tpu.memory_space<semaphore_mem>>) src(%dma_wait3A_69 : memref<10000xi32, #tpu.memory_space<hbm>>) dst(%arg6 : memref<10000xi32, #tpu.memory_space<vmem>>)
        tpu.yield
      }) : () -> ()
      "tpu.region"() ({
        %run_scoped3A = tpu.sem_alloc : memref<!tpu.dma_semaphore, #tpu.memory_space<semaphore_mem>>
        %dma_start3A = arith.constant 0 : i32
        %dma_start3A_68 = tpu.memref_slice %arg9[%dma_start3A] : memref<100352xf32, #tpu.memory_space<vmem_shared>> -> memref<100352xf32, #tpu.memory_space<vmem_shared>>
        tpu.enqueue_indirect_dma source(%arg8 : memref<10000xf32, #tpu.memory_space<vmem>>) target(%dma_start3A_68 : memref<100352xf32, #tpu.memory_space<vmem_shared>>) offsets(%arg6 : memref<10000xi32, #tpu.memory_space<vmem>>) semaphore(%run_scoped3A : memref<!tpu.dma_semaphore, #tpu.memory_space<semaphore_mem>>) {add = true}
        %dma_wait3A = arith.constant 0 : i32
        %dma_wait3A_69 = tpu.memref_slice %arg9[%dma_wait3A] : memref<100352xf32, #tpu.memory_space<vmem_shared>> -> memref<100352xf32, #tpu.memory_space<vmem_shared>>
        tpu.wait_indirect_dma semaphore(%run_scoped3A : memref<!tpu.dma_semaphore, #tpu.memory_space<semaphore_mem>>) src(%arg8 : memref<10000xf32, #tpu.memory_space<vmem>>) dst(%dma_wait3A_69 : memref<100352xf32, #tpu.memory_space<vmem_shared>>)
        tpu.yield
      }) : () -> ()
    } else {
    }
    %barrier3A_61 = arith.constant 0 : index
    tpu.barrier barrier_id(%barrier3A_61)
    "tpu.region"() ({
      %run_scoped3A = tpu.sem_alloc : memref<!tpu.dma_semaphore, #tpu.memory_space<semaphore_mem>>
      %dma_start3A = tpu.memref_slice %arg5[%arg0, %multiple_of3A] : memref<2x100352xf32, #tpu.memory_space<hbm>> -> memref<1x6272xf32, #tpu.memory_space<hbm>>
      %dma_start3A_62 = tpu.memref_squeeze %dma_start3A : memref<1x6272xf32, #tpu.memory_space<hbm>> -> memref<6272xf32, #tpu.memory_space<hbm>>
      %dma_start3A_63 = tpu.memref_slice %arg9[%multiple_of3A] : memref<100352xf32, #tpu.memory_space<vmem_shared>> -> memref<6272xf32, #tpu.memory_space<vmem_shared>>
      tpu.enqueue_dma source(%dma_start3A_63 : memref<6272xf32, #tpu.memory_space<vmem_shared>>) target(%dma_start3A_62 : memref<6272xf32, #tpu.memory_space<hbm>>) target_semaphore(%run_scoped3A : memref<!tpu.dma_semaphore, #tpu.memory_space<semaphore_mem>>)
      %dma_wait3A = tpu.memref_slice %arg5[%arg0, %multiple_of3A] : memref<2x100352xf32, #tpu.memory_space<hbm>> -> memref<1x6272xf32, #tpu.memory_space<hbm>>
      %dma_wait3A_64 = tpu.memref_squeeze %dma_wait3A : memref<1x6272xf32, #tpu.memory_space<hbm>> -> memref<6272xf32, #tpu.memory_space<hbm>>
      %dma_wait3A_65 = tpu.memref_slice %arg9[%multiple_of3A] : memref<100352xf32, #tpu.memory_space<vmem_shared>> -> memref<6272xf32, #tpu.memory_space<vmem_shared>>
      tpu.wait_dma2 semaphore(%run_scoped3A : memref<!tpu.dma_semaphore, #tpu.memory_space<semaphore_mem>>) src(%dma_wait3A_65 : memref<6272xf32, #tpu.memory_space<vmem_shared>>) dst(%dma_wait3A_64 : memref<6272xf32, #tpu.memory_space<hbm>>)
      tpu.yield
    }) : () -> ()
    return
  }
}

module attributes {stable_mosaic.version = 14 : i64} {
  func.func @body(%arg0: memref<2x784x128xf32, #tpu.memory_space<vmem>>, %arg1: memref<784x128xf32, #tpu.memory_space<vmem>>, %arg2: memref<784x128xf32, #tpu.memory_space<vmem>>, %arg3: memref<784x128xf32, #tpu.memory_space<vmem>>, %arg4: memref<784x128xf32, #tpu.memory_space<vmem>>) attributes {dimension_semantics = [], scalar_prefetch = 0 : i64, scratch_operands = 0 : i64, tpu.core_type = #tpu.core_type<tc>} {
    %get3A = arith.constant 0 : index
    %get3A_0 = arith.constant 0 : index
    %get3A_1 = arith.constant 0 : index
    %get3A_2 = vector.load %arg0[%get3A, %get3A_0, %get3A_1] : memref<2x784x128xf32, #tpu.memory_space<vmem>>, vector<1x784x128xf32>
    %get3A_3 = vector.shape_cast %get3A_2 : vector<1x784x128xf32> to vector<784x128xf32>
    %get3A_4 = arith.constant 1 : index
    %get3A_5 = arith.constant 0 : index
    %get3A_6 = arith.constant 0 : index
    %get3A_7 = vector.load %arg0[%get3A_4, %get3A_5, %get3A_6] : memref<2x784x128xf32, #tpu.memory_space<vmem>>, vector<1x784x128xf32>
    %get3A_8 = vector.shape_cast %get3A_7 : vector<1x784x128xf32> to vector<784x128xf32>
    %add3A = arith.addf %get3A_3, %get3A_8 : vector<784x128xf32>
    %add3A_9 = arith.constant 1.000000e+00 : f32
    %add3A_10 = vector.broadcast %add3A_9 : f32 to vector<784x128xf32>
    %add3A_11 = arith.addf %add3A, %add3A_10 : vector<784x128xf32>
    %rsqrt3A = math.rsqrt %add3A_11 : vector<784x128xf32>
    %swap3A = arith.constant 0 : index
    %swap3A_12 = arith.constant 0 : index
    %swap3A_13 = vector.load %arg2[%swap3A, %swap3A_12] : memref<784x128xf32, #tpu.memory_space<vmem>>, vector<784x128xf32>
    tpu.vector_store %arg2[%swap3A, %swap3A_12], %rsqrt3A {strides = array<i32>} : memref<784x128xf32, #tpu.memory_space<vmem>>, vector<784x128xf32>,
    %div3A = arith.constant 1.000000e+00 : f32
    %div3A_14 = vector.broadcast %div3A : f32 to vector<784x128xf32>
    %div3A_15 = arith.divf %div3A_14, %add3A_11 : vector<784x128xf32>
    %swap3A_16 = arith.constant 0 : index
    %swap3A_17 = arith.constant 0 : index
    %swap3A_18 = vector.load %arg4[%swap3A_16, %swap3A_17] : memref<784x128xf32, #tpu.memory_space<vmem>>, vector<784x128xf32>
    tpu.vector_store %arg4[%swap3A_16, %swap3A_17], %div3A_15 {strides = array<i32>} : memref<784x128xf32, #tpu.memory_space<vmem>>, vector<784x128xf32>,
    %get3A_19 = arith.constant 0 : index
    %get3A_20 = arith.constant 0 : index
    %get3A_21 = vector.load %arg1[%get3A_19, %get3A_20] : memref<784x128xf32, #tpu.memory_space<vmem>>, vector<784x128xf32>
    %mul3A = arith.mulf %rsqrt3A, %get3A_21 : vector<784x128xf32>
    %swap3A_22 = arith.constant 0 : index
    %swap3A_23 = arith.constant 0 : index
    %swap3A_24 = vector.load %arg3[%swap3A_22, %swap3A_23] : memref<784x128xf32, #tpu.memory_space<vmem>>, vector<784x128xf32>
    tpu.vector_store %arg3[%swap3A_22, %swap3A_23], %mul3A {strides = array<i32>} : memref<784x128xf32, #tpu.memory_space<vmem>>, vector<784x128xf32>,
    return
  }
}

module attributes {stable_mosaic.version = 14 : i64} {
  func.func @body(%arg0: memref<2x784x128xf32, #tpu.memory_space<vmem>>, %arg1: memref<784x128xf32, #tpu.memory_space<vmem>>, %arg2: memref<784x128xf32, #tpu.memory_space<vmem>>, %arg3: memref<784x128xf32, #tpu.memory_space<vmem>>, %arg4: memref<8x128xf32, #tpu.memory_space<vmem>>, %arg5: memref<784x128xf32, #tpu.memory_space<vmem>>, %arg6: memref<784x128xf32, #tpu.memory_space<vmem>>) attributes {dimension_semantics = [], scalar_prefetch = 0 : i64, scratch_operands = 0 : i64, tpu.core_type = #tpu.core_type<tc>} {
    %get3A = arith.constant 0 : index
    %get3A_0 = arith.constant 0 : index
    %get3A_1 = vector.load %arg1[%get3A, %get3A_0] : memref<784x128xf32, #tpu.memory_space<vmem>>, vector<784x128xf32>
    %get3A_2 = arith.constant 0 : index
    %get3A_3 = arith.constant 0 : index
    %get3A_4 = arith.constant 0 : index
    %get3A_5 = vector.load %arg0[%get3A_2, %get3A_3, %get3A_4] : memref<2x784x128xf32, #tpu.memory_space<vmem>>, vector<1x784x128xf32>
    %get3A_6 = vector.shape_cast %get3A_5 : vector<1x784x128xf32> to vector<784x128xf32>
    %get3A_7 = arith.constant 1 : index
    %get3A_8 = arith.constant 0 : index
    %get3A_9 = arith.constant 0 : index
    %get3A_10 = vector.load %arg0[%get3A_7, %get3A_8, %get3A_9] : memref<2x784x128xf32, #tpu.memory_space<vmem>>, vector<1x784x128xf32>
    %get3A_11 = vector.shape_cast %get3A_10 : vector<1x784x128xf32> to vector<784x128xf32>
    %add3A = arith.addf %get3A_6, %get3A_11 : vector<784x128xf32>
    %mul3A = arith.mulf %get3A_1, %add3A : vector<784x128xf32>
    %get3A_12 = arith.constant 0 : index
    %get3A_13 = arith.constant 0 : index
    %get3A_14 = vector.load %arg2[%get3A_12, %get3A_13] : memref<784x128xf32, #tpu.memory_space<vmem>>, vector<784x128xf32>
    %get3A_15 = arith.constant 0 : index
    %get3A_16 = arith.constant 0 : index
    %get3A_17 = vector.load %arg3[%get3A_15, %get3A_16] : memref<784x128xf32, #tpu.memory_space<vmem>>, vector<784x128xf32>
    %mul3A_18 = arith.mulf %get3A_14, %get3A_17 : vector<784x128xf32>
    %add3A_19 = arith.addf %mul3A, %mul3A_18 : vector<784x128xf32>
    %broadcast_in_dim3A = arith.constant 0.000000e+00 : f32
    %broadcast_in_dim3A_20 = vector.broadcast %broadcast_in_dim3A : f32 to vector<784x128xf32>
    %get3A_21 = arith.constant 0 : index
    %get3A_22 = arith.constant 0 : index
    %get3A_23 = vector.load %arg4[%get3A_21, %get3A_22] : memref<8x128xf32, #tpu.memory_space<vmem>>, vector<1x1xf32>
    %get3A_24 = vector.extract %get3A_23[0, 0] : f32 from vector<1x1xf32>
    %get3A_25 = arith.constant 1 : index
    %get3A_26 = arith.constant 0 : index
    %get3A_27 = vector.load %arg4[%get3A_25, %get3A_26] : memref<8x128xf32, #tpu.memory_space<vmem>>, vector<1x1xf32>
    %get3A_28 = vector.extract %get3A_27[0, 0] : f32 from vector<1x1xf32>
    %get3A_29 = arith.constant 2 : index
    %get3A_30 = arith.constant 0 : index
    %get3A_31 = vector.load %arg4[%get3A_29, %get3A_30] : memref<8x128xf32, #tpu.memory_space<vmem>>, vector<1x1xf32>
    %get3A_32 = vector.extract %get3A_31[0, 0] : f32 from vector<1x1xf32>
    %mul3A_33 = vector.broadcast %get3A_24 : f32 to vector<784x128xf32>
    %mul3A_34 = arith.mulf %add3A_19, %mul3A_33 : vector<784x128xf32>
    %add3A_35 = vector.broadcast %get3A_28 : f32 to vector<784x128xf32>
    %add3A_36 = arith.addf %mul3A_34, %add3A_35 : vector<784x128xf32>
    %max3A = arith.constant 0.000000e+00 : f32
    %max3A_37 = vector.broadcast %max3A : f32 to vector<784x128xf32>
    %max3A_38 = arith.maximumf %add3A_36, %max3A_37 : vector<784x128xf32>
    %mul3A_39 = vector.broadcast %get3A_32 : f32 to vector<784x128xf32>
    %mul3A_40 = arith.mulf %max3A_38, %mul3A_39 : vector<784x128xf32>
    %add3A_41 = arith.addf %broadcast_in_dim3A_20, %mul3A_40 : vector<784x128xf32>
    %get3A_42 = arith.constant 0 : index
    %get3A_43 = arith.constant 1 : index
    %get3A_44 = vector.load %arg4[%get3A_42, %get3A_43] : memref<8x128xf32, #tpu.memory_space<vmem>>, vector<1x1xf32>
    %get3A_45 = vector.extract %get3A_44[0, 0] : f32 from vector<1x1xf32>
    %get3A_46 = arith.constant 1 : index
    %get3A_47 = arith.constant 1 : index
    %get3A_48 = vector.load %arg4[%get3A_46, %get3A_47] : memref<8x128xf32, #tpu.memory_space<vmem>>, vector<1x1xf32>
    %get3A_49 = vector.extract %get3A_48[0, 0] : f32 from vector<1x1xf32>
    %get3A_50 = arith.constant 2 : index
    %get3A_51 = arith.constant 1 : index
    %get3A_52 = vector.load %arg4[%get3A_50, %get3A_51] : memref<8x128xf32, #tpu.memory_space<vmem>>, vector<1x1xf32>
    %get3A_53 = vector.extract %get3A_52[0, 0] : f32 from vector<1x1xf32>
    %mul3A_54 = vector.broadcast %get3A_45 : f32 to vector<784x128xf32>
    %mul3A_55 = arith.mulf %add3A_19, %mul3A_54 : vector<784x128xf32>
    %add3A_56 = vector.broadcast %get3A_49 : f32 to vector<784x128xf32>
    %add3A_57 = arith.addf %mul3A_55, %add3A_56 : vector<784x128xf32>
    %max3A_58 = arith.constant 0.000000e+00 : f32
    %max3A_59 = vector.broadcast %max3A_58 : f32 to vector<784x128xf32>
    %max3A_60 = arith.maximumf %add3A_57, %max3A_59 : vector<784x128xf32>
    %mul3A_61 = vector.broadcast %get3A_53 : f32 to vector<784x128xf32>
    %mul3A_62 = arith.mulf %max3A_60, %mul3A_61 : vector<784x128xf32>
    %add3A_63 = arith.addf %add3A_41, %mul3A_62 : vector<784x128xf32>
    %get3A_64 = arith.constant 0 : index
    %get3A_65 = arith.constant 2 : index
    %get3A_66 = vector.load %arg4[%get3A_64, %get3A_65] : memref<8x128xf32, #tpu.memory_space<vmem>>, vector<1x1xf32>
    %get3A_67 = vector.extract %get3A_66[0, 0] : f32 from vector<1x1xf32>
    %get3A_68 = arith.constant 1 : index
    %get3A_69 = arith.constant 2 : index
    %get3A_70 = vector.load %arg4[%get3A_68, %get3A_69] : memref<8x128xf32, #tpu.memory_space<vmem>>, vector<1x1xf32>
    %get3A_71 = vector.extract %get3A_70[0, 0] : f32 from vector<1x1xf32>
    %get3A_72 = arith.constant 2 : index
    %get3A_73 = arith.constant 2 : index
    %get3A_74 = vector.load %arg4[%get3A_72, %get3A_73] : memref<8x128xf32, #tpu.memory_space<vmem>>, vector<1x1xf32>
    %get3A_75 = vector.extract %get3A_74[0, 0] : f32 from vector<1x1xf32>
    %mul3A_76 = vector.broadcast %get3A_67 : f32 to vector<784x128xf32>
    %mul3A_77 = arith.mulf %add3A_19, %mul3A_76 : vector<784x128xf32>
    %add3A_78 = vector.broadcast %get3A_71 : f32 to vector<784x128xf32>
    %add3A_79 = arith.addf %mul3A_77, %add3A_78 : vector<784x128xf32>
    %max3A_80 = arith.constant 0.000000e+00 : f32
    %max3A_81 = vector.broadcast %max3A_80 : f32 to vector<784x128xf32>
    %max3A_82 = arith.maximumf %add3A_79, %max3A_81 : vector<784x128xf32>
    %mul3A_83 = vector.broadcast %get3A_75 : f32 to vector<784x128xf32>
    %mul3A_84 = arith.mulf %max3A_82, %mul3A_83 : vector<784x128xf32>
    %add3A_85 = arith.addf %add3A_63, %mul3A_84 : vector<784x128xf32>
    %get3A_86 = arith.constant 0 : index
    %get3A_87 = arith.constant 3 : index
    %get3A_88 = vector.load %arg4[%get3A_86, %get3A_87] : memref<8x128xf32, #tpu.memory_space<vmem>>, vector<1x1xf32>
    %get3A_89 = vector.extract %get3A_88[0, 0] : f32 from vector<1x1xf32>
    %get3A_90 = arith.constant 1 : index
    %get3A_91 = arith.constant 3 : index
    %get3A_92 = vector.load %arg4[%get3A_90, %get3A_91] : memref<8x128xf32, #tpu.memory_space<vmem>>, vector<1x1xf32>
    %get3A_93 = vector.extract %get3A_92[0, 0] : f32 from vector<1x1xf32>
    %get3A_94 = arith.constant 2 : index
    %get3A_95 = arith.constant 3 : index
    %get3A_96 = vector.load %arg4[%get3A_94, %get3A_95] : memref<8x128xf32, #tpu.memory_space<vmem>>, vector<1x1xf32>
    %get3A_97 = vector.extract %get3A_96[0, 0] : f32 from vector<1x1xf32>
    %mul3A_98 = vector.broadcast %get3A_89 : f32 to vector<784x128xf32>
    %mul3A_99 = arith.mulf %add3A_19, %mul3A_98 : vector<784x128xf32>
    %add3A_100 = vector.broadcast %get3A_93 : f32 to vector<784x128xf32>
    %add3A_101 = arith.addf %mul3A_99, %add3A_100 : vector<784x128xf32>
    %max3A_102 = arith.constant 0.000000e+00 : f32
    %max3A_103 = vector.broadcast %max3A_102 : f32 to vector<784x128xf32>
    %max3A_104 = arith.maximumf %add3A_101, %max3A_103 : vector<784x128xf32>
    %mul3A_105 = vector.broadcast %get3A_97 : f32 to vector<784x128xf32>
    %mul3A_106 = arith.mulf %max3A_104, %mul3A_105 : vector<784x128xf32>
    %add3A_107 = arith.addf %add3A_85, %mul3A_106 : vector<784x128xf32>
    %get3A_108 = arith.constant 0 : index
    %get3A_109 = arith.constant 4 : index
    %get3A_110 = vector.load %arg4[%get3A_108, %get3A_109] : memref<8x128xf32, #tpu.memory_space<vmem>>, vector<1x1xf32>
    %get3A_111 = vector.extract %get3A_110[0, 0] : f32 from vector<1x1xf32>
    %get3A_112 = arith.constant 1 : index
    %get3A_113 = arith.constant 4 : index
    %get3A_114 = vector.load %arg4[%get3A_112, %get3A_113] : memref<8x128xf32, #tpu.memory_space<vmem>>, vector<1x1xf32>
    %get3A_115 = vector.extract %get3A_114[0, 0] : f32 from vector<1x1xf32>
    %get3A_116 = arith.constant 2 : index
    %get3A_117 = arith.constant 4 : index
    %get3A_118 = vector.load %arg4[%get3A_116, %get3A_117] : memref<8x128xf32, #tpu.memory_space<vmem>>, vector<1x1xf32>
    %get3A_119 = vector.extract %get3A_118[0, 0] : f32 from vector<1x1xf32>
    %mul3A_120 = vector.broadcast %get3A_111 : f32 to vector<784x128xf32>
    %mul3A_121 = arith.mulf %add3A_19, %mul3A_120 : vector<784x128xf32>
    %add3A_122 = vector.broadcast %get3A_115 : f32 to vector<784x128xf32>
    %add3A_123 = arith.addf %mul3A_121, %add3A_122 : vector<784x128xf32>
    %max3A_124 = arith.constant 0.000000e+00 : f32
    %max3A_125 = vector.broadcast %max3A_124 : f32 to vector<784x128xf32>
    %max3A_126 = arith.maximumf %add3A_123, %max3A_125 : vector<784x128xf32>
    %mul3A_127 = vector.broadcast %get3A_119 : f32 to vector<784x128xf32>
    %mul3A_128 = arith.mulf %max3A_126, %mul3A_127 : vector<784x128xf32>
    %add3A_129 = arith.addf %add3A_107, %mul3A_128 : vector<784x128xf32>
    %get3A_130 = arith.constant 0 : index
    %get3A_131 = arith.constant 5 : index
    %get3A_132 = vector.load %arg4[%get3A_130, %get3A_131] : memref<8x128xf32, #tpu.memory_space<vmem>>, vector<1x1xf32>
    %get3A_133 = vector.extract %get3A_132[0, 0] : f32 from vector<1x1xf32>
    %get3A_134 = arith.constant 1 : index
    %get3A_135 = arith.constant 5 : index
    %get3A_136 = vector.load %arg4[%get3A_134, %get3A_135] : memref<8x128xf32, #tpu.memory_space<vmem>>, vector<1x1xf32>
    %get3A_137 = vector.extract %get3A_136[0, 0] : f32 from vector<1x1xf32>
    %get3A_138 = arith.constant 2 : index
    %get3A_139 = arith.constant 5 : index
    %get3A_140 = vector.load %arg4[%get3A_138, %get3A_139] : memref<8x128xf32, #tpu.memory_space<vmem>>, vector<1x1xf32>
    %get3A_141 = vector.extract %get3A_140[0, 0] : f32 from vector<1x1xf32>
    %mul3A_142 = vector.broadcast %get3A_133 : f32 to vector<784x128xf32>
    %mul3A_143 = arith.mulf %add3A_19, %mul3A_142 : vector<784x128xf32>
    %add3A_144 = vector.broadcast %get3A_137 : f32 to vector<784x128xf32>
    %add3A_145 = arith.addf %mul3A_143, %add3A_144 : vector<784x128xf32>
    %max3A_146 = arith.constant 0.000000e+00 : f32
    %max3A_147 = vector.broadcast %max3A_146 : f32 to vector<784x128xf32>
    %max3A_148 = arith.maximumf %add3A_145, %max3A_147 : vector<784x128xf32>
    %mul3A_149 = vector.broadcast %get3A_141 : f32 to vector<784x128xf32>
    %mul3A_150 = arith.mulf %max3A_148, %mul3A_149 : vector<784x128xf32>
    %add3A_151 = arith.addf %add3A_129, %mul3A_150 : vector<784x128xf32>
    %get3A_152 = arith.constant 0 : index
    %get3A_153 = arith.constant 6 : index
    %get3A_154 = vector.load %arg4[%get3A_152, %get3A_153] : memref<8x128xf32, #tpu.memory_space<vmem>>, vector<1x1xf32>
    %get3A_155 = vector.extract %get3A_154[0, 0] : f32 from vector<1x1xf32>
    %get3A_156 = arith.constant 1 : index
    %get3A_157 = arith.constant 6 : index
    %get3A_158 = vector.load %arg4[%get3A_156, %get3A_157] : memref<8x128xf32, #tpu.memory_space<vmem>>, vector<1x1xf32>
    %get3A_159 = vector.extract %get3A_158[0, 0] : f32 from vector<1x1xf32>
    %get3A_160 = arith.constant 2 : index
    %get3A_161 = arith.constant 6 : index
    %get3A_162 = vector.load %arg4[%get3A_160, %get3A_161] : memref<8x128xf32, #tpu.memory_space<vmem>>, vector<1x1xf32>
    %get3A_163 = vector.extract %get3A_162[0, 0] : f32 from vector<1x1xf32>
    %mul3A_164 = vector.broadcast %get3A_155 : f32 to vector<784x128xf32>
    %mul3A_165 = arith.mulf %add3A_19, %mul3A_164 : vector<784x128xf32>
    %add3A_166 = vector.broadcast %get3A_159 : f32 to vector<784x128xf32>
    %add3A_167 = arith.addf %mul3A_165, %add3A_166 : vector<784x128xf32>
    %max3A_168 = arith.constant 0.000000e+00 : f32
    %max3A_169 = vector.broadcast %max3A_168 : f32 to vector<784x128xf32>
    %max3A_170 = arith.maximumf %add3A_167, %max3A_169 : vector<784x128xf32>
    %mul3A_171 = vector.broadcast %get3A_163 : f32 to vector<784x128xf32>
    %mul3A_172 = arith.mulf %max3A_170, %mul3A_171 : vector<784x128xf32>
    %add3A_173 = arith.addf %add3A_151, %mul3A_172 : vector<784x128xf32>
    %get3A_174 = arith.constant 0 : index
    %get3A_175 = arith.constant 7 : index
    %get3A_176 = vector.load %arg4[%get3A_174, %get3A_175] : memref<8x128xf32, #tpu.memory_space<vmem>>, vector<1x1xf32>
    %get3A_177 = vector.extract %get3A_176[0, 0] : f32 from vector<1x1xf32>
    %get3A_178 = arith.constant 1 : index
    %get3A_179 = arith.constant 7 : index
    %get3A_180 = vector.load %arg4[%get3A_178, %get3A_179] : memref<8x128xf32, #tpu.memory_space<vmem>>, vector<1x1xf32>
    %get3A_181 = vector.extract %get3A_180[0, 0] : f32 from vector<1x1xf32>
    %get3A_182 = arith.constant 2 : index
    %get3A_183 = arith.constant 7 : index
    %get3A_184 = vector.load %arg4[%get3A_182, %get3A_183] : memref<8x128xf32, #tpu.memory_space<vmem>>, vector<1x1xf32>
    %get3A_185 = vector.extract %get3A_184[0, 0] : f32 from vector<1x1xf32>
    %mul3A_186 = vector.broadcast %get3A_177 : f32 to vector<784x128xf32>
    %mul3A_187 = arith.mulf %add3A_19, %mul3A_186 : vector<784x128xf32>
    %add3A_188 = vector.broadcast %get3A_181 : f32 to vector<784x128xf32>
    %add3A_189 = arith.addf %mul3A_187, %add3A_188 : vector<784x128xf32>
    %max3A_190 = arith.constant 0.000000e+00 : f32
    %max3A_191 = vector.broadcast %max3A_190 : f32 to vector<784x128xf32>
    %max3A_192 = arith.maximumf %add3A_189, %max3A_191 : vector<784x128xf32>
    %mul3A_193 = vector.broadcast %get3A_185 : f32 to vector<784x128xf32>
    %mul3A_194 = arith.mulf %max3A_192, %mul3A_193 : vector<784x128xf32>
    %add3A_195 = arith.addf %add3A_173, %mul3A_194 : vector<784x128xf32>
    %get3A_196 = arith.constant 0 : index
    %get3A_197 = arith.constant 8 : index
    %get3A_198 = vector.load %arg4[%get3A_196, %get3A_197] : memref<8x128xf32, #tpu.memory_space<vmem>>, vector<1x1xf32>
    %get3A_199 = vector.extract %get3A_198[0, 0] : f32 from vector<1x1xf32>
    %get3A_200 = arith.constant 1 : index
    %get3A_201 = arith.constant 8 : index
    %get3A_202 = vector.load %arg4[%get3A_200, %get3A_201] : memref<8x128xf32, #tpu.memory_space<vmem>>, vector<1x1xf32>
    %get3A_203 = vector.extract %get3A_202[0, 0] : f32 from vector<1x1xf32>
    %get3A_204 = arith.constant 2 : index
    %get3A_205 = arith.constant 8 : index
    %get3A_206 = vector.load %arg4[%get3A_204, %get3A_205] : memref<8x128xf32, #tpu.memory_space<vmem>>, vector<1x1xf32>
    %get3A_207 = vector.extract %get3A_206[0, 0] : f32 from vector<1x1xf32>
    %mul3A_208 = vector.broadcast %get3A_199 : f32 to vector<784x128xf32>
    %mul3A_209 = arith.mulf %add3A_19, %mul3A_208 : vector<784x128xf32>
    %add3A_210 = vector.broadcast %get3A_203 : f32 to vector<784x128xf32>
    %add3A_211 = arith.addf %mul3A_209, %add3A_210 : vector<784x128xf32>
    %max3A_212 = arith.constant 0.000000e+00 : f32
    %max3A_213 = vector.broadcast %max3A_212 : f32 to vector<784x128xf32>
    %max3A_214 = arith.maximumf %add3A_211, %max3A_213 : vector<784x128xf32>
    %mul3A_215 = vector.broadcast %get3A_207 : f32 to vector<784x128xf32>
    %mul3A_216 = arith.mulf %max3A_214, %mul3A_215 : vector<784x128xf32>
    %add3A_217 = arith.addf %add3A_195, %mul3A_216 : vector<784x128xf32>
    %get3A_218 = arith.constant 0 : index
    %get3A_219 = arith.constant 9 : index
    %get3A_220 = vector.load %arg4[%get3A_218, %get3A_219] : memref<8x128xf32, #tpu.memory_space<vmem>>, vector<1x1xf32>
    %get3A_221 = vector.extract %get3A_220[0, 0] : f32 from vector<1x1xf32>
    %get3A_222 = arith.constant 1 : index
    %get3A_223 = arith.constant 9 : index
    %get3A_224 = vector.load %arg4[%get3A_222, %get3A_223] : memref<8x128xf32, #tpu.memory_space<vmem>>, vector<1x1xf32>
    %get3A_225 = vector.extract %get3A_224[0, 0] : f32 from vector<1x1xf32>
    %get3A_226 = arith.constant 2 : index
    %get3A_227 = arith.constant 9 : index
    %get3A_228 = vector.load %arg4[%get3A_226, %get3A_227] : memref<8x128xf32, #tpu.memory_space<vmem>>, vector<1x1xf32>
    %get3A_229 = vector.extract %get3A_228[0, 0] : f32 from vector<1x1xf32>
    %mul3A_230 = vector.broadcast %get3A_221 : f32 to vector<784x128xf32>
    %mul3A_231 = arith.mulf %add3A_19, %mul3A_230 : vector<784x128xf32>
    %add3A_232 = vector.broadcast %get3A_225 : f32 to vector<784x128xf32>
    %add3A_233 = arith.addf %mul3A_231, %add3A_232 : vector<784x128xf32>
    %max3A_234 = arith.constant 0.000000e+00 : f32
    %max3A_235 = vector.broadcast %max3A_234 : f32 to vector<784x128xf32>
    %max3A_236 = arith.maximumf %add3A_233, %max3A_235 : vector<784x128xf32>
    %mul3A_237 = vector.broadcast %get3A_229 : f32 to vector<784x128xf32>
    %mul3A_238 = arith.mulf %max3A_236, %mul3A_237 : vector<784x128xf32>
    %add3A_239 = arith.addf %add3A_217, %mul3A_238 : vector<784x128xf32>
    %get3A_240 = arith.constant 0 : index
    %get3A_241 = arith.constant 10 : index
    %get3A_242 = vector.load %arg4[%get3A_240, %get3A_241] : memref<8x128xf32, #tpu.memory_space<vmem>>, vector<1x1xf32>
    %get3A_243 = vector.extract %get3A_242[0, 0] : f32 from vector<1x1xf32>
    %get3A_244 = arith.constant 1 : index
    %get3A_245 = arith.constant 10 : index
    %get3A_246 = vector.load %arg4[%get3A_244, %get3A_245] : memref<8x128xf32, #tpu.memory_space<vmem>>, vector<1x1xf32>
    %get3A_247 = vector.extract %get3A_246[0, 0] : f32 from vector<1x1xf32>
    %get3A_248 = arith.constant 2 : index
    %get3A_249 = arith.constant 10 : index
    %get3A_250 = vector.load %arg4[%get3A_248, %get3A_249] : memref<8x128xf32, #tpu.memory_space<vmem>>, vector<1x1xf32>
    %get3A_251 = vector.extract %get3A_250[0, 0] : f32 from vector<1x1xf32>
    %mul3A_252 = vector.broadcast %get3A_243 : f32 to vector<784x128xf32>
    %mul3A_253 = arith.mulf %add3A_19, %mul3A_252 : vector<784x128xf32>
    %add3A_254 = vector.broadcast %get3A_247 : f32 to vector<784x128xf32>
    %add3A_255 = arith.addf %mul3A_253, %add3A_254 : vector<784x128xf32>
    %max3A_256 = arith.constant 0.000000e+00 : f32
    %max3A_257 = vector.broadcast %max3A_256 : f32 to vector<784x128xf32>
    %max3A_258 = arith.maximumf %add3A_255, %max3A_257 : vector<784x128xf32>
    %mul3A_259 = vector.broadcast %get3A_251 : f32 to vector<784x128xf32>
    %mul3A_260 = arith.mulf %max3A_258, %mul3A_259 : vector<784x128xf32>
    %add3A_261 = arith.addf %add3A_239, %mul3A_260 : vector<784x128xf32>
    %get3A_262 = arith.constant 0 : index
    %get3A_263 = arith.constant 11 : index
    %get3A_264 = vector.load %arg4[%get3A_262, %get3A_263] : memref<8x128xf32, #tpu.memory_space<vmem>>, vector<1x1xf32>
    %get3A_265 = vector.extract %get3A_264[0, 0] : f32 from vector<1x1xf32>
    %get3A_266 = arith.constant 1 : index
    %get3A_267 = arith.constant 11 : index
    %get3A_268 = vector.load %arg4[%get3A_266, %get3A_267] : memref<8x128xf32, #tpu.memory_space<vmem>>, vector<1x1xf32>
    %get3A_269 = vector.extract %get3A_268[0, 0] : f32 from vector<1x1xf32>
    %get3A_270 = arith.constant 2 : index
    %get3A_271 = arith.constant 11 : index
    %get3A_272 = vector.load %arg4[%get3A_270, %get3A_271] : memref<8x128xf32, #tpu.memory_space<vmem>>, vector<1x1xf32>
    %get3A_273 = vector.extract %get3A_272[0, 0] : f32 from vector<1x1xf32>
    %mul3A_274 = vector.broadcast %get3A_265 : f32 to vector<784x128xf32>
    %mul3A_275 = arith.mulf %add3A_19, %mul3A_274 : vector<784x128xf32>
    %add3A_276 = vector.broadcast %get3A_269 : f32 to vector<784x128xf32>
    %add3A_277 = arith.addf %mul3A_275, %add3A_276 : vector<784x128xf32>
    %max3A_278 = arith.constant 0.000000e+00 : f32
    %max3A_279 = vector.broadcast %max3A_278 : f32 to vector<784x128xf32>
    %max3A_280 = arith.maximumf %add3A_277, %max3A_279 : vector<784x128xf32>
    %mul3A_281 = vector.broadcast %get3A_273 : f32 to vector<784x128xf32>
    %mul3A_282 = arith.mulf %max3A_280, %mul3A_281 : vector<784x128xf32>
    %add3A_283 = arith.addf %add3A_261, %mul3A_282 : vector<784x128xf32>
    %get3A_284 = arith.constant 0 : index
    %get3A_285 = arith.constant 12 : index
    %get3A_286 = vector.load %arg4[%get3A_284, %get3A_285] : memref<8x128xf32, #tpu.memory_space<vmem>>, vector<1x1xf32>
    %get3A_287 = vector.extract %get3A_286[0, 0] : f32 from vector<1x1xf32>
    %get3A_288 = arith.constant 1 : index
    %get3A_289 = arith.constant 12 : index
    %get3A_290 = vector.load %arg4[%get3A_288, %get3A_289] : memref<8x128xf32, #tpu.memory_space<vmem>>, vector<1x1xf32>
    %get3A_291 = vector.extract %get3A_290[0, 0] : f32 from vector<1x1xf32>
    %get3A_292 = arith.constant 2 : index
    %get3A_293 = arith.constant 12 : index
    %get3A_294 = vector.load %arg4[%get3A_292, %get3A_293] : memref<8x128xf32, #tpu.memory_space<vmem>>, vector<1x1xf32>
    %get3A_295 = vector.extract %get3A_294[0, 0] : f32 from vector<1x1xf32>
    %mul3A_296 = vector.broadcast %get3A_287 : f32 to vector<784x128xf32>
    %mul3A_297 = arith.mulf %add3A_19, %mul3A_296 : vector<784x128xf32>
    %add3A_298 = vector.broadcast %get3A_291 : f32 to vector<784x128xf32>
    %add3A_299 = arith.addf %mul3A_297, %add3A_298 : vector<784x128xf32>
    %max3A_300 = arith.constant 0.000000e+00 : f32
    %max3A_301 = vector.broadcast %max3A_300 : f32 to vector<784x128xf32>
    %max3A_302 = arith.maximumf %add3A_299, %max3A_301 : vector<784x128xf32>
    %mul3A_303 = vector.broadcast %get3A_295 : f32 to vector<784x128xf32>
    %mul3A_304 = arith.mulf %max3A_302, %mul3A_303 : vector<784x128xf32>
    %add3A_305 = arith.addf %add3A_283, %mul3A_304 : vector<784x128xf32>
    %get3A_306 = arith.constant 0 : index
    %get3A_307 = arith.constant 13 : index
    %get3A_308 = vector.load %arg4[%get3A_306, %get3A_307] : memref<8x128xf32, #tpu.memory_space<vmem>>, vector<1x1xf32>
    %get3A_309 = vector.extract %get3A_308[0, 0] : f32 from vector<1x1xf32>
    %get3A_310 = arith.constant 1 : index
    %get3A_311 = arith.constant 13 : index
    %get3A_312 = vector.load %arg4[%get3A_310, %get3A_311] : memref<8x128xf32, #tpu.memory_space<vmem>>, vector<1x1xf32>
    %get3A_313 = vector.extract %get3A_312[0, 0] : f32 from vector<1x1xf32>
    %get3A_314 = arith.constant 2 : index
    %get3A_315 = arith.constant 13 : index
    %get3A_316 = vector.load %arg4[%get3A_314, %get3A_315] : memref<8x128xf32, #tpu.memory_space<vmem>>, vector<1x1xf32>
    %get3A_317 = vector.extract %get3A_316[0, 0] : f32 from vector<1x1xf32>
    %mul3A_318 = vector.broadcast %get3A_309 : f32 to vector<784x128xf32>
    %mul3A_319 = arith.mulf %add3A_19, %mul3A_318 : vector<784x128xf32>
    %add3A_320 = vector.broadcast %get3A_313 : f32 to vector<784x128xf32>
    %add3A_321 = arith.addf %mul3A_319, %add3A_320 : vector<784x128xf32>
    %max3A_322 = arith.constant 0.000000e+00 : f32
    %max3A_323 = vector.broadcast %max3A_322 : f32 to vector<784x128xf32>
    %max3A_324 = arith.maximumf %add3A_321, %max3A_323 : vector<784x128xf32>
    %mul3A_325 = vector.broadcast %get3A_317 : f32 to vector<784x128xf32>
    %mul3A_326 = arith.mulf %max3A_324, %mul3A_325 : vector<784x128xf32>
    %add3A_327 = arith.addf %add3A_305, %mul3A_326 : vector<784x128xf32>
    %get3A_328 = arith.constant 0 : index
    %get3A_329 = arith.constant 14 : index
    %get3A_330 = vector.load %arg4[%get3A_328, %get3A_329] : memref<8x128xf32, #tpu.memory_space<vmem>>, vector<1x1xf32>
    %get3A_331 = vector.extract %get3A_330[0, 0] : f32 from vector<1x1xf32>
    %get3A_332 = arith.constant 1 : index
    %get3A_333 = arith.constant 14 : index
    %get3A_334 = vector.load %arg4[%get3A_332, %get3A_333] : memref<8x128xf32, #tpu.memory_space<vmem>>, vector<1x1xf32>
    %get3A_335 = vector.extract %get3A_334[0, 0] : f32 from vector<1x1xf32>
    %get3A_336 = arith.constant 2 : index
    %get3A_337 = arith.constant 14 : index
    %get3A_338 = vector.load %arg4[%get3A_336, %get3A_337] : memref<8x128xf32, #tpu.memory_space<vmem>>, vector<1x1xf32>
    %get3A_339 = vector.extract %get3A_338[0, 0] : f32 from vector<1x1xf32>
    %mul3A_340 = vector.broadcast %get3A_331 : f32 to vector<784x128xf32>
    %mul3A_341 = arith.mulf %add3A_19, %mul3A_340 : vector<784x128xf32>
    %add3A_342 = vector.broadcast %get3A_335 : f32 to vector<784x128xf32>
    %add3A_343 = arith.addf %mul3A_341, %add3A_342 : vector<784x128xf32>
    %max3A_344 = arith.constant 0.000000e+00 : f32
    %max3A_345 = vector.broadcast %max3A_344 : f32 to vector<784x128xf32>
    %max3A_346 = arith.maximumf %add3A_343, %max3A_345 : vector<784x128xf32>
    %mul3A_347 = vector.broadcast %get3A_339 : f32 to vector<784x128xf32>
    %mul3A_348 = arith.mulf %max3A_346, %mul3A_347 : vector<784x128xf32>
    %add3A_349 = arith.addf %add3A_327, %mul3A_348 : vector<784x128xf32>
    %get3A_350 = arith.constant 0 : index
    %get3A_351 = arith.constant 15 : index
    %get3A_352 = vector.load %arg4[%get3A_350, %get3A_351] : memref<8x128xf32, #tpu.memory_space<vmem>>, vector<1x1xf32>
    %get3A_353 = vector.extract %get3A_352[0, 0] : f32 from vector<1x1xf32>
    %get3A_354 = arith.constant 1 : index
    %get3A_355 = arith.constant 15 : index
    %get3A_356 = vector.load %arg4[%get3A_354, %get3A_355] : memref<8x128xf32, #tpu.memory_space<vmem>>, vector<1x1xf32>
    %get3A_357 = vector.extract %get3A_356[0, 0] : f32 from vector<1x1xf32>
    %get3A_358 = arith.constant 2 : index
    %get3A_359 = arith.constant 15 : index
    %get3A_360 = vector.load %arg4[%get3A_358, %get3A_359] : memref<8x128xf32, #tpu.memory_space<vmem>>, vector<1x1xf32>
    %get3A_361 = vector.extract %get3A_360[0, 0] : f32 from vector<1x1xf32>
    %mul3A_362 = vector.broadcast %get3A_353 : f32 to vector<784x128xf32>
    %mul3A_363 = arith.mulf %add3A_19, %mul3A_362 : vector<784x128xf32>
    %add3A_364 = vector.broadcast %get3A_357 : f32 to vector<784x128xf32>
    %add3A_365 = arith.addf %mul3A_363, %add3A_364 : vector<784x128xf32>
    %max3A_366 = arith.constant 0.000000e+00 : f32
    %max3A_367 = vector.broadcast %max3A_366 : f32 to vector<784x128xf32>
    %max3A_368 = arith.maximumf %add3A_365, %max3A_367 : vector<784x128xf32>
    %mul3A_369 = vector.broadcast %get3A_361 : f32 to vector<784x128xf32>
    %mul3A_370 = arith.mulf %max3A_368, %mul3A_369 : vector<784x128xf32>
    %add3A_371 = arith.addf %add3A_349, %mul3A_370 : vector<784x128xf32>
    %swap3A = arith.constant 0 : index
    %swap3A_372 = arith.constant 0 : index
    %swap3A_373 = vector.load %arg5[%swap3A, %swap3A_372] : memref<784x128xf32, #tpu.memory_space<vmem>>, vector<784x128xf32>
    tpu.vector_store %arg5[%swap3A, %swap3A_372], %add3A_371 {strides = array<i32>} : memref<784x128xf32, #tpu.memory_space<vmem>>, vector<784x128xf32>,
    %mul3A_374 = arith.mulf %get3A_1, %add3A_371 : vector<784x128xf32>
    %swap3A_375 = arith.constant 0 : index
    %swap3A_376 = arith.constant 0 : index
    %swap3A_377 = vector.load %arg6[%swap3A_375, %swap3A_376] : memref<784x128xf32, #tpu.memory_space<vmem>>, vector<784x128xf32>
    tpu.vector_store %arg6[%swap3A_375, %swap3A_376], %mul3A_374 {strides = array<i32>} : memref<784x128xf32, #tpu.memory_space<vmem>>, vector<784x128xf32>,
    return
  }
}

module attributes {stable_mosaic.version = 14 : i64} {
  func.func @body(%arg0: memref<2x784x128xf32, #tpu.memory_space<vmem>>, %arg1: memref<784x128xf32, #tpu.memory_space<vmem>>, %arg2: memref<784x128xf32, #tpu.memory_space<vmem>>, %arg3: memref<784x128xf32, #tpu.memory_space<vmem>>, %arg4: memref<8x128xf32, #tpu.memory_space<vmem>>, %arg5: memref<784x128xf32, #tpu.memory_space<vmem>>) attributes {dimension_semantics = [], scalar_prefetch = 0 : i64, scratch_operands = 0 : i64, tpu.core_type = #tpu.core_type<tc>} {
    %get3A = arith.constant 0 : index
    %get3A_0 = arith.constant 0 : index
    %get3A_1 = vector.load %arg1[%get3A, %get3A_0] : memref<784x128xf32, #tpu.memory_space<vmem>>, vector<784x128xf32>
    %get3A_2 = arith.constant 0 : index
    %get3A_3 = arith.constant 0 : index
    %get3A_4 = arith.constant 0 : index
    %get3A_5 = vector.load %arg0[%get3A_2, %get3A_3, %get3A_4] : memref<2x784x128xf32, #tpu.memory_space<vmem>>, vector<1x784x128xf32>
    %get3A_6 = vector.shape_cast %get3A_5 : vector<1x784x128xf32> to vector<784x128xf32>
    %get3A_7 = arith.constant 1 : index
    %get3A_8 = arith.constant 0 : index
    %get3A_9 = arith.constant 0 : index
    %get3A_10 = vector.load %arg0[%get3A_7, %get3A_8, %get3A_9] : memref<2x784x128xf32, #tpu.memory_space<vmem>>, vector<1x784x128xf32>
    %get3A_11 = vector.shape_cast %get3A_10 : vector<1x784x128xf32> to vector<784x128xf32>
    %add3A = arith.addf %get3A_6, %get3A_11 : vector<784x128xf32>
    %mul3A = arith.mulf %get3A_1, %add3A : vector<784x128xf32>
    %get3A_12 = arith.constant 0 : index
    %get3A_13 = arith.constant 0 : index
    %get3A_14 = vector.load %arg2[%get3A_12, %get3A_13] : memref<784x128xf32, #tpu.memory_space<vmem>>, vector<784x128xf32>
    %get3A_15 = arith.constant 0 : index
    %get3A_16 = arith.constant 0 : index
    %get3A_17 = vector.load %arg3[%get3A_15, %get3A_16] : memref<784x128xf32, #tpu.memory_space<vmem>>, vector<784x128xf32>
    %mul3A_18 = arith.mulf %get3A_14, %get3A_17 : vector<784x128xf32>
    %add3A_19 = arith.addf %mul3A, %mul3A_18 : vector<784x128xf32>
    %get3A_20 = arith.constant 3 : index
    %get3A_21 = arith.constant 0 : index
    %get3A_22 = vector.load %arg4[%get3A_20, %get3A_21] : memref<8x128xf32, #tpu.memory_space<vmem>>, vector<1x1xf32>
    %get3A_23 = vector.extract %get3A_22[0, 0] : f32 from vector<1x1xf32>
    %add3A_24 = vector.broadcast %get3A_23 : f32 to vector<784x128xf32>
    %add3A_25 = arith.addf %add3A_19, %add3A_24 : vector<784x128xf32>
    %sub3A = arith.subf %add3A_25, %add3A_25 : vector<784x128xf32>
    %exp3A = math.exp %sub3A : vector<784x128xf32>
    %log3A = math.log %exp3A : vector<784x128xf32>
    %sub3A_26 = arith.subf %sub3A, %log3A : vector<784x128xf32>
    %swap3A = arith.constant 0 : index
    %swap3A_27 = arith.constant 0 : index
    %swap3A_28 = vector.load %arg5[%swap3A, %swap3A_27] : memref<784x128xf32, #tpu.memory_space<vmem>>, vector<784x128xf32>
    tpu.vector_store %arg5[%swap3A, %swap3A_27], %sub3A_26 {strides = array<i32>} : memref<784x128xf32, #tpu.memory_space<vmem>>, vector<784x128xf32>,
    return
  }
}

</mosaic_0001>

<sc_bundles>
// kernel: kernel.11.cloned.1.call-start
scs
__scs_entry_jumppad:
0x0: {  	(pc) =	sbr.rel $0x88, $3  }
0x1: {  	(tag) =	ssettag $0x0;
	lr =	simm.s32 $0x1  }
0x2: {  	[smem:$0x3F9B] =	sst lr;
	_ =	strace $0xD0000000  }
0x3: {  	_ = 	snop  }
0x4: {  	_ = 	snop  }
0x5: {  	_ = 	snop  }
0x6: {  	_ = 	snop  }
0x7: {  	_ = 	snop  }
__scs_overlays_trampoline_lowered:
0x8: {  	[smem:$0x3FAA] =	sst s0  }
0x9: {  	[smem:$0x3FAB] =	sst s1  }
0xa: {  	[smem:$0x3FAC] =	sst s2  }
0xb: {  	[smem:$0x3FAD] =	sst s3  }
0xc: {  	[smem:$0x3FAE] =	sst s4  }
0xd: {  	[smem:$0x3FAF] =	sst s5  }
0xe: {  	[smem:$0x3FB0] =	sst s6  }
0xf: {  	[smem:$0x3FB1] =	sst s7  }
0x10: {  	[smem:$0x3FB2] =	sst s8  }
0x11: {  	[smem:$0x3FB3] =	sst s9;
	s0 =	simm.s32 @!p0 $0x0  }
0x12: {  	s1 =	sld [smem:$0x3F99];
	s0 =	simm.s32 @p0 $0x1  }
0x13: {  	[smem:$0x3FB4] =	sst s0;
	s0 =	simm.s32 @!p1 $0x0  }
0x14: {  	s2 =	sld [smem:$0x3F98];
	s0 =	simm.s32 @p1 $0x1  }
0x15: {  	[smem:$0x3FB5] =	sst s0;
	s0 =	simm.s32 @!p2 $0x0  }
0x16: {  	s3 =	sld [smem:$0x3FDB];
	s0 =	simm.s32 @p2 $0x1  }
0x17: {  	s4 =	simm.s32 $0x1BF5;
	[smem:$0x3FB7] =	sst s0  }
0x18: {  	s0 =	sld [smem:$0x3F9A];
	_ =	swait.ge [sflag:s4], $0x0  }
0x19: {  	s7 =	sld [smem:$0x3F9B]  }
0x1a: {  	s8 =	sadd.s32 $0xFFFFE003, lr  }
0x1b: {  	s9 =	sadd.s32 $0xFFFFFEF7, lr;
	s5 =	simm.s32 $0xFFFFFFFF;
	p2 =	slt.u32 s8, $0xFFFFF086  }
0x1c: {  	p1 =	slt.u32 s9, $0xF7A;
	s5 =	simm.s32 @!p2 $0x0  }
0x1d: {  	s5 =	simm.s32 @p1 $0x1;
	p0 =	seq.s32 s7, s2  }
0x1e: {  	s7 =	smul.u32 @!p0 $0xF7A, s2;
	p2 =	seq.s32 @!p0 s5, $0x0  }
0x1f: {  	s9 =	smul.u32 $0xF7A, s1;
	s8 =	simm.s32 @!p0 $0x1BF5;
	p2 =	por !p2, p0  }
0x20: {  	[sflag:s8] =	ssyncset.s32 @!p0 $0xFFFFF086;
	s6 =	sadd.s32 @!p0 s3, s7;
	s7 =	simm.s32 @!p0 $0x108  }
0x21: {  	s3 =	sadd.s32 s3, s9;
	s6 =	sadd.s32 @!p0 $0x88, s6;
	s7 =	simm.s32 @p2 $0x1082  }
0x22: {  	[simem:s7], [sflag:s8] =	dma.local @!p0 [hbm:s6], $0xF7A  }
0x23: {  	s9 =	sor.u32 $0xD0000000, s2;
	s6 =	simm.s32 $0x108;
	_ =	swait.ge @!p0 [sflag:s8], $0x0  }
0x24: {  	s3 =	sadd.s32 $0x88, s3;
	s6 =	simm.s32 @!p1 $0x1082;
	[sflag:s4] =	ssyncset.s32 $0xFFFFF086  }
0x25: {  	[simem:s6], [sflag:s4] =	dma.local [hbm:s3], $0xF7A  }
0x26: {  	[smem:$0x3F9B] =	sst s1;
	(tag) =	ssettag s2;
	_ =	strace s9  }
0x27: {  	s1 =	sld [smem:$0x3FAB]  }
0x28: {  	s2 =	sld [smem:$0x3FAC]  }
0x29: {  	s4 =	sld [smem:$0x3FAE]  }
0x2a: {  	p0 =	seq.s32 s5, $0x0;
	s5 =	sld [smem:$0x3FAF]  }
0x2b: {  	s6 =	sld [smem:$0x3FB0]  }
0x2c: {  	s7 =	sld [smem:$0x3FB1]  }
0x2d: {  	s3 =	simm.s32 $0x108;
	s8 =	sld [smem:$0x3FB2]  }
0x2e: {  	s3 =	simm.s32 @!p0 $0x1082;
	s9 =	sld [smem:$0x3FB3]  }
0x2f: {  	lr =	sadd.s32 s0, s3;
	s0 =	sld [smem:$0x3FAA]  }
0x30: {  	s3 =	sld [smem:$0x3FAD]  }
0x31: {  	[smem:$0x3FB6] =	sst s10  }
0x32: {  	s10 =	sld [smem:$0x3FB4];
	_ =	sdelay $0x3  }
0x33: {  	p0 =	seq.s32 s10, $0x1;
	s10 =	sld [smem:$0x3FB6];
	_ =	sdelay $0x3  }
0x34: {  	[smem:$0x3FB6] =	sst s10  }
0x35: {  	s10 =	sld [smem:$0x3FB5];
	_ =	sdelay $0x3  }
0x36: {  	p1 =	seq.s32 s10, $0x1;
	s10 =	sld [smem:$0x3FB6];
	_ =	sdelay $0x3  }
0x37: {  	[smem:$0x3FB6] =	sst s10  }
0x38: {  	s10 =	sld [smem:$0x3FB7]  }
0x39: {  	_ = 	snop;
	(pc) =	sbr.ind lr, $3  }
0x3a: {  	_ = 	snop  }
0x3b: {  	_ = 	snop  }
0x3c: {  	p2 =	seq.s32 s10, $0x1;
	s10 =	sld [smem:$0x3FB6]  }
0x3d: {  	_ =	shalt  }
0x3e: {  	_ =	shalt  }
0x3f: {  	_ =	shalt  }
0x40: {  	_ =	shalt  }
0x41: {  	_ =	shalt  }
0x42: {  	_ =	shalt  }
0x43: {  	_ =	shalt  }
0x44: {  	_ =	shalt  }
0x45: {  	_ =	shalt  }
0x46: {  	_ =	shalt  }
0x47: {  	_ =	shalt  }
0x48: {  	_ =	shalt  }
0x49: {  	_ =	shalt  }
0x4a: {  	_ =	shalt  }
0x4b: {  	_ =	shalt  }
0x4c: {  	_ =	shalt  }
0x4d: {  	_ =	shalt  }
0x4e: {  	_ =	shalt  }
0x4f: {  	_ =	shalt  }
0x50: {  	_ =	shalt  }
0x51: {  	_ =	shalt  }
0x52: {  	_ =	shalt  }
0x53: {  	_ =	shalt  }
0x54: {  	_ =	shalt  }
0x55: {  	_ =	shalt  }
0x56: {  	_ =	shalt  }
0x57: {  	_ =	shalt  }
0x58: {  	_ =	shalt  }
0x59: {  	_ =	shalt  }
0x5a: {  	_ =	shalt  }
0x5b: {  	_ =	shalt  }
0x5c: {  	_ =	shalt  }
0x5d: {  	_ =	shalt  }
0x5e: {  	_ =	shalt  }
0x5f: {  	_ =	shalt  }
0x60: {  	_ =	shalt  }
0x61: {  	_ =	shalt  }
0x62: {  	_ =	shalt  }
0x63: {  	_ =	shalt  }
0x64: {  	_ =	shalt  }
0x65: {  	_ =	shalt  }
0x66: {  	_ =	shalt  }
0x67: {  	_ =	shalt  }
0x68: {  	_ =	shalt  }
0x69: {  	_ =	shalt  }
0x6a: {  	_ =	shalt  }
0x6b: {  	_ =	shalt  }
0x6c: {  	_ =	shalt  }
0x6d: {  	_ =	shalt  }
0x6e: {  	_ =	shalt  }
0x6f: {  	_ =	shalt  }
0x70: {  	_ =	shalt  }
0x71: {  	_ =	shalt  }
0x72: {  	_ =	shalt  }
0x73: {  	_ =	shalt  }
0x74: {  	_ =	shalt  }
0x75: {  	_ =	shalt  }
0x76: {  	_ =	shalt  }
0x77: {  	_ =	shalt  }
0x78: {  	_ =	shalt  }
0x79: {  	_ =	shalt  }
0x7a: {  	_ =	shalt  }
0x7b: {  	_ =	shalt  }
0x7c: {  	_ =	shalt  }
0x7d: {  	_ =	shalt  }
0x7e: {  	_ =	shalt  }
0x7f: {  	_ =	shalt  }
0x80: {  	_ =	shalt  }
0x81: {  	_ =	shalt  }
0x82: {  	_ =	shalt  }
0x83: {  	_ =	shalt  }
0x84: {  	_ =	shalt  }
0x85: {  	_ =	shalt  }
0x86: {  	_ =	shalt  }
0x87: {  	_ =	shalt  }
.Lfunc_end0:
.L_simem_size_0:
called_computation.1_lowered:
.L_overlay_start_0:
0x88: {  	s2 =	sld [smem:$0x3FD9]  }
0x89: {  	s3 =	sld [smem:$0x3FFE];
	_ =	sdelay $0x1  }
0x8a: {  	s1 =	srdreg.scid  }
0x8b: {  	s0 =	sand.u32 $0x1, s1  }
0x8c: {  	s17 =	sshll.u32 s0, $0xA;
	s2 =	sadd.s32 s3, s2  }
0x8d: {  	s2 =	sadd.s32 s2, s17  }
0x8e: {  	[smem:$0x3FC2] =	sst s2  }
0x8f: {  	_ = 	snop  }
0x90: {  	s2 =	sld [smem:$0x3FD0];
	(tm) =	ssettm $0x1  }
0x91: {  	s18 =	sld [smem:$0x3FFB];
	_ =	sdelay $0x3  }
0x92: {  	_ =	strace s18  }
0x93: {  	s3 =	sld [smem:$0x3FFC];
	_ =	sdelay $0x3  }
0x94: {  	_ =	strace s3  }
0x95: {  	s3 =	sld [smem:$0x3FFD];
	_ =	sdelay $0x3  }
0x96: {  	_ =	strace s3  }
0x97: {  	_ =	strace $0x8FFFFFFF  }
0x98: {  	s19 =	sld [smem:$0x3FDB];
	_ =	sdelay $0x1  }
0x99: {  	s4 =	simm.s32 $_scs_section_size  }
0x9a: {  	s5 =	simm.s32 $_size__tile_overlayer_lowered;
	s6 =	simm.s32 $_tile_overlayer_lowered  }
0x9b: {  	s22 =	simm.s32 $0x1BFF;
	s21 =	sshll.u32 s6, $0x1;
	s3 =	sadd.s32 s4, s19  }
0x9c: {  	s7 =	simm.s32 $0x0;
	s20 =	sshll.u32 s5, $0x1;
	s5 =	sadd.s32 s21, s3  }
0x9d: {  	[timem:s7], [sflag:s22] =	dma.local [hbm:s5], s20  }
0x9e: {  	_ =	swait.ge [sflag:s22], s20  }
0x9f: {  	s4 =	ssub.s32 $0x0, s20;
	[sflag:s22] =	ssyncset.done $0x0  }
0xa0: {  	[sflag:s22] =	ssyncadd.s32 s4;
	_ =	sdelay $0x1  }
0xa1: {  	s23 =	simm.s32 $0x1B8B  }
0xa2: {  	_ =	swait.ge [sflag:s23], $0x1  }
0xa3: {  	[sflag:s23] =	ssyncset.done $0x0  }
0xa4: {  	s25 =	simm.s32 $0x1B8E;
	s24 =	sld [smem:$0x3FFE];
	[sflag:s23] =	ssyncadd.s32 $0xFFFFFFFF  }
0xa5: {  	s26 =	simm.s32 $execute0_lowered;
	[smem:$0x3FD2] =	sst s25  }
0xa6: {  	s5 =	sshll.u32 s26, $0x1;
	_ =	strace $0x80000049;
	[dreg:$0x1] =	wrdreg $0xFFFFFFFF  }
0xa7: {  	s28 =	simm.s32 $_size_execute0_lowered;
	s3 =	sadd.s32 s3, s5;
	[dreg:$0x0] =	wrdreg $0x0  }
0xa8: {  	s5 =	sshll.u32 s28, $0x1;
	[dreg:$0x2] =	wrdreg s3  }
0xa9: {  	[dreg:$0x3] =	wrdreg s5  }
0xaa: {  	[dreg:$0x4] =	wrdreg $0xC0  }
0xab: {  	_ =	task [dreg:s7], $0x5FFFF  }
0xac: {  	[dreg:$0x1] =	wrdreg $0xFFFFFFFF  }
0xad: {  	[dreg:$0x0] =	wrdreg $0x60  }
0xae: {  	[dreg:$0x2] =	wrdreg s24  }
0xaf: {  	[dreg:$0x3] =	wrdreg s2  }
0xb0: {  	[dreg:$0x4] =	wrdreg $0xDE000  }
0xb1: {  	[dreg:$0x5] =	wrdreg $0xC5800  }
0xb2: {  	[dreg:$0x6] =	wrdreg $0x9  }
0xb3: {  	_ =	task.clear_ibuf [dreg:s7], $0x7FFFF;
	_ =	strace $0x90000049  }
0xb4: {  	s29 =	simm.s32 $0x9;
	_ =	strace $0x8000004B  }
0xb5: {  	_ =	swait.ge [sflag:s29], $0x1  }
0xb6: {  	[sflag:s29] =	ssyncadd.s32 $0xFFFFFFFF  }
0xb7: {  	_ =	strace $0x9000004B  }
0xb8: {  	_ =	sfence  }
0xb9: {  	s30 =	sld [smem:$0x0];
	_ =	sdelay $0x2  }
0xba: {  	s31 =	sshll.u32 s1, $0xD;
	s1 =	sshrl.u32 s1, $0x2  }
0xbb: {  	s3 =	sand.u32 $0x4000, s31;
	s1 =	sadd.s32 s1, s30  }
0xbc: {  	s0 =	sor.u32 s3, s0;
	s1 =	sshll.u32 s1, $0x11  }
0xbd: {  	s0 =	sor.u32 s1, s0  }
0xbe: {  	s0 =	sadd.s32 $0x8F2B, s0  }
0xbf: {  	[sflag:s0] =	ssyncadd.remote.s32 $0x1  }
0xc0: {  	_ =	sfence.sel $0xFFFF  }
0xc1: {  	[dreg:$0x0] =	wrdreg $0xFFFFFFFF;
	(pc) =	sbr.abs _section_cstart, $3  }
0xc2: {  	[dreg:$0x1] =	wrdreg $0xFFFFFFFF  }
0xc3: {  	_ =	task.clear_ibuf [dreg:s7], $0x2FFFF;
	_ =	strace $0x9FFFFFFF  }
0xc4: {  	(tm) =	ssettm $0x7FFFFFFF  }
0xc5: {  	_ =	shalt  }
tec
execute0_lowered:
.L_overlay_start_1:
0x0: {  	(tag) =	ssettag $0x1  }
0x1: {  	s0 =	rddreg [dreg:$0x0]  }
0x2: {  	s1 =	rddreg [dreg:$0x1]  }
0x3: {  	s2 =	rddreg [dreg:$0x2]  }
0x4: {  	s3 =	rddreg [dreg:$0x3]  }
0x5: {  	s4 =	simm.s32 $0x0;
	s13 =	stileid.u32;
	s5 =	srdreg.scid  }
0x6: {  	s28 =	simm.s32 $0x9E00;
	s29 =	simm.s32 $0x1;
	s8 =	smul.u32 $0x3100, s13  }
0x7: {  	[smem:$0x7FF] =	sst s4;
	s7 =	sand.u32 $0x1, s5;
	s9 =	smul.u32 $0x1880, s13  }
0x8: {  	s5 =	sadd.s32 $0x63000, s0;
	s6 =	sadd.s32 $0x1400, s0;
	s19 =	smul.u32 $0x2710, s13  }
0x9: {  	s20 =	sshll.u32 s13, $0x6;
	_ =	strace $0x8000004A;
	s10 =	sshll.u32 s7, $0x7  }
0xa: {  	s11 =	ssub.s32 $0x2, s7;
	s7 =	ssub.s32 $0x0, s7;
	s8 =	sor.u32 s10, s8  }
0xb: {  	s16 =	sshrl.u32 s9, $0x3;
	s18 =	sshrl.u32 s11, $0x1;
	s17 =	sadd.s32 s9, s2  }
0xc: {  	s21 =	sand.u32 $0x186A00, s7;
	s23 =	sadd.s32 s9, s3;
	s8 =	sshrl.u32 s8, $0x3  }
0xd: {  	s12 =	sadd.s32 s16, s0;
	s14 =	ssub.s32 s11, s18;
	s18 =	sadd.s32 s19, s21  }
0xe: {  	[dreg:$0x6] =	wrdreg s23;
	s10 =	sadd.s32 s1, s16;
	s21 =	simm.s32 $0x3  }
0xf: {  	s23 =	simm.s32 $0x2;
	s0 =	sadd.s32 s8, s0;
	s22 =	sadd.s32 $0xC4C00, s12  }
0x10: {  	s8 =	sor.u32 $0x1C03, s20;
	s24 =	sshrl.u32 s18, $0x3;
	s14 =	smax.u32 s14, $0x1  }
0x11: {  	s26 =	sadd.s32 $0x27100, s18;
	s31 =	sadd.s32 $0x4E200, s18;
	s20 =	sshrl.u32 s17, $0x3  }
0x12: {  	[dreg:$0x5] =	wrdreg s22;
	s11 =	sadd.s32 s5, s24;
	s12 =	sadd.s32 s6, s24  }
0x13: {  	s13 =	sadd.s32 $0xC7E00, s0;
	s25 =	sadd.s32 $0x2BF20, s24;
	s30 =	sshrl.u32 s26, $0x3  }
0x14: {  	s22 =	simm.s32 $0x2780;
	s24 =	simm.s32 $0x4F00;
	s26 =	simm.s32 $0x2710  }
0x15: {  	s0 =	simm.s32 $0x0;
	s15 =	sadd.s32 s5, s25;
	s16 =	sadd.s32 s6, s25  }
0x16: {  	s18 =	sadd.s32 s30, s6;
	s19 =	sadd.s32 s30, s5;
	s25 =	simm.s32 $0x7680  }
.LBB2_1:
0x17: {  	s1 =	rddreg [dreg:$0x5]  }
0x18: {  	[spmem:s20], [sflag:s8] =	dma.local [hbm:s1], $0x310  }
0x19: {  	_ =	swait.ge [sflag:s21], $0x310  }
0x1a: {  	[sflag:s21] =	ssyncset.done $0x0;
	s17 =	rddreg [dreg:$0x6]  }
0x1b: {  	[sflag:s21] =	ssyncadd.s32 $0xFFFFFCF0;
	s1 =	sshrl.u32 s17, $0x3  }
0x1c: {  	[spmem:s1], [sflag:s8] =	dma.local [hbm:s10], $0x310  }
0x1d: {  	_ =	swait.ge [sflag:s21], $0x310  }
0x1e: {  	[sflag:s21] =	ssyncset.done $0x0  }
0x1f: {  	[sflag:s21] =	ssyncadd.s32 $0xFFFFFCF0  }
0x20: {  	[bflag:$0x0] =	sbarrier.arrive $0xFFFF  }
0x21: {  	[tilespmem:s4], [sflag:$0x2] =	stream.linear.gather [hbm4b:s11+s4], $0x2710, $0x38;
	[tilespmem:$0xF680] =	vst v63  }
0x22: {  	_ = 	snop  }
0x23: {  	[tilespmem:s22], [sflag:$0x2] =	stream.linear.gather [hbm4b:s12+s4], $0x2710, $0x38;
	[tilespmem:$0xF680] =	vst v63  }
0x24: {  	_ =	swait.ge [sflag:s23], $0x2710  }
0x25: {  	[sflag:s23] =	ssyncset.done $0x0  }
0x26: {  	[sflag:s23] =	ssyncadd.s32 $0xFFFFD8F0  }
0x27: {  	_ =	swait.ge [sflag:s23], $0x2710  }
0x28: {  	[sflag:s23] =	ssyncset.done $0x0  }
0x29: {  	s17 =	sadd.s32 $0x0, s19;
	[sflag:s23] =	ssyncadd.s32 $0xFFFFD8F0  }
0x2a: {  	[tilespmem:s24], [sflag:$0x2] =	stream.linear.gather [hbm4b:s17+s4], $0x2710, $0x38;
	[tilespmem:$0xF680] =	vst v63  }
0x2b: {  	s7 =	sadd.s32 $0x0, s18  }
0x2c: {  	[tilespmem:s25], [sflag:$0x2] =	stream.linear.gather [hbm4b:s7+s4], $0x2710, $0x38;
	[tilespmem:$0xF680] =	vst v63  }
0x2d: {  	_ = 	snop  }
0x2e: {  	[tilespmem:s28], [sflag:$0x1] =	stream.indirect.gather [spmem:s2], $0x1, s4, s26, $0xb8;
	[tilespmem:$0xF680] =	vst v63  }
0x2f: {  	_ =	swait.ge [sflag:s29], $0x2710  }
0x30: {  	[sflag:s29] =	ssyncset.done $0x0  }
0x31: {  	[sflag:s29] =	ssyncadd.s32 $0xFFFFD8F0  }
0x32: {  	[spmem:s3] =	stream.indirect.scatter.add.f32 [tilespmem:s28], [sflag:$0x3], $0x1, s22, s26, $0xb8;
	[tilespmem:$0xF680] =	vst v63  }
0x33: {  	_ =	swait.ge [sflag:s21], $0x2710  }
0x34: {  	[sflag:s21] =	ssyncset.done $0x0  }
0x35: {  	[sflag:s21] =	ssyncadd.s32 $0xFFFFD8F0  }
0x36: {  	_ =	swait.ge [sflag:s23], $0x2710  }
0x37: {  	[sflag:s23] =	ssyncset.done $0x0  }
0x38: {  	[sflag:s23] =	ssyncadd.s32 $0xFFFFD8F0  }
0x39: {  	_ =	swait.ge [sflag:s23], $0x2710  }
0x3a: {  	s9 =	sshrl.u32 s31, $0x3;
	[sflag:s23] =	ssyncset.done $0x0  }
0x3b: {  	s30 =	sadd.s32 s5, s9;
	[sflag:s23] =	ssyncadd.s32 $0xFFFFD8F0  }
0x3c: {  	[tilespmem:s4], [sflag:$0x2] =	stream.linear.gather [hbm4b:s30+s4], $0x2710, $0x38;
	[tilespmem:$0xF680] =	vst v63  }
0x3d: {  	s17 =	sadd.s32 s6, s9  }
0x3e: {  	[tilespmem:s22], [sflag:$0x2] =	stream.linear.gather [hbm4b:s17+s4], $0x2710, $0x38;
	[tilespmem:$0xF680] =	vst v63  }
0x3f: {  	_ = 	snop  }
0x40: {  	[tilespmem:s28], [sflag:$0x1] =	stream.indirect.gather [spmem:s2], $0x1, s24, s26, $0xb8;
	[tilespmem:$0xF680] =	vst v63  }
0x41: {  	_ =	swait.ge [sflag:s29], $0x2710  }
0x42: {  	[sflag:s29] =	ssyncset.done $0x0  }
0x43: {  	[sflag:s29] =	ssyncadd.s32 $0xFFFFD8F0  }
0x44: {  	[spmem:s3] =	stream.indirect.scatter.add.f32 [tilespmem:s28], [sflag:$0x3], $0x1, s25, s26, $0xb8;
	[tilespmem:$0xF680] =	vst v63  }
0x45: {  	_ =	swait.ge [sflag:s21], $0x2710  }
0x46: {  	s30 =	simm.s32 $0x9C40;
	s17 =	smov.u32 s31;
	[sflag:s21] =	ssyncset.done $0x0  }
.LBB2_2:
0x47: {  	p0 =	sne.s32 s30, $0x1D4C0;
	[sflag:s21] =	ssyncadd.s32 $0xFFFFD8F0;
	s17 =	sadd.s32 $0x4E200, s17  }
0x48: {  	s7 =	smov.u32 s30;
	s30 =	sadd.s32 $0x9C40, s30;
	_ =	swait.ge [sflag:s23], $0x2710  }
0x49: {  	[sflag:s23] =	ssyncset.done $0x0  }
0x4a: {  	[sflag:s23] =	ssyncadd.s32 $0xFFFFD8F0  }
0x4b: {  	_ =	swait.ge [sflag:s23], $0x2710  }
0x4c: {  	[sflag:s23] =	ssyncset.done $0x0  }
0x4d: {  	s9 =	sadd.s32 s7, s19;
	[sflag:s23] =	ssyncadd.s32 $0xFFFFD8F0  }
0x4e: {  	[tilespmem:s24], [sflag:$0x2] =	stream.linear.gather [hbm4b:s9+s4], $0x2710, $0x38;
	[tilespmem:$0xF680] =	vst v63  }
0x4f: {  	s7 =	sadd.s32 s7, s18  }
0x50: {  	[tilespmem:s25], [sflag:$0x2] =	stream.linear.gather [hbm4b:s7+s4], $0x2710, $0x38;
	[tilespmem:$0xF680] =	vst v63  }
0x51: {  	_ = 	snop  }
0x52: {  	[tilespmem:s28], [sflag:$0x1] =	stream.indirect.gather [spmem:s2], $0x1, s4, s26, $0xb8;
	[tilespmem:$0xF680] =	vst v63  }
0x53: {  	_ =	swait.ge [sflag:s29], $0x2710  }
0x54: {  	[sflag:s29] =	ssyncset.done $0x0  }
0x55: {  	[sflag:s29] =	ssyncadd.s32 $0xFFFFD8F0  }
0x56: {  	[spmem:s3] =	stream.indirect.scatter.add.f32 [tilespmem:s28], [sflag:$0x3], $0x1, s22, s26, $0xb8;
	[tilespmem:$0xF680] =	vst v63  }
0x57: {  	_ =	swait.ge [sflag:s21], $0x2710  }
0x58: {  	[sflag:s21] =	ssyncset.done $0x0  }
0x59: {  	[sflag:s21] =	ssyncadd.s32 $0xFFFFD8F0  }
0x5a: {  	_ =	swait.ge [sflag:s23], $0x2710  }
0x5b: {  	[sflag:s23] =	ssyncset.done $0x0  }
0x5c: {  	[sflag:s23] =	ssyncadd.s32 $0xFFFFD8F0  }
0x5d: {  	_ =	swait.ge [sflag:s23], $0x2710  }
0x5e: {  	s7 =	sshrl.u32 s17, $0x3;
	[sflag:s23] =	ssyncset.done $0x0  }
0x5f: {  	s9 =	sadd.s32 s5, s7;
	[sflag:s23] =	ssyncadd.s32 $0xFFFFD8F0  }
0x60: {  	[tilespmem:s4], [sflag:$0x2] =	stream.linear.gather [hbm4b:s9+s4], $0x2710, $0x38;
	[tilespmem:$0xF680] =	vst v63  }
0x61: {  	s7 =	sadd.s32 s6, s7  }
0x62: {  	[tilespmem:s22], [sflag:$0x2] =	stream.linear.gather [hbm4b:s7+s4], $0x2710, $0x38;
	[tilespmem:$0xF680] =	vst v63  }
0x63: {  	_ = 	snop  }
0x64: {  	[tilespmem:s28], [sflag:$0x1] =	stream.indirect.gather [spmem:s2], $0x1, s24, s26, $0xb8;
	[tilespmem:$0xF680] =	vst v63  }
0x65: {  	_ =	swait.ge [sflag:s29], $0x2710  }
.Ltmp0:
0x66: {  	[sflag:s29] =	ssyncset.done $0x0;
	(pc) =	sbr.rel @p0 .LBB2_2-.Ltmp0, $4  }
0x67: {  	[sflag:s29] =	ssyncadd.s32 $0xFFFFD8F0  }
0x68: {  	[spmem:s3] =	stream.indirect.scatter.add.f32 [tilespmem:s28], [sflag:$0x3], $0x1, s25, s26, $0xb8;
	[tilespmem:$0xF680] =	vst v63  }
0x69: {  	_ =	swait.ge [sflag:s21], $0x2710  }
0x6a: {  	[sflag:s21] =	ssyncset.done $0x0  }
0x6b: {  	[sflag:s21] =	ssyncadd.s32 $0xFFFFD8F0  }
0x6c: {  	_ =	swait.ge [sflag:s23], $0x2710  }
0x6d: {  	[sflag:s23] =	ssyncset.done $0x0  }
0x6e: {  	[sflag:s23] =	ssyncadd.s32 $0xFFFFD8F0  }
0x6f: {  	_ =	swait.ge [sflag:s23], $0x2710  }
0x70: {  	[sflag:s23] =	ssyncset.done $0x0  }
0x71: {  	[sflag:s23] =	ssyncadd.s32 $0xFFFFD8F0  }
0x72: {  	[tilespmem:s24], [sflag:$0x2] =	stream.linear.gather [hbm4b:s15+s4], $0x2710, $0x38;
	[tilespmem:$0xF680] =	vst v63  }
0x73: {  	_ = 	snop  }
0x74: {  	[tilespmem:s25], [sflag:$0x2] =	stream.linear.gather [hbm4b:s16+s4], $0x2710, $0x38;
	[tilespmem:$0xF680] =	vst v63  }
0x75: {  	_ = 	snop  }
0x76: {  	[tilespmem:s28], [sflag:$0x1] =	stream.indirect.gather [spmem:s2], $0x1, s4, s26, $0xb8;
	[tilespmem:$0xF680] =	vst v63  }
0x77: {  	_ =	swait.ge [sflag:s29], $0x2710  }
0x78: {  	[sflag:s29] =	ssyncset.done $0x0  }
0x79: {  	[sflag:s29] =	ssyncadd.s32 $0xFFFFD8F0  }
0x7a: {  	[spmem:s3] =	stream.indirect.scatter.add.f32 [tilespmem:s28], [sflag:$0x3], $0x1, s22, s26, $0xb8;
	[tilespmem:$0xF680] =	vst v63  }
0x7b: {  	_ =	swait.ge [sflag:s21], $0x2710  }
0x7c: {  	[sflag:s21] =	ssyncset.done $0x0  }
0x7d: {  	[sflag:s21] =	ssyncadd.s32 $0xFFFFD8F0  }
0x7e: {  	_ =	swait.ge [sflag:s23], $0x2710  }
0x7f: {  	[sflag:s23] =	ssyncset.done $0x0  }
0x80: {  	[sflag:s23] =	ssyncadd.s32 $0xFFFFD8F0  }
0x81: {  	_ =	swait.ge [sflag:s23], $0x2710  }
0x82: {  	[sflag:s23] =	ssyncset.done $0x0  }
0x83: {  	[sflag:s23] =	ssyncadd.s32 $0xFFFFD8F0  }
0x84: {  	[tilespmem:s28], [sflag:$0x1] =	stream.indirect.gather [spmem:s2], $0x1, s24, s26, $0xb8;
	[tilespmem:$0xF680] =	vst v63  }
0x85: {  	_ =	swait.ge [sflag:s29], $0x2710  }
0x86: {  	[sflag:s29] =	ssyncset.done $0x0  }
0x87: {  	[sflag:s29] =	ssyncadd.s32 $0xFFFFD8F0  }
0x88: {  	[spmem:s3] =	stream.indirect.scatter.add.f32 [tilespmem:s28], [sflag:$0x3], $0x1, s25, s26, $0xb8;
	[tilespmem:$0xF680] =	vst v63  }
0x89: {  	_ =	swait.ge [sflag:s21], $0x2710  }
0x8a: {  	s0 =	sadd.s32 $0x1, s0;
	[sflag:s21] =	ssyncset.done $0x0  }
0x8b: {  	s7 =	simm.s32 $0x20;
	p0 =	sne.s32 s0, s14;
	[sflag:s21] =	ssyncadd.s32 $0xFFFFD8F0  }
.Ltmp1:
0x8c: {  	s9 =	simm.s32 $0x10;
	[bflag:$0x0] =	sbarrier.arrive $0xFFFF;
	(pc) =	sbr.rel @p0 .LBB2_1-.Ltmp1, $4  }
0x8d: {  	[hbm:s13@s7], [sflag:s8] =	dma.strided [spmem:s1@s9], $0x310, s29, $0x10   }
0x8e: {  	_ =	swait.ge [sflag:s21], $0x310  }
0x8f: {  	[sflag:s21] =	ssyncset.done $0x0  }
0x90: {  	[sflag:s21] =	ssyncadd.s32 $0xFFFFFCF0  }
0x91: {  	_ =	sfence.sel $0x180000  }
0x92: {  	[bflag:$0x0] =	sbarrier.arrive $0xFFFF  }
0x93: {  	_ =	strace $0x9000004A  }
0x94: {  	s0 =	stileid.u32;
	[bflag:$0x2] =	sbarrier.arrive $0xFFFF  }
0x95: {  	p0 =	sne.s32 s0, $0x0;
	s0 =	rddreg [dreg:$0x4]  }
0x96: {  	s0 =	sadd.s32 @!p0 $0x100000, s0  }
0x97: {  	[sflag:s0] =	ssyncadd.tile.s32 @!p0 $0x1;
	_ =	shalt  }
.Lfunc_end2:
_tile_overlayer_lowered:
.L_overlay_start_2:
0x98: {  	(tag) =	ssettag $0x2  }
0x99: {  	s0 =	rddreg [dreg:$0x0];
	s2 =	stileid.u32  }
0x9a: {  	s1 =	rddreg [dreg:$0x1];
	p0 =	sne.s32 s2, $0x0  }
0x9b: {  	s3 =	rddreg [dreg:$0x2];
	[bflag:$0x3] =	sbarrier.arrive $0xFFFF;
	s2 =	simm.s32 @!p0 $0x1C03  }
0x9c: {  	[timem:s3], [sflag:s2] =	dma.local @!p0 [hbm:s0], s1  }
0x9d: {  	s0 =	simm.s32 @!p0 $0x3  }
0x9e: {  	_ =	swait.ge @!p0 [sflag:s0], s1  }
0x9f: {  	s1 =	ssub.s32 @!p0 $0x0, s1;
	[sflag:s0] =	ssyncset.done @!p0 $0x0  }
0xa0: {  	[sflag:s0] =	ssyncadd.s32 @!p0 s1  }
0xa1: {  	[bflag:$0x3] =	sbarrier.arrive $0xFFFF  }
0xa2: {  	_ =	shalt  }

// kernel: kernel.14.cloned.1.call-start
scs
__scs_entry_jumppad:
0x0: {  	(pc) =	sbr.rel $0x88, $3  }
0x1: {  	(tag) =	ssettag $0x0;
	lr =	simm.s32 $0x1  }
0x2: {  	[smem:$0x3F9B] =	sst lr;
	_ =	strace $0xD0000000  }
0x3: {  	_ = 	snop  }
0x4: {  	_ = 	snop  }
0x5: {  	_ = 	snop  }
0x6: {  	_ = 	snop  }
0x7: {  	_ = 	snop  }
__scs_overlays_trampoline_lowered:
0x8: {  	[smem:$0x3FAA] =	sst s0  }
0x9: {  	[smem:$0x3FAB] =	sst s1  }
0xa: {  	[smem:$0x3FAC] =	sst s2  }
0xb: {  	[smem:$0x3FAD] =	sst s3  }
0xc: {  	[smem:$0x3FAE] =	sst s4  }
0xd: {  	[smem:$0x3FAF] =	sst s5  }
0xe: {  	[smem:$0x3FB0] =	sst s6  }
0xf: {  	[smem:$0x3FB1] =	sst s7  }
0x10: {  	[smem:$0x3FB2] =	sst s8  }
0x11: {  	[smem:$0x3FB3] =	sst s9;
	s0 =	simm.s32 @!p0 $0x0  }
0x12: {  	s1 =	sld [smem:$0x3F99];
	s0 =	simm.s32 @p0 $0x1  }
0x13: {  	[smem:$0x3FB4] =	sst s0;
	s0 =	simm.s32 @!p1 $0x0  }
0x14: {  	s2 =	sld [smem:$0x3F98];
	s0 =	simm.s32 @p1 $0x1  }
0x15: {  	[smem:$0x3FB5] =	sst s0;
	s0 =	simm.s32 @!p2 $0x0  }
0x16: {  	s3 =	sld [smem:$0x3FDB];
	s0 =	simm.s32 @p2 $0x1  }
0x17: {  	s4 =	simm.s32 $0x1BF5;
	[smem:$0x3FB7] =	sst s0  }
0x18: {  	s0 =	sld [smem:$0x3F9A];
	_ =	swait.ge [sflag:s4], $0x0  }
0x19: {  	s7 =	sld [smem:$0x3F9B]  }
0x1a: {  	s8 =	sadd.s32 $0xFFFFE003, lr  }
0x1b: {  	s9 =	sadd.s32 $0xFFFFFEF7, lr;
	s5 =	simm.s32 $0xFFFFFFFF;
	p2 =	slt.u32 s8, $0xFFFFF086  }
0x1c: {  	p1 =	slt.u32 s9, $0xF7A;
	s5 =	simm.s32 @!p2 $0x0  }
0x1d: {  	s5 =	simm.s32 @p1 $0x1;
	p0 =	seq.s32 s7, s2  }
0x1e: {  	s7 =	smul.u32 @!p0 $0xF7A, s2;
	p2 =	seq.s32 @!p0 s5, $0x0  }
0x1f: {  	s9 =	smul.u32 $0xF7A, s1;
	s8 =	simm.s32 @!p0 $0x1BF5;
	p2 =	por !p2, p0  }
0x20: {  	[sflag:s8] =	ssyncset.s32 @!p0 $0xFFFFF086;
	s6 =	sadd.s32 @!p0 s3, s7;
	s7 =	simm.s32 @!p0 $0x108  }
0x21: {  	s3 =	sadd.s32 s3, s9;
	s6 =	sadd.s32 @!p0 $0x88, s6;
	s7 =	simm.s32 @p2 $0x1082  }
0x22: {  	[simem:s7], [sflag:s8] =	dma.local @!p0 [hbm:s6], $0xF7A  }
0x23: {  	s9 =	sor.u32 $0xD0000000, s2;
	s6 =	simm.s32 $0x108;
	_ =	swait.ge @!p0 [sflag:s8], $0x0  }
0x24: {  	s3 =	sadd.s32 $0x88, s3;
	s6 =	simm.s32 @!p1 $0x1082;
	[sflag:s4] =	ssyncset.s32 $0xFFFFF086  }
0x25: {  	[simem:s6], [sflag:s4] =	dma.local [hbm:s3], $0xF7A  }
0x26: {  	[smem:$0x3F9B] =	sst s1;
	(tag) =	ssettag s2;
	_ =	strace s9  }
0x27: {  	s1 =	sld [smem:$0x3FAB]  }
0x28: {  	s2 =	sld [smem:$0x3FAC]  }
0x29: {  	s4 =	sld [smem:$0x3FAE]  }
0x2a: {  	p0 =	seq.s32 s5, $0x0;
	s5 =	sld [smem:$0x3FAF]  }
0x2b: {  	s6 =	sld [smem:$0x3FB0]  }
0x2c: {  	s7 =	sld [smem:$0x3FB1]  }
0x2d: {  	s3 =	simm.s32 $0x108;
	s8 =	sld [smem:$0x3FB2]  }
0x2e: {  	s3 =	simm.s32 @!p0 $0x1082;
	s9 =	sld [smem:$0x3FB3]  }
0x2f: {  	lr =	sadd.s32 s0, s3;
	s0 =	sld [smem:$0x3FAA]  }
0x30: {  	s3 =	sld [smem:$0x3FAD]  }
0x31: {  	[smem:$0x3FB6] =	sst s10  }
0x32: {  	s10 =	sld [smem:$0x3FB4];
	_ =	sdelay $0x3  }
0x33: {  	p0 =	seq.s32 s10, $0x1;
	s10 =	sld [smem:$0x3FB6];
	_ =	sdelay $0x3  }
0x34: {  	[smem:$0x3FB6] =	sst s10  }
0x35: {  	s10 =	sld [smem:$0x3FB5];
	_ =	sdelay $0x3  }
0x36: {  	p1 =	seq.s32 s10, $0x1;
	s10 =	sld [smem:$0x3FB6];
	_ =	sdelay $0x3  }
0x37: {  	[smem:$0x3FB6] =	sst s10  }
0x38: {  	s10 =	sld [smem:$0x3FB7]  }
0x39: {  	_ = 	snop;
	(pc) =	sbr.ind lr, $3  }
0x3a: {  	_ = 	snop  }
0x3b: {  	_ = 	snop  }
0x3c: {  	p2 =	seq.s32 s10, $0x1;
	s10 =	sld [smem:$0x3FB6]  }
0x3d: {  	_ =	shalt  }
0x3e: {  	_ =	shalt  }
0x3f: {  	_ =	shalt  }
0x40: {  	_ =	shalt  }
0x41: {  	_ =	shalt  }
0x42: {  	_ =	shalt  }
0x43: {  	_ =	shalt  }
0x44: {  	_ =	shalt  }
0x45: {  	_ =	shalt  }
0x46: {  	_ =	shalt  }
0x47: {  	_ =	shalt  }
0x48: {  	_ =	shalt  }
0x49: {  	_ =	shalt  }
0x4a: {  	_ =	shalt  }
0x4b: {  	_ =	shalt  }
0x4c: {  	_ =	shalt  }
0x4d: {  	_ =	shalt  }
0x4e: {  	_ =	shalt  }
0x4f: {  	_ =	shalt  }
0x50: {  	_ =	shalt  }
0x51: {  	_ =	shalt  }
0x52: {  	_ =	shalt  }
0x53: {  	_ =	shalt  }
0x54: {  	_ =	shalt  }
0x55: {  	_ =	shalt  }
0x56: {  	_ =	shalt  }
0x57: {  	_ =	shalt  }
0x58: {  	_ =	shalt  }
0x59: {  	_ =	shalt  }
0x5a: {  	_ =	shalt  }
0x5b: {  	_ =	shalt  }
0x5c: {  	_ =	shalt  }
0x5d: {  	_ =	shalt  }
0x5e: {  	_ =	shalt  }
0x5f: {  	_ =	shalt  }
0x60: {  	_ =	shalt  }
0x61: {  	_ =	shalt  }
0x62: {  	_ =	shalt  }
0x63: {  	_ =	shalt  }
0x64: {  	_ =	shalt  }
0x65: {  	_ =	shalt  }
0x66: {  	_ =	shalt  }
0x67: {  	_ =	shalt  }
0x68: {  	_ =	shalt  }
0x69: {  	_ =	shalt  }
0x6a: {  	_ =	shalt  }
0x6b: {  	_ =	shalt  }
0x6c: {  	_ =	shalt  }
0x6d: {  	_ =	shalt  }
0x6e: {  	_ =	shalt  }
0x6f: {  	_ =	shalt  }
0x70: {  	_ =	shalt  }
0x71: {  	_ =	shalt  }
0x72: {  	_ =	shalt  }
0x73: {  	_ =	shalt  }
0x74: {  	_ =	shalt  }
0x75: {  	_ =	shalt  }
0x76: {  	_ =	shalt  }
0x77: {  	_ =	shalt  }
0x78: {  	_ =	shalt  }
0x79: {  	_ =	shalt  }
0x7a: {  	_ =	shalt  }
0x7b: {  	_ =	shalt  }
0x7c: {  	_ =	shalt  }
0x7d: {  	_ =	shalt  }
0x7e: {  	_ =	shalt  }
0x7f: {  	_ =	shalt  }
0x80: {  	_ =	shalt  }
0x81: {  	_ =	shalt  }
0x82: {  	_ =	shalt  }
0x83: {  	_ =	shalt  }
0x84: {  	_ =	shalt  }
0x85: {  	_ =	shalt  }
0x86: {  	_ =	shalt  }
0x87: {  	_ =	shalt  }
.Lfunc_end0:
.L_simem_size_0:
called_computation.2_lowered:
.L_overlay_start_0:
0x88: {  	s2 =	sld [smem:$0x3FD9]  }
0x89: {  	s3 =	sld [smem:$0x3FFE];
	_ =	sdelay $0x1  }
0x8a: {  	s1 =	srdreg.scid  }
0x8b: {  	s0 =	sand.u32 $0x1, s1  }
0x8c: {  	s17 =	sshll.u32 s0, $0xA;
	s2 =	sadd.s32 s3, s2  }
0x8d: {  	s2 =	sadd.s32 s2, s17  }
0x8e: {  	[smem:$0x3FC2] =	sst s2  }
0x8f: {  	_ = 	snop  }
0x90: {  	s2 =	sld [smem:$0x3FD0];
	(tm) =	ssettm $0x1  }
0x91: {  	s18 =	sld [smem:$0x3FFB];
	_ =	sdelay $0x3  }
0x92: {  	_ =	strace s18  }
0x93: {  	s3 =	sld [smem:$0x3FFC];
	_ =	sdelay $0x3  }
0x94: {  	_ =	strace s3  }
0x95: {  	s3 =	sld [smem:$0x3FFD];
	_ =	sdelay $0x3  }
0x96: {  	_ =	strace s3  }
0x97: {  	_ =	strace $0x8FFFFFFF  }
0x98: {  	s19 =	sld [smem:$0x3FDB];
	_ =	sdelay $0x1  }
0x99: {  	s4 =	simm.s32 $_scs_section_size  }
0x9a: {  	s5 =	simm.s32 $_size__tile_overlayer_lowered;
	s6 =	simm.s32 $_tile_overlayer_lowered  }
0x9b: {  	s22 =	simm.s32 $0x1BFF;
	s21 =	sshll.u32 s6, $0x1;
	s3 =	sadd.s32 s4, s19  }
0x9c: {  	s7 =	simm.s32 $0x0;
	s20 =	sshll.u32 s5, $0x1;
	s5 =	sadd.s32 s21, s3  }
0x9d: {  	[timem:s7], [sflag:s22] =	dma.local [hbm:s5], s20  }
0x9e: {  	_ =	swait.ge [sflag:s22], s20  }
0x9f: {  	s4 =	ssub.s32 $0x0, s20;
	[sflag:s22] =	ssyncset.done $0x0  }
0xa0: {  	[sflag:s22] =	ssyncadd.s32 s4;
	_ =	sdelay $0x1  }
0xa1: {  	s23 =	simm.s32 $0x1B8B  }
0xa2: {  	_ =	swait.ge [sflag:s23], $0x1  }
0xa3: {  	[sflag:s23] =	ssyncset.done $0x0  }
0xa4: {  	s25 =	simm.s32 $0x1B8E;
	s24 =	sld [smem:$0x3FFE];
	[sflag:s23] =	ssyncadd.s32 $0xFFFFFFFF  }
0xa5: {  	s26 =	simm.s32 $execute0_lowered;
	[smem:$0x3FD2] =	sst s25  }
0xa6: {  	s5 =	sshll.u32 s26, $0x1;
	_ =	strace $0x8000004C;
	[dreg:$0x1] =	wrdreg $0xFFFFFFFF  }
0xa7: {  	s28 =	simm.s32 $_size_execute0_lowered;
	s3 =	sadd.s32 s3, s5;
	[dreg:$0x0] =	wrdreg $0x0  }
0xa8: {  	s5 =	sshll.u32 s28, $0x1;
	[dreg:$0x2] =	wrdreg s3  }
0xa9: {  	[dreg:$0x3] =	wrdreg s5  }
0xaa: {  	[dreg:$0x4] =	wrdreg $0xC0  }
0xab: {  	_ =	task [dreg:s7], $0x5FFFF  }
0xac: {  	[dreg:$0x1] =	wrdreg $0xFFFFFFFF  }
0xad: {  	[dreg:$0x0] =	wrdreg $0x60  }
0xae: {  	[dreg:$0x2] =	wrdreg s24  }
0xaf: {  	[dreg:$0x3] =	wrdreg s2  }
0xb0: {  	[dreg:$0x4] =	wrdreg $0xDE000  }
0xb1: {  	[dreg:$0x5] =	wrdreg $0xC5800  }
0xb2: {  	[dreg:$0x6] =	wrdreg $0x9  }
0xb3: {  	_ =	task.clear_ibuf [dreg:s7], $0x7FFFF;
	_ =	strace $0x9000004C  }
0xb4: {  	s29 =	simm.s32 $0x9;
	_ =	strace $0x8000004E  }
0xb5: {  	_ =	swait.ge [sflag:s29], $0x1  }
0xb6: {  	[sflag:s29] =	ssyncadd.s32 $0xFFFFFFFF  }
0xb7: {  	_ =	strace $0x9000004E  }
0xb8: {  	_ =	sfence  }
0xb9: {  	s30 =	sld [smem:$0x0];
	_ =	sdelay $0x2  }
0xba: {  	s31 =	sshll.u32 s1, $0xD;
	s1 =	sshrl.u32 s1, $0x2  }
0xbb: {  	s3 =	sand.u32 $0x4000, s31;
	s1 =	sadd.s32 s1, s30  }
0xbc: {  	s0 =	sor.u32 s3, s0;
	s1 =	sshll.u32 s1, $0x11  }
0xbd: {  	s0 =	sor.u32 s1, s0  }
0xbe: {  	s0 =	sadd.s32 $0x8F2B, s0  }
0xbf: {  	[sflag:s0] =	ssyncadd.remote.s32 $0x1  }
0xc0: {  	_ =	sfence.sel $0xFFFF  }
0xc1: {  	[dreg:$0x0] =	wrdreg $0xFFFFFFFF;
	(pc) =	sbr.abs _section_cstart, $3  }
0xc2: {  	[dreg:$0x1] =	wrdreg $0xFFFFFFFF  }
0xc3: {  	_ =	task.clear_ibuf [dreg:s7], $0x2FFFF;
	_ =	strace $0x9FFFFFFF  }
0xc4: {  	(tm) =	ssettm $0x7FFFFFFF  }
0xc5: {  	_ =	shalt  }
tec
execute0_lowered:
.L_overlay_start_1:
0x0: {  	(tag) =	ssettag $0x1  }
0x1: {  	s0 =	rddreg [dreg:$0x0]  }
0x2: {  	s1 =	rddreg [dreg:$0x1]  }
0x3: {  	s2 =	rddreg [dreg:$0x2]  }
0x4: {  	s3 =	rddreg [dreg:$0x3]  }
0x5: {  	s4 =	simm.s32 $0x0;
	s13 =	stileid.u32;
	s5 =	srdreg.scid  }
0x6: {  	s28 =	simm.s32 $0x9E00;
	s29 =	simm.s32 $0x1;
	s8 =	smul.u32 $0x3100, s13  }
0x7: {  	[smem:$0x7FF] =	sst s4;
	s7 =	sand.u32 $0x1, s5;
	s9 =	smul.u32 $0x1880, s13  }
0x8: {  	s5 =	sadd.s32 $0x63000, s0;
	s6 =	sadd.s32 $0x1400, s0;
	s19 =	smul.u32 $0x2710, s13  }
0x9: {  	s20 =	sshll.u32 s13, $0x6;
	_ =	strace $0x8000004D;
	s10 =	sshll.u32 s7, $0x7  }
0xa: {  	s11 =	ssub.s32 $0x2, s7;
	s7 =	ssub.s32 $0x0, s7;
	s8 =	sor.u32 s10, s8  }
0xb: {  	s16 =	sshrl.u32 s9, $0x3;
	s18 =	sshrl.u32 s11, $0x1;
	s17 =	sadd.s32 s9, s2  }
0xc: {  	s21 =	sand.u32 $0x186A00, s7;
	s23 =	sadd.s32 s9, s3;
	s8 =	sshrl.u32 s8, $0x3  }
0xd: {  	s12 =	sadd.s32 s16, s0;
	s14 =	ssub.s32 s11, s18;
	s18 =	sadd.s32 s19, s21  }
0xe: {  	[dreg:$0x6] =	wrdreg s23;
	s10 =	sadd.s32 s1, s16;
	s21 =	simm.s32 $0x3  }
0xf: {  	s23 =	simm.s32 $0x2;
	s0 =	sadd.s32 s8, s0;
	s22 =	sadd.s32 $0xC4C00, s12  }
0x10: {  	s8 =	sor.u32 $0x1C03, s20;
	s24 =	sshrl.u32 s18, $0x3;
	s14 =	smax.u32 s14, $0x1  }
0x11: {  	s26 =	sadd.s32 $0x27100, s18;
	s31 =	sadd.s32 $0x4E200, s18;
	s20 =	sshrl.u32 s17, $0x3  }
0x12: {  	[dreg:$0x5] =	wrdreg s22;
	s11 =	sadd.s32 s5, s24;
	s12 =	sadd.s32 s6, s24  }
0x13: {  	s13 =	sadd.s32 $0xC7E00, s0;
	s25 =	sadd.s32 $0x2BF20, s24;
	s30 =	sshrl.u32 s26, $0x3  }
0x14: {  	s22 =	simm.s32 $0x2780;
	s24 =	simm.s32 $0x4F00;
	s26 =	simm.s32 $0x2710  }
0x15: {  	s0 =	simm.s32 $0x0;
	s15 =	sadd.s32 s5, s25;
	s16 =	sadd.s32 s6, s25  }
0x16: {  	s18 =	sadd.s32 s30, s6;
	s19 =	sadd.s32 s30, s5;
	s25 =	simm.s32 $0x7680  }
.LBB2_1:
0x17: {  	s1 =	rddreg [dreg:$0x5]  }
0x18: {  	[spmem:s20], [sflag:s8] =	dma.local [hbm:s1], $0x310  }
0x19: {  	_ =	swait.ge [sflag:s21], $0x310  }
0x1a: {  	[sflag:s21] =	ssyncset.done $0x0;
	s17 =	rddreg [dreg:$0x6]  }
0x1b: {  	[sflag:s21] =	ssyncadd.s32 $0xFFFFFCF0;
	s1 =	sshrl.u32 s17, $0x3  }
0x1c: {  	[spmem:s1], [sflag:s8] =	dma.local [hbm:s10], $0x310  }
0x1d: {  	_ =	swait.ge [sflag:s21], $0x310  }
0x1e: {  	[sflag:s21] =	ssyncset.done $0x0  }
0x1f: {  	[sflag:s21] =	ssyncadd.s32 $0xFFFFFCF0  }
0x20: {  	[bflag:$0x0] =	sbarrier.arrive $0xFFFF  }
0x21: {  	[tilespmem:s4], [sflag:$0x2] =	stream.linear.gather [hbm4b:s11+s4], $0x2710, $0x38;
	[tilespmem:$0xF680] =	vst v63  }
0x22: {  	_ = 	snop  }
0x23: {  	[tilespmem:s22], [sflag:$0x2] =	stream.linear.gather [hbm4b:s12+s4], $0x2710, $0x38;
	[tilespmem:$0xF680] =	vst v63  }
0x24: {  	_ =	swait.ge [sflag:s23], $0x2710  }
0x25: {  	[sflag:s23] =	ssyncset.done $0x0  }
0x26: {  	[sflag:s23] =	ssyncadd.s32 $0xFFFFD8F0  }
0x27: {  	_ =	swait.ge [sflag:s23], $0x2710  }
0x28: {  	[sflag:s23] =	ssyncset.done $0x0  }
0x29: {  	s17 =	sadd.s32 $0x0, s19;
	[sflag:s23] =	ssyncadd.s32 $0xFFFFD8F0  }
0x2a: {  	[tilespmem:s24], [sflag:$0x2] =	stream.linear.gather [hbm4b:s17+s4], $0x2710, $0x38;
	[tilespmem:$0xF680] =	vst v63  }
0x2b: {  	s7 =	sadd.s32 $0x0, s18  }
0x2c: {  	[tilespmem:s25], [sflag:$0x2] =	stream.linear.gather [hbm4b:s7+s4], $0x2710, $0x38;
	[tilespmem:$0xF680] =	vst v63  }
0x2d: {  	_ = 	snop  }
0x2e: {  	[tilespmem:s28], [sflag:$0x1] =	stream.indirect.gather [spmem:s2], $0x1, s4, s26, $0xb8;
	[tilespmem:$0xF680] =	vst v63  }
0x2f: {  	_ =	swait.ge [sflag:s29], $0x2710  }
0x30: {  	[sflag:s29] =	ssyncset.done $0x0  }
0x31: {  	[sflag:s29] =	ssyncadd.s32 $0xFFFFD8F0  }
0x32: {  	[spmem:s3] =	stream.indirect.scatter.add.f32 [tilespmem:s28], [sflag:$0x3], $0x1, s22, s26, $0xb8;
	[tilespmem:$0xF680] =	vst v63  }
0x33: {  	_ =	swait.ge [sflag:s21], $0x2710  }
0x34: {  	[sflag:s21] =	ssyncset.done $0x0  }
0x35: {  	[sflag:s21] =	ssyncadd.s32 $0xFFFFD8F0  }
0x36: {  	_ =	swait.ge [sflag:s23], $0x2710  }
0x37: {  	[sflag:s23] =	ssyncset.done $0x0  }
0x38: {  	[sflag:s23] =	ssyncadd.s32 $0xFFFFD8F0  }
0x39: {  	_ =	swait.ge [sflag:s23], $0x2710  }
0x3a: {  	s9 =	sshrl.u32 s31, $0x3;
	[sflag:s23] =	ssyncset.done $0x0  }
0x3b: {  	s30 =	sadd.s32 s5, s9;
	[sflag:s23] =	ssyncadd.s32 $0xFFFFD8F0  }
0x3c: {  	[tilespmem:s4], [sflag:$0x2] =	stream.linear.gather [hbm4b:s30+s4], $0x2710, $0x38;
	[tilespmem:$0xF680] =	vst v63  }
0x3d: {  	s17 =	sadd.s32 s6, s9  }
0x3e: {  	[tilespmem:s22], [sflag:$0x2] =	stream.linear.gather [hbm4b:s17+s4], $0x2710, $0x38;
	[tilespmem:$0xF680] =	vst v63  }
0x3f: {  	_ = 	snop  }
0x40: {  	[tilespmem:s28], [sflag:$0x1] =	stream.indirect.gather [spmem:s2], $0x1, s24, s26, $0xb8;
	[tilespmem:$0xF680] =	vst v63  }
0x41: {  	_ =	swait.ge [sflag:s29], $0x2710  }
0x42: {  	[sflag:s29] =	ssyncset.done $0x0  }
0x43: {  	[sflag:s29] =	ssyncadd.s32 $0xFFFFD8F0  }
0x44: {  	[spmem:s3] =	stream.indirect.scatter.add.f32 [tilespmem:s28], [sflag:$0x3], $0x1, s25, s26, $0xb8;
	[tilespmem:$0xF680] =	vst v63  }
0x45: {  	_ =	swait.ge [sflag:s21], $0x2710  }
0x46: {  	s30 =	simm.s32 $0x9C40;
	s17 =	smov.u32 s31;
	[sflag:s21] =	ssyncset.done $0x0  }
.LBB2_2:
0x47: {  	p0 =	sne.s32 s30, $0x1D4C0;
	[sflag:s21] =	ssyncadd.s32 $0xFFFFD8F0;
	s17 =	sadd.s32 $0x4E200, s17  }
0x48: {  	s7 =	smov.u32 s30;
	s30 =	sadd.s32 $0x9C40, s30;
	_ =	swait.ge [sflag:s23], $0x2710  }
0x49: {  	[sflag:s23] =	ssyncset.done $0x0  }
0x4a: {  	[sflag:s23] =	ssyncadd.s32 $0xFFFFD8F0  }
0x4b: {  	_ =	swait.ge [sflag:s23], $0x2710  }
0x4c: {  	[sflag:s23] =	ssyncset.done $0x0  }
0x4d: {  	s9 =	sadd.s32 s7, s19;
	[sflag:s23] =	ssyncadd.s32 $0xFFFFD8F0  }
0x4e: {  	[tilespmem:s24], [sflag:$0x2] =	stream.linear.gather [hbm4b:s9+s4], $0x2710, $0x38;
	[tilespmem:$0xF680] =	vst v63  }
0x4f: {  	s7 =	sadd.s32 s7, s18  }
0x50: {  	[tilespmem:s25], [sflag:$0x2] =	stream.linear.gather [hbm4b:s7+s4], $0x2710, $0x38;
	[tilespmem:$0xF680] =	vst v63  }
0x51: {  	_ = 	snop  }
0x52: {  	[tilespmem:s28], [sflag:$0x1] =	stream.indirect.gather [spmem:s2], $0x1, s4, s26, $0xb8;
	[tilespmem:$0xF680] =	vst v63  }
0x53: {  	_ =	swait.ge [sflag:s29], $0x2710  }
0x54: {  	[sflag:s29] =	ssyncset.done $0x0  }
0x55: {  	[sflag:s29] =	ssyncadd.s32 $0xFFFFD8F0  }
0x56: {  	[spmem:s3] =	stream.indirect.scatter.add.f32 [tilespmem:s28], [sflag:$0x3], $0x1, s22, s26, $0xb8;
	[tilespmem:$0xF680] =	vst v63  }
0x57: {  	_ =	swait.ge [sflag:s21], $0x2710  }
0x58: {  	[sflag:s21] =	ssyncset.done $0x0  }
0x59: {  	[sflag:s21] =	ssyncadd.s32 $0xFFFFD8F0  }
0x5a: {  	_ =	swait.ge [sflag:s23], $0x2710  }
0x5b: {  	[sflag:s23] =	ssyncset.done $0x0  }
0x5c: {  	[sflag:s23] =	ssyncadd.s32 $0xFFFFD8F0  }
0x5d: {  	_ =	swait.ge [sflag:s23], $0x2710  }
0x5e: {  	s7 =	sshrl.u32 s17, $0x3;
	[sflag:s23] =	ssyncset.done $0x0  }
0x5f: {  	s9 =	sadd.s32 s5, s7;
	[sflag:s23] =	ssyncadd.s32 $0xFFFFD8F0  }
0x60: {  	[tilespmem:s4], [sflag:$0x2] =	stream.linear.gather [hbm4b:s9+s4], $0x2710, $0x38;
	[tilespmem:$0xF680] =	vst v63  }
0x61: {  	s7 =	sadd.s32 s6, s7  }
0x62: {  	[tilespmem:s22], [sflag:$0x2] =	stream.linear.gather [hbm4b:s7+s4], $0x2710, $0x38;
	[tilespmem:$0xF680] =	vst v63  }
0x63: {  	_ = 	snop  }
0x64: {  	[tilespmem:s28], [sflag:$0x1] =	stream.indirect.gather [spmem:s2], $0x1, s24, s26, $0xb8;
	[tilespmem:$0xF680] =	vst v63  }
0x65: {  	_ =	swait.ge [sflag:s29], $0x2710  }
.Ltmp0:
0x66: {  	[sflag:s29] =	ssyncset.done $0x0;
	(pc) =	sbr.rel @p0 .LBB2_2-.Ltmp0, $4  }
0x67: {  	[sflag:s29] =	ssyncadd.s32 $0xFFFFD8F0  }
0x68: {  	[spmem:s3] =	stream.indirect.scatter.add.f32 [tilespmem:s28], [sflag:$0x3], $0x1, s25, s26, $0xb8;
	[tilespmem:$0xF680] =	vst v63  }
0x69: {  	_ =	swait.ge [sflag:s21], $0x2710  }
0x6a: {  	[sflag:s21] =	ssyncset.done $0x0  }
0x6b: {  	[sflag:s21] =	ssyncadd.s32 $0xFFFFD8F0  }
0x6c: {  	_ =	swait.ge [sflag:s23], $0x2710  }
0x6d: {  	[sflag:s23] =	ssyncset.done $0x0  }
0x6e: {  	[sflag:s23] =	ssyncadd.s32 $0xFFFFD8F0  }
0x6f: {  	_ =	swait.ge [sflag:s23], $0x2710  }
0x70: {  	[sflag:s23] =	ssyncset.done $0x0  }
0x71: {  	[sflag:s23] =	ssyncadd.s32 $0xFFFFD8F0  }
0x72: {  	[tilespmem:s24], [sflag:$0x2] =	stream.linear.gather [hbm4b:s15+s4], $0x2710, $0x38;
	[tilespmem:$0xF680] =	vst v63  }
0x73: {  	_ = 	snop  }
0x74: {  	[tilespmem:s25], [sflag:$0x2] =	stream.linear.gather [hbm4b:s16+s4], $0x2710, $0x38;
	[tilespmem:$0xF680] =	vst v63  }
0x75: {  	_ = 	snop  }
0x76: {  	[tilespmem:s28], [sflag:$0x1] =	stream.indirect.gather [spmem:s2], $0x1, s4, s26, $0xb8;
	[tilespmem:$0xF680] =	vst v63  }
0x77: {  	_ =	swait.ge [sflag:s29], $0x2710  }
0x78: {  	[sflag:s29] =	ssyncset.done $0x0  }
0x79: {  	[sflag:s29] =	ssyncadd.s32 $0xFFFFD8F0  }
0x7a: {  	[spmem:s3] =	stream.indirect.scatter.add.f32 [tilespmem:s28], [sflag:$0x3], $0x1, s22, s26, $0xb8;
	[tilespmem:$0xF680] =	vst v63  }
0x7b: {  	_ =	swait.ge [sflag:s21], $0x2710  }
0x7c: {  	[sflag:s21] =	ssyncset.done $0x0  }
0x7d: {  	[sflag:s21] =	ssyncadd.s32 $0xFFFFD8F0  }
0x7e: {  	_ =	swait.ge [sflag:s23], $0x2710  }
0x7f: {  	[sflag:s23] =	ssyncset.done $0x0  }
0x80: {  	[sflag:s23] =	ssyncadd.s32 $0xFFFFD8F0  }
0x81: {  	_ =	swait.ge [sflag:s23], $0x2710  }
0x82: {  	[sflag:s23] =	ssyncset.done $0x0  }
0x83: {  	[sflag:s23] =	ssyncadd.s32 $0xFFFFD8F0  }
0x84: {  	[tilespmem:s28], [sflag:$0x1] =	stream.indirect.gather [spmem:s2], $0x1, s24, s26, $0xb8;
	[tilespmem:$0xF680] =	vst v63  }
0x85: {  	_ =	swait.ge [sflag:s29], $0x2710  }
0x86: {  	[sflag:s29] =	ssyncset.done $0x0  }
0x87: {  	[sflag:s29] =	ssyncadd.s32 $0xFFFFD8F0  }
0x88: {  	[spmem:s3] =	stream.indirect.scatter.add.f32 [tilespmem:s28], [sflag:$0x3], $0x1, s25, s26, $0xb8;
	[tilespmem:$0xF680] =	vst v63  }
0x89: {  	_ =	swait.ge [sflag:s21], $0x2710  }
0x8a: {  	s0 =	sadd.s32 $0x1, s0;
	[sflag:s21] =	ssyncset.done $0x0  }
0x8b: {  	s7 =	simm.s32 $0x20;
	p0 =	sne.s32 s0, s14;
	[sflag:s21] =	ssyncadd.s32 $0xFFFFD8F0  }
.Ltmp1:
0x8c: {  	s9 =	simm.s32 $0x10;
	[bflag:$0x0] =	sbarrier.arrive $0xFFFF;
	(pc) =	sbr.rel @p0 .LBB2_1-.Ltmp1, $4  }
0x8d: {  	[hbm:s13@s7], [sflag:s8] =	dma.strided [spmem:s1@s9], $0x310, s29, $0x10   }
0x8e: {  	_ =	swait.ge [sflag:s21], $0x310  }
0x8f: {  	[sflag:s21] =	ssyncset.done $0x0  }
0x90: {  	[sflag:s21] =	ssyncadd.s32 $0xFFFFFCF0  }
0x91: {  	_ =	sfence.sel $0x180000  }
0x92: {  	[bflag:$0x0] =	sbarrier.arrive $0xFFFF  }
0x93: {  	_ =	strace $0x9000004D  }
0x94: {  	s0 =	stileid.u32;
	[bflag:$0x2] =	sbarrier.arrive $0xFFFF  }
0x95: {  	p0 =	sne.s32 s0, $0x0;
	s0 =	rddreg [dreg:$0x4]  }
0x96: {  	s0 =	sadd.s32 @!p0 $0x100000, s0  }
0x97: {  	[sflag:s0] =	ssyncadd.tile.s32 @!p0 $0x1;
	_ =	shalt  }
.Lfunc_end2:
_tile_overlayer_lowered:
.L_overlay_start_2:
0x98: {  	(tag) =	ssettag $0x2  }
0x99: {  	s0 =	rddreg [dreg:$0x0];
	s2 =	stileid.u32  }
0x9a: {  	s1 =	rddreg [dreg:$0x1];
	p0 =	sne.s32 s2, $0x0  }
0x9b: {  	s3 =	rddreg [dreg:$0x2];
	[bflag:$0x3] =	sbarrier.arrive $0xFFFF;
	s2 =	simm.s32 @!p0 $0x1C03  }
0x9c: {  	[timem:s3], [sflag:s2] =	dma.local @!p0 [hbm:s0], s1  }
0x9d: {  	s0 =	simm.s32 @!p0 $0x3  }
0x9e: {  	_ =	swait.ge @!p0 [sflag:s0], s1  }
0x9f: {  	s1 =	ssub.s32 @!p0 $0x0, s1;
	[sflag:s0] =	ssyncset.done @!p0 $0x0  }
0xa0: {  	[sflag:s0] =	ssyncadd.s32 @!p0 s1  }
0xa1: {  	[bflag:$0x3] =	sbarrier.arrive $0xFFFF  }
0xa2: {  	_ =	shalt  }

// kernel: kernel.8.cloned.1.call-start
scs
__scs_entry_jumppad:
0x0: {  	(pc) =	sbr.rel $0x88, $3  }
0x1: {  	(tag) =	ssettag $0x0;
	lr =	simm.s32 $0x1  }
0x2: {  	[smem:$0x3F9B] =	sst lr;
	_ =	strace $0xD0000000  }
0x3: {  	_ = 	snop  }
0x4: {  	_ = 	snop  }
0x5: {  	_ = 	snop  }
0x6: {  	_ = 	snop  }
0x7: {  	_ = 	snop  }
__scs_overlays_trampoline_lowered:
0x8: {  	[smem:$0x3FAA] =	sst s0  }
0x9: {  	[smem:$0x3FAB] =	sst s1  }
0xa: {  	[smem:$0x3FAC] =	sst s2  }
0xb: {  	[smem:$0x3FAD] =	sst s3  }
0xc: {  	[smem:$0x3FAE] =	sst s4  }
0xd: {  	[smem:$0x3FAF] =	sst s5  }
0xe: {  	[smem:$0x3FB0] =	sst s6  }
0xf: {  	[smem:$0x3FB1] =	sst s7  }
0x10: {  	[smem:$0x3FB2] =	sst s8  }
0x11: {  	[smem:$0x3FB3] =	sst s9;
	s0 =	simm.s32 @!p0 $0x0  }
0x12: {  	s1 =	sld [smem:$0x3F99];
	s0 =	simm.s32 @p0 $0x1  }
0x13: {  	[smem:$0x3FB4] =	sst s0;
	s0 =	simm.s32 @!p1 $0x0  }
0x14: {  	s2 =	sld [smem:$0x3F98];
	s0 =	simm.s32 @p1 $0x1  }
0x15: {  	[smem:$0x3FB5] =	sst s0;
	s0 =	simm.s32 @!p2 $0x0  }
0x16: {  	s3 =	sld [smem:$0x3FDB];
	s0 =	simm.s32 @p2 $0x1  }
0x17: {  	s4 =	simm.s32 $0x1BF5;
	[smem:$0x3FB7] =	sst s0  }
0x18: {  	s0 =	sld [smem:$0x3F9A];
	_ =	swait.ge [sflag:s4], $0x0  }
0x19: {  	s7 =	sld [smem:$0x3F9B]  }
0x1a: {  	s8 =	sadd.s32 $0xFFFFE003, lr  }
0x1b: {  	s9 =	sadd.s32 $0xFFFFFEF7, lr;
	s5 =	simm.s32 $0xFFFFFFFF;
	p2 =	slt.u32 s8, $0xFFFFF086  }
0x1c: {  	p1 =	slt.u32 s9, $0xF7A;
	s5 =	simm.s32 @!p2 $0x0  }
0x1d: {  	s5 =	simm.s32 @p1 $0x1;
	p0 =	seq.s32 s7, s2  }
0x1e: {  	s7 =	smul.u32 @!p0 $0xF7A, s2;
	p2 =	seq.s32 @!p0 s5, $0x0  }
0x1f: {  	s9 =	smul.u32 $0xF7A, s1;
	s8 =	simm.s32 @!p0 $0x1BF5;
	p2 =	por !p2, p0  }
0x20: {  	[sflag:s8] =	ssyncset.s32 @!p0 $0xFFFFF086;
	s6 =	sadd.s32 @!p0 s3, s7;
	s7 =	simm.s32 @!p0 $0x108  }
0x21: {  	s3 =	sadd.s32 s3, s9;
	s6 =	sadd.s32 @!p0 $0x88, s6;
	s7 =	simm.s32 @p2 $0x1082  }
0x22: {  	[simem:s7], [sflag:s8] =	dma.local @!p0 [hbm:s6], $0xF7A  }
0x23: {  	s9 =	sor.u32 $0xD0000000, s2;
	s6 =	simm.s32 $0x108;
	_ =	swait.ge @!p0 [sflag:s8], $0x0  }
0x24: {  	s3 =	sadd.s32 $0x88, s3;
	s6 =	simm.s32 @!p1 $0x1082;
	[sflag:s4] =	ssyncset.s32 $0xFFFFF086  }
0x25: {  	[simem:s6], [sflag:s4] =	dma.local [hbm:s3], $0xF7A  }
0x26: {  	[smem:$0x3F9B] =	sst s1;
	(tag) =	ssettag s2;
	_ =	strace s9  }
0x27: {  	s1 =	sld [smem:$0x3FAB]  }
0x28: {  	s2 =	sld [smem:$0x3FAC]  }
0x29: {  	s4 =	sld [smem:$0x3FAE]  }
0x2a: {  	p0 =	seq.s32 s5, $0x0;
	s5 =	sld [smem:$0x3FAF]  }
0x2b: {  	s6 =	sld [smem:$0x3FB0]  }
0x2c: {  	s7 =	sld [smem:$0x3FB1]  }
0x2d: {  	s3 =	simm.s32 $0x108;
	s8 =	sld [smem:$0x3FB2]  }
0x2e: {  	s3 =	simm.s32 @!p0 $0x1082;
	s9 =	sld [smem:$0x3FB3]  }
0x2f: {  	lr =	sadd.s32 s0, s3;
	s0 =	sld [smem:$0x3FAA]  }
0x30: {  	s3 =	sld [smem:$0x3FAD]  }
0x31: {  	[smem:$0x3FB6] =	sst s10  }
0x32: {  	s10 =	sld [smem:$0x3FB4];
	_ =	sdelay $0x3  }
0x33: {  	p0 =	seq.s32 s10, $0x1;
	s10 =	sld [smem:$0x3FB6];
	_ =	sdelay $0x3  }
0x34: {  	[smem:$0x3FB6] =	sst s10  }
0x35: {  	s10 =	sld [smem:$0x3FB5];
	_ =	sdelay $0x3  }
0x36: {  	p1 =	seq.s32 s10, $0x1;
	s10 =	sld [smem:$0x3FB6];
	_ =	sdelay $0x3  }
0x37: {  	[smem:$0x3FB6] =	sst s10  }
0x38: {  	s10 =	sld [smem:$0x3FB7]  }
0x39: {  	_ = 	snop;
	(pc) =	sbr.ind lr, $3  }
0x3a: {  	_ = 	snop  }
0x3b: {  	_ = 	snop  }
0x3c: {  	p2 =	seq.s32 s10, $0x1;
	s10 =	sld [smem:$0x3FB6]  }
0x3d: {  	_ =	shalt  }
0x3e: {  	_ =	shalt  }
0x3f: {  	_ =	shalt  }
0x40: {  	_ =	shalt  }
0x41: {  	_ =	shalt  }
0x42: {  	_ =	shalt  }
0x43: {  	_ =	shalt  }
0x44: {  	_ =	shalt  }
0x45: {  	_ =	shalt  }
0x46: {  	_ =	shalt  }
0x47: {  	_ =	shalt  }
0x48: {  	_ =	shalt  }
0x49: {  	_ =	shalt  }
0x4a: {  	_ =	shalt  }
0x4b: {  	_ =	shalt  }
0x4c: {  	_ =	shalt  }
0x4d: {  	_ =	shalt  }
0x4e: {  	_ =	shalt  }
0x4f: {  	_ =	shalt  }
0x50: {  	_ =	shalt  }
0x51: {  	_ =	shalt  }
0x52: {  	_ =	shalt  }
0x53: {  	_ =	shalt  }
0x54: {  	_ =	shalt  }
0x55: {  	_ =	shalt  }
0x56: {  	_ =	shalt  }
0x57: {  	_ =	shalt  }
0x58: {  	_ =	shalt  }
0x59: {  	_ =	shalt  }
0x5a: {  	_ =	shalt  }
0x5b: {  	_ =	shalt  }
0x5c: {  	_ =	shalt  }
0x5d: {  	_ =	shalt  }
0x5e: {  	_ =	shalt  }
0x5f: {  	_ =	shalt  }
0x60: {  	_ =	shalt  }
0x61: {  	_ =	shalt  }
0x62: {  	_ =	shalt  }
0x63: {  	_ =	shalt  }
0x64: {  	_ =	shalt  }
0x65: {  	_ =	shalt  }
0x66: {  	_ =	shalt  }
0x67: {  	_ =	shalt  }
0x68: {  	_ =	shalt  }
0x69: {  	_ =	shalt  }
0x6a: {  	_ =	shalt  }
0x6b: {  	_ =	shalt  }
0x6c: {  	_ =	shalt  }
0x6d: {  	_ =	shalt  }
0x6e: {  	_ =	shalt  }
0x6f: {  	_ =	shalt  }
0x70: {  	_ =	shalt  }
0x71: {  	_ =	shalt  }
0x72: {  	_ =	shalt  }
0x73: {  	_ =	shalt  }
0x74: {  	_ =	shalt  }
0x75: {  	_ =	shalt  }
0x76: {  	_ =	shalt  }
0x77: {  	_ =	shalt  }
0x78: {  	_ =	shalt  }
0x79: {  	_ =	shalt  }
0x7a: {  	_ =	shalt  }
0x7b: {  	_ =	shalt  }
0x7c: {  	_ =	shalt  }
0x7d: {  	_ =	shalt  }
0x7e: {  	_ =	shalt  }
0x7f: {  	_ =	shalt  }
0x80: {  	_ =	shalt  }
0x81: {  	_ =	shalt  }
0x82: {  	_ =	shalt  }
0x83: {  	_ =	shalt  }
0x84: {  	_ =	shalt  }
0x85: {  	_ =	shalt  }
0x86: {  	_ =	shalt  }
0x87: {  	_ =	shalt  }
.Lfunc_end0:
.L_simem_size_0:
called_computation_lowered:
.L_overlay_start_0:
0x88: {  	s2 =	sld [smem:$0x3FD9]  }
0x89: {  	s3 =	sld [smem:$0x3FFE];
	_ =	sdelay $0x1  }
0x8a: {  	s1 =	srdreg.scid  }
0x8b: {  	s0 =	sand.u32 $0x1, s1  }
0x8c: {  	s17 =	sshll.u32 s0, $0xA;
	s2 =	sadd.s32 s3, s2  }
0x8d: {  	s2 =	sadd.s32 s2, s17  }
0x8e: {  	[smem:$0x3FC2] =	sst s2  }
0x8f: {  	_ = 	snop  }
0x90: {  	s2 =	sld [smem:$0x3FD0];
	(tm) =	ssettm $0x1  }
0x91: {  	s18 =	sld [smem:$0x3FFB];
	_ =	sdelay $0x3  }
0x92: {  	_ =	strace s18  }
0x93: {  	s3 =	sld [smem:$0x3FFC];
	_ =	sdelay $0x3  }
0x94: {  	_ =	strace s3  }
0x95: {  	s3 =	sld [smem:$0x3FFD];
	_ =	sdelay $0x3  }
0x96: {  	_ =	strace s3  }
0x97: {  	_ =	strace $0x8FFFFFFF  }
0x98: {  	s19 =	sld [smem:$0x3FDB];
	_ =	sdelay $0x1  }
0x99: {  	s4 =	simm.s32 $_scs_section_size  }
0x9a: {  	s5 =	simm.s32 $_size__tile_overlayer_lowered;
	s6 =	simm.s32 $_tile_overlayer_lowered  }
0x9b: {  	s22 =	simm.s32 $0x1BFF;
	s21 =	sshll.u32 s6, $0x1;
	s3 =	sadd.s32 s4, s19  }
0x9c: {  	s7 =	simm.s32 $0x0;
	s20 =	sshll.u32 s5, $0x1;
	s5 =	sadd.s32 s21, s3  }
0x9d: {  	[timem:s7], [sflag:s22] =	dma.local [hbm:s5], s20  }
0x9e: {  	_ =	swait.ge [sflag:s22], s20  }
0x9f: {  	s4 =	ssub.s32 $0x0, s20;
	[sflag:s22] =	ssyncset.done $0x0  }
0xa0: {  	[sflag:s22] =	ssyncadd.s32 s4;
	_ =	sdelay $0x1  }
0xa1: {  	s23 =	simm.s32 $0x1B8B  }
0xa2: {  	_ =	swait.ge [sflag:s23], $0x1  }
0xa3: {  	[sflag:s23] =	ssyncset.done $0x0  }
0xa4: {  	s25 =	simm.s32 $0x1B8E;
	s24 =	sld [smem:$0x3FFE];
	[sflag:s23] =	ssyncadd.s32 $0xFFFFFFFF  }
0xa5: {  	s26 =	simm.s32 $execute0_lowered;
	[smem:$0x3FD2] =	sst s25  }
0xa6: {  	s5 =	sshll.u32 s26, $0x1;
	_ =	strace $0x80000046;
	[dreg:$0x1] =	wrdreg $0xFFFFFFFF  }
0xa7: {  	s28 =	simm.s32 $_size_execute0_lowered;
	s3 =	sadd.s32 s3, s5;
	[dreg:$0x0] =	wrdreg $0x0  }
0xa8: {  	s5 =	sshll.u32 s28, $0x1;
	[dreg:$0x2] =	wrdreg s3  }
0xa9: {  	[dreg:$0x3] =	wrdreg s5  }
0xaa: {  	[dreg:$0x4] =	wrdreg $0xC0  }
0xab: {  	_ =	task [dreg:s7], $0x5FFFF  }
0xac: {  	[dreg:$0x1] =	wrdreg $0xFFFFFFFF  }
0xad: {  	[dreg:$0x0] =	wrdreg $0x60  }
0xae: {  	[dreg:$0x2] =	wrdreg s24  }
0xaf: {  	[dreg:$0x3] =	wrdreg s2  }
0xb0: {  	[dreg:$0x4] =	wrdreg $0x76800  }
0xb1: {  	[dreg:$0x5] =	wrdreg $0x9  }
0xb2: {  	_ =	task.clear_ibuf [dreg:s7], $0x6FFFF;
	_ =	strace $0x90000046  }
0xb3: {  	s29 =	simm.s32 $0x9;
	_ =	strace $0x80000048  }
0xb4: {  	_ =	swait.ge [sflag:s29], $0x1  }
0xb5: {  	[sflag:s29] =	ssyncadd.s32 $0xFFFFFFFF  }
0xb6: {  	_ =	strace $0x90000048  }
0xb7: {  	_ =	sfence  }
0xb8: {  	s30 =	sld [smem:$0x0];
	_ =	sdelay $0x2  }
0xb9: {  	s31 =	sshll.u32 s1, $0xD;
	s1 =	sshrl.u32 s1, $0x2  }
0xba: {  	s3 =	sand.u32 $0x4000, s31;
	s1 =	sadd.s32 s1, s30  }
0xbb: {  	s0 =	sor.u32 s3, s0;
	s1 =	sshll.u32 s1, $0x11  }
0xbc: {  	s0 =	sor.u32 s1, s0  }
0xbd: {  	s0 =	sadd.s32 $0x8F2B, s0  }
0xbe: {  	[sflag:s0] =	ssyncadd.remote.s32 $0x1  }
0xbf: {  	_ =	sfence.sel $0xFFFF  }
0xc0: {  	[dreg:$0x0] =	wrdreg $0xFFFFFFFF;
	(pc) =	sbr.abs _section_cstart, $3  }
0xc1: {  	[dreg:$0x1] =	wrdreg $0xFFFFFFFF  }
0xc2: {  	_ =	task.clear_ibuf [dreg:s7], $0x2FFFF;
	_ =	strace $0x9FFFFFFF  }
0xc3: {  	(tm) =	ssettm $0x7FFFFFFF  }
tec
execute0_lowered:
.L_overlay_start_1:
0x0: {  	(tag) =	ssettag $0x1  }
0x1: {  	s23 =	rddreg [dreg:$0x0]  }
0x2: {  	s4 =	rddreg [dreg:$0x1]  }
0x3: {  	s2 =	rddreg [dreg:$0x2];
	s1 =	stileid.u32  }
0x4: {  	s0 =	rddreg [dreg:$0x3];
	s3 =	simm.s32 $0x0;
	s6 =	srdreg.scid  }
0x5: {  	s5 =	smul.u32 $0x1880, s1;
	[smem:$0x7FF] =	sst s3  }
0x6: {  	s24 =	sand.u32 $0x1, s6;
	s30 =	sshll.u32 s1, $0x6;
	s6 =	simm.s32 $0x2  }
0x7: {  	_ =	strace $0x80000047;
	s29 =	sshrl.u32 s5, $0x3;
	s7 =	sadd.s32 s5, s2  }
0x8: {  	s5 =	sor.u32 $0x1C02, s30;
	s4 =	sadd.s32 s4, s29;
	s7 =	sshrl.u32 s7, $0x3  }
0x9: {  	[spmem:s7], [sflag:s5] =	dma.local [hbm:s4], $0x310  }
0xa: {  	s9 =	simm.s32 $0x4F00;
	_ =	swait.ge [sflag:s6], $0x310  }
0xb: {  	s11 =	smul.u32 $0x2710, s1;
	s8 =	ssub.s32 $0x0, s24;
	[sflag:s6] =	ssyncset.done $0x0  }
0xc: {  	s10 =	sand.u32 $0x186A00, s8;
	s8 =	sadd.s32 $0xC4C00, s23;
	[sflag:s6] =	ssyncadd.s32 $0xFFFFFCF0  }
0xd: {  	[tilespmem:s9], [sflag:$0x2] =	stream.linear.gather [hbm4b:s8+s3], $0x2780, $0x38;
	[tilespmem:$0x8F00] =	vst v63  }
0xe: {  	s10 =	sadd.s32 s11, s10;
	_ =	swait.ge [sflag:s6], $0x2780  }
0xf: {  	s10 =	sshrl.u32 s10, $0x3;
	[sflag:s6] =	ssyncset.done $0x0  }
0x10: {  	s22 =	sadd.s32 s10, s23;
	[sflag:s6] =	ssyncadd.s32 $0xFFFFD880  }
0x11: {  	s11 =	simm.s32 $0x1;
	s10 =	sadd.s32 $0x1400, s22;
	[bflag:$0x0] =	sbarrier.arrive $0xFFFF  }
0x12: {  	[tilespmem:s3], [sflag:$0x1] =	stream.linear.gather [hbm4b:s10+s3], $0x2710, $0x38;
	[tilespmem:$0x8F00] =	vst v63  }
0x13: {  	_ =	swait.ge [sflag:s11], $0x2710  }
0x14: {  	[sflag:s11] =	ssyncset.done $0x0  }
0x15: {  	s13 =	simm.s32 $0x2780;
	s12 =	sadd.s32 $0x6220, s22;
	[sflag:s11] =	ssyncadd.s32 $0xFFFFD8F0  }
0x16: {  	[tilespmem:s13], [sflag:$0x1] =	stream.linear.gather [hbm4b:s12+s3], $0x2710, $0x38;
	[tilespmem:$0x8F00] =	vst v63  }
0x17: {  	s14 =	simm.s32 $0x2710  }
0x18: {  	[spmem:s2] =	stream.indirect.scatter.add.f32 [tilespmem:s9], [sflag:$0x2], $0x1, s3, s14, $0xb8;
	[tilespmem:$0x8F00] =	vst v63  }
0x19: {  	_ =	swait.ge [sflag:s6], $0x2710  }
0x1a: {  	[sflag:s6] =	ssyncset.done $0x0  }
0x1b: {  	[sflag:s6] =	ssyncadd.s32 $0xFFFFD8F0  }
0x1c: {  	_ =	swait.ge [sflag:s11], $0x2710  }
0x1d: {  	[sflag:s11] =	ssyncset.done $0x0  }
0x1e: {  	s15 =	sadd.s32 $0xB040, s22;
	[sflag:s11] =	ssyncadd.s32 $0xFFFFD8F0  }
0x1f: {  	[tilespmem:s3], [sflag:$0x1] =	stream.linear.gather [hbm4b:s15+s3], $0x2710, $0x38;
	[tilespmem:$0x8F00] =	vst v63  }
0x20: {  	_ = 	snop  }
0x21: {  	[spmem:s2] =	stream.indirect.scatter.add.f32 [tilespmem:s9], [sflag:$0x2], $0x1, s13, s14, $0xb8;
	[tilespmem:$0x8F00] =	vst v63  }
0x22: {  	_ =	swait.ge [sflag:s6], $0x2710  }
0x23: {  	[sflag:s6] =	ssyncset.done $0x0  }
0x24: {  	[sflag:s6] =	ssyncadd.s32 $0xFFFFD8F0  }
0x25: {  	_ =	swait.ge [sflag:s11], $0x2710  }
0x26: {  	[sflag:s11] =	ssyncset.done $0x0  }
0x27: {  	s16 =	sadd.s32 $0xFE60, s22;
	[sflag:s11] =	ssyncadd.s32 $0xFFFFD8F0  }
0x28: {  	[tilespmem:s13], [sflag:$0x1] =	stream.linear.gather [hbm4b:s16+s3], $0x2710, $0x38;
	[tilespmem:$0x8F00] =	vst v63  }
0x29: {  	_ = 	snop  }
0x2a: {  	[spmem:s2] =	stream.indirect.scatter.add.f32 [tilespmem:s9], [sflag:$0x2], $0x1, s3, s14, $0xb8;
	[tilespmem:$0x8F00] =	vst v63  }
0x2b: {  	_ =	swait.ge [sflag:s6], $0x2710  }
0x2c: {  	[sflag:s6] =	ssyncset.done $0x0  }
0x2d: {  	[sflag:s6] =	ssyncadd.s32 $0xFFFFD8F0  }
0x2e: {  	_ =	swait.ge [sflag:s11], $0x2710  }
0x2f: {  	[sflag:s11] =	ssyncset.done $0x0  }
0x30: {  	s17 =	sadd.s32 $0x14C80, s22;
	[sflag:s11] =	ssyncadd.s32 $0xFFFFD8F0  }
0x31: {  	[tilespmem:s3], [sflag:$0x1] =	stream.linear.gather [hbm4b:s17+s3], $0x2710, $0x38;
	[tilespmem:$0x8F00] =	vst v63  }
0x32: {  	_ = 	snop  }
0x33: {  	[spmem:s2] =	stream.indirect.scatter.add.f32 [tilespmem:s9], [sflag:$0x2], $0x1, s13, s14, $0xb8;
	[tilespmem:$0x8F00] =	vst v63  }
0x34: {  	_ =	swait.ge [sflag:s6], $0x2710  }
0x35: {  	[sflag:s6] =	ssyncset.done $0x0  }
0x36: {  	[sflag:s6] =	ssyncadd.s32 $0xFFFFD8F0  }
0x37: {  	_ =	swait.ge [sflag:s11], $0x2710  }
0x38: {  	[sflag:s11] =	ssyncset.done $0x0  }
0x39: {  	s18 =	sadd.s32 $0x19AA0, s22;
	[sflag:s11] =	ssyncadd.s32 $0xFFFFD8F0  }
0x3a: {  	[tilespmem:s13], [sflag:$0x1] =	stream.linear.gather [hbm4b:s18+s3], $0x2710, $0x38;
	[tilespmem:$0x8F00] =	vst v63  }
0x3b: {  	_ = 	snop  }
0x3c: {  	[spmem:s2] =	stream.indirect.scatter.add.f32 [tilespmem:s9], [sflag:$0x2], $0x1, s3, s14, $0xb8;
	[tilespmem:$0x8F00] =	vst v63  }
0x3d: {  	_ =	swait.ge [sflag:s6], $0x2710  }
0x3e: {  	[sflag:s6] =	ssyncset.done $0x0  }
0x3f: {  	[sflag:s6] =	ssyncadd.s32 $0xFFFFD8F0  }
0x40: {  	_ =	swait.ge [sflag:s11], $0x2710  }
0x41: {  	[sflag:s11] =	ssyncset.done $0x0  }
0x42: {  	s19 =	sadd.s32 $0x1E8C0, s22;
	[sflag:s11] =	ssyncadd.s32 $0xFFFFD8F0  }
0x43: {  	[tilespmem:s3], [sflag:$0x1] =	stream.linear.gather [hbm4b:s19+s3], $0x2710, $0x38;
	[tilespmem:$0x8F00] =	vst v63  }
0x44: {  	_ = 	snop  }
0x45: {  	[spmem:s2] =	stream.indirect.scatter.add.f32 [tilespmem:s9], [sflag:$0x2], $0x1, s13, s14, $0xb8;
	[tilespmem:$0x8F00] =	vst v63  }
0x46: {  	_ =	swait.ge [sflag:s6], $0x2710  }
0x47: {  	[sflag:s6] =	ssyncset.done $0x0  }
0x48: {  	[sflag:s6] =	ssyncadd.s32 $0xFFFFD8F0  }
0x49: {  	_ =	swait.ge [sflag:s11], $0x2710  }
0x4a: {  	[sflag:s11] =	ssyncset.done $0x0  }
0x4b: {  	s20 =	sadd.s32 $0x236E0, s22;
	[sflag:s11] =	ssyncadd.s32 $0xFFFFD8F0  }
0x4c: {  	[tilespmem:s13], [sflag:$0x1] =	stream.linear.gather [hbm4b:s20+s3], $0x2710, $0x38;
	[tilespmem:$0x8F00] =	vst v63  }
0x4d: {  	_ = 	snop  }
0x4e: {  	[spmem:s2] =	stream.indirect.scatter.add.f32 [tilespmem:s9], [sflag:$0x2], $0x1, s3, s14, $0xb8;
	[tilespmem:$0x8F00] =	vst v63  }
0x4f: {  	_ =	swait.ge [sflag:s6], $0x2710  }
0x50: {  	[sflag:s6] =	ssyncset.done $0x0  }
0x51: {  	[sflag:s6] =	ssyncadd.s32 $0xFFFFD8F0  }
0x52: {  	_ =	swait.ge [sflag:s11], $0x2710  }
0x53: {  	[sflag:s11] =	ssyncset.done $0x0  }
0x54: {  	s21 =	sadd.s32 $0x28500, s22;
	[sflag:s11] =	ssyncadd.s32 $0xFFFFD8F0  }
0x55: {  	[tilespmem:s3], [sflag:$0x1] =	stream.linear.gather [hbm4b:s21+s3], $0x2710, $0x38;
	[tilespmem:$0x8F00] =	vst v63  }
0x56: {  	_ = 	snop  }
0x57: {  	[spmem:s2] =	stream.indirect.scatter.add.f32 [tilespmem:s9], [sflag:$0x2], $0x1, s13, s14, $0xb8;
	[tilespmem:$0x8F00] =	vst v63  }
0x58: {  	_ =	swait.ge [sflag:s6], $0x2710  }
0x59: {  	[sflag:s6] =	ssyncset.done $0x0  }
0x5a: {  	[sflag:s6] =	ssyncadd.s32 $0xFFFFD8F0  }
0x5b: {  	_ =	swait.ge [sflag:s11], $0x2710  }
0x5c: {  	[sflag:s11] =	ssyncset.done $0x0  }
0x5d: {  	s22 =	sadd.s32 $0x2D320, s22;
	[sflag:s11] =	ssyncadd.s32 $0xFFFFD8F0  }
0x5e: {  	[tilespmem:s13], [sflag:$0x1] =	stream.linear.gather [hbm4b:s22+s3], $0x2710, $0x38;
	[tilespmem:$0x8F00] =	vst v63  }
0x5f: {  	_ = 	snop  }
0x60: {  	[spmem:s2] =	stream.indirect.scatter.add.f32 [tilespmem:s9], [sflag:$0x2], $0x1, s3, s14, $0xb8;
	[tilespmem:$0x8F00] =	vst v63  }
0x61: {  	_ =	swait.ge [sflag:s6], $0x2710  }
0x62: {  	[sflag:s6] =	ssyncset.done $0x0  }
0x63: {  	s25 =	smul.u32 $0x3100, s1;
	[sflag:s6] =	ssyncadd.s32 $0xFFFFD8F0  }
0x64: {  	s26 =	sshll.u32 s24, $0x7;
	s24 =	ssub.s32 $0x2, s24;
	_ =	swait.ge [sflag:s11], $0x2710  }
0x65: {  	s31 =	sshrl.u32 s24, $0x1;
	[sflag:s11] =	ssyncset.done $0x0  }
0x66: {  	s25 =	sor.u32 s26, s25;
	s24 =	ssub.s32 s24, s31;
	[sflag:s11] =	ssyncadd.s32 $0xFFFFD8F0  }
0x67: {  	[spmem:s2] =	stream.indirect.scatter.add.f32 [tilespmem:s9], [sflag:$0x2], $0x1, s13, s14, $0xb8;
	[tilespmem:$0x8F00] =	vst v63  }
0x68: {  	s25 =	sshrl.u32 s25, $0x3;
	s26 =	smax.u32 s24, $0x1;
	_ =	swait.ge [sflag:s6], $0x2710  }
0x69: {  	s24 =	simm.s32 $0x20;
	p0 =	sne.s32 s26, $0x1;
	[sflag:s6] =	ssyncset.done $0x0  }
.Ltmp0:
0x6a: {  	s23 =	sadd.s32 s25, s23;
	[sflag:s6] =	ssyncadd.s32 $0xFFFFD8F0;
	(pc) =	sbr.rel @!p0 .LBB2_2-.Ltmp0, $4  }
0x6b: {  	s25 =	simm.s32 $0x10;
	s23 =	sadd.s32 $0xC5200, s23;
	[bflag:$0x0] =	sbarrier.arrive $0xFFFF  }
0x6c: {  	[hbm:s23@s24], [sflag:s5] =	dma.strided [spmem:s7@s25], $0x310, s11, $0x10   }
0x6d: {  	_ =	swait.ge [sflag:s6], $0x310  }
0x6e: {  	s26 =	sadd.s32 $0xFFFFFFFF, s26;
	[sflag:s6] =	ssyncset.done $0x0  }
.LBB2_1:
0x6f: {  	p0 =	sne.s32 s26, $0x1;
	s26 =	sadd.s32 $0xFFFFFFFF, s26;
	[sflag:s6] =	ssyncadd.s32 $0xFFFFFCF0  }
0x70: {  	[spmem:s7], [sflag:s5] =	dma.local [hbm:s4], $0x310  }
0x71: {  	_ =	swait.ge [sflag:s6], $0x310  }
0x72: {  	[sflag:s6] =	ssyncset.done $0x0  }
0x73: {  	[sflag:s6] =	ssyncadd.s32 $0xFFFFFCF0  }
0x74: {  	[tilespmem:s9], [sflag:$0x2] =	stream.linear.gather [hbm4b:s8+s3], $0x2780, $0x38;
	[tilespmem:$0x8F00] =	vst v63  }
0x75: {  	_ =	swait.ge [sflag:s6], $0x2780  }
0x76: {  	[sflag:s6] =	ssyncset.done $0x0  }
0x77: {  	[sflag:s6] =	ssyncadd.s32 $0xFFFFD880  }
0x78: {  	[bflag:$0x0] =	sbarrier.arrive $0xFFFF  }
0x79: {  	[tilespmem:s3], [sflag:$0x1] =	stream.linear.gather [hbm4b:s10+s3], $0x2710, $0x38;
	[tilespmem:$0x8F00] =	vst v63  }
0x7a: {  	_ =	swait.ge [sflag:s11], $0x2710  }
0x7b: {  	[sflag:s11] =	ssyncset.done $0x0  }
0x7c: {  	[sflag:s11] =	ssyncadd.s32 $0xFFFFD8F0  }
0x7d: {  	[tilespmem:s13], [sflag:$0x1] =	stream.linear.gather [hbm4b:s12+s3], $0x2710, $0x38;
	[tilespmem:$0x8F00] =	vst v63  }
0x7e: {  	_ = 	snop  }
0x7f: {  	[spmem:s2] =	stream.indirect.scatter.add.f32 [tilespmem:s9], [sflag:$0x2], $0x1, s3, s14, $0xb8;
	[tilespmem:$0x8F00] =	vst v63  }
0x80: {  	_ =	swait.ge [sflag:s6], $0x2710  }
0x81: {  	[sflag:s6] =	ssyncset.done $0x0  }
0x82: {  	[sflag:s6] =	ssyncadd.s32 $0xFFFFD8F0  }
0x83: {  	_ =	swait.ge [sflag:s11], $0x2710  }
0x84: {  	[sflag:s11] =	ssyncset.done $0x0  }
0x85: {  	[sflag:s11] =	ssyncadd.s32 $0xFFFFD8F0  }
0x86: {  	[tilespmem:s3], [sflag:$0x1] =	stream.linear.gather [hbm4b:s15+s3], $0x2710, $0x38;
	[tilespmem:$0x8F00] =	vst v63  }
0x87: {  	_ = 	snop  }
0x88: {  	[spmem:s2] =	stream.indirect.scatter.add.f32 [tilespmem:s9], [sflag:$0x2], $0x1, s13, s14, $0xb8;
	[tilespmem:$0x8F00] =	vst v63  }
0x89: {  	_ =	swait.ge [sflag:s6], $0x2710  }
0x8a: {  	[sflag:s6] =	ssyncset.done $0x0  }
0x8b: {  	[sflag:s6] =	ssyncadd.s32 $0xFFFFD8F0  }
0x8c: {  	_ =	swait.ge [sflag:s11], $0x2710  }
0x8d: {  	[sflag:s11] =	ssyncset.done $0x0  }
0x8e: {  	[sflag:s11] =	ssyncadd.s32 $0xFFFFD8F0  }
0x8f: {  	[tilespmem:s13], [sflag:$0x1] =	stream.linear.gather [hbm4b:s16+s3], $0x2710, $0x38;
	[tilespmem:$0x8F00] =	vst v63  }
0x90: {  	_ = 	snop  }
0x91: {  	[spmem:s2] =	stream.indirect.scatter.add.f32 [tilespmem:s9], [sflag:$0x2], $0x1, s3, s14, $0xb8;
	[tilespmem:$0x8F00] =	vst v63  }
0x92: {  	_ =	swait.ge [sflag:s6], $0x2710  }
0x93: {  	[sflag:s6] =	ssyncset.done $0x0  }
0x94: {  	[sflag:s6] =	ssyncadd.s32 $0xFFFFD8F0  }
0x95: {  	_ =	swait.ge [sflag:s11], $0x2710  }
0x96: {  	[sflag:s11] =	ssyncset.done $0x0  }
0x97: {  	[sflag:s11] =	ssyncadd.s32 $0xFFFFD8F0  }
0x98: {  	[tilespmem:s3], [sflag:$0x1] =	stream.linear.gather [hbm4b:s17+s3], $0x2710, $0x38;
	[tilespmem:$0x8F00] =	vst v63  }
0x99: {  	_ = 	snop  }
0x9a: {  	[spmem:s2] =	stream.indirect.scatter.add.f32 [tilespmem:s9], [sflag:$0x2], $0x1, s13, s14, $0xb8;
	[tilespmem:$0x8F00] =	vst v63  }
0x9b: {  	_ =	swait.ge [sflag:s6], $0x2710  }
0x9c: {  	[sflag:s6] =	ssyncset.done $0x0  }
0x9d: {  	[sflag:s6] =	ssyncadd.s32 $0xFFFFD8F0  }
0x9e: {  	_ =	swait.ge [sflag:s11], $0x2710  }
0x9f: {  	[sflag:s11] =	ssyncset.done $0x0  }
0xa0: {  	[sflag:s11] =	ssyncadd.s32 $0xFFFFD8F0  }
0xa1: {  	[tilespmem:s13], [sflag:$0x1] =	stream.linear.gather [hbm4b:s18+s3], $0x2710, $0x38;
	[tilespmem:$0x8F00] =	vst v63  }
0xa2: {  	_ = 	snop  }
0xa3: {  	[spmem:s2] =	stream.indirect.scatter.add.f32 [tilespmem:s9], [sflag:$0x2], $0x1, s3, s14, $0xb8;
	[tilespmem:$0x8F00] =	vst v63  }
0xa4: {  	_ =	swait.ge [sflag:s6], $0x2710  }
0xa5: {  	[sflag:s6] =	ssyncset.done $0x0  }
0xa6: {  	[sflag:s6] =	ssyncadd.s32 $0xFFFFD8F0  }
0xa7: {  	_ =	swait.ge [sflag:s11], $0x2710  }
0xa8: {  	[sflag:s11] =	ssyncset.done $0x0  }
0xa9: {  	[sflag:s11] =	ssyncadd.s32 $0xFFFFD8F0  }
0xaa: {  	[tilespmem:s3], [sflag:$0x1] =	stream.linear.gather [hbm4b:s19+s3], $0x2710, $0x38;
	[tilespmem:$0x8F00] =	vst v63  }
0xab: {  	_ = 	snop  }
0xac: {  	[spmem:s2] =	stream.indirect.scatter.add.f32 [tilespmem:s9], [sflag:$0x2], $0x1, s13, s14, $0xb8;
	[tilespmem:$0x8F00] =	vst v63  }
0xad: {  	_ =	swait.ge [sflag:s6], $0x2710  }
0xae: {  	[sflag:s6] =	ssyncset.done $0x0  }
0xaf: {  	[sflag:s6] =	ssyncadd.s32 $0xFFFFD8F0  }
0xb0: {  	_ =	swait.ge [sflag:s11], $0x2710  }
0xb1: {  	[sflag:s11] =	ssyncset.done $0x0  }
0xb2: {  	[sflag:s11] =	ssyncadd.s32 $0xFFFFD8F0  }
0xb3: {  	[tilespmem:s13], [sflag:$0x1] =	stream.linear.gather [hbm4b:s20+s3], $0x2710, $0x38;
	[tilespmem:$0x8F00] =	vst v63  }
0xb4: {  	_ = 	snop  }
0xb5: {  	[spmem:s2] =	stream.indirect.scatter.add.f32 [tilespmem:s9], [sflag:$0x2], $0x1, s3, s14, $0xb8;
	[tilespmem:$0x8F00] =	vst v63  }
0xb6: {  	_ =	swait.ge [sflag:s6], $0x2710  }
0xb7: {  	[sflag:s6] =	ssyncset.done $0x0  }
0xb8: {  	[sflag:s6] =	ssyncadd.s32 $0xFFFFD8F0  }
0xb9: {  	_ =	swait.ge [sflag:s11], $0x2710  }
0xba: {  	[sflag:s11] =	ssyncset.done $0x0  }
0xbb: {  	[sflag:s11] =	ssyncadd.s32 $0xFFFFD8F0  }
0xbc: {  	[tilespmem:s3], [sflag:$0x1] =	stream.linear.gather [hbm4b:s21+s3], $0x2710, $0x38;
	[tilespmem:$0x8F00] =	vst v63  }
0xbd: {  	_ = 	snop  }
0xbe: {  	[spmem:s2] =	stream.indirect.scatter.add.f32 [tilespmem:s9], [sflag:$0x2], $0x1, s13, s14, $0xb8;
	[tilespmem:$0x8F00] =	vst v63  }
0xbf: {  	_ =	swait.ge [sflag:s6], $0x2710  }
0xc0: {  	[sflag:s6] =	ssyncset.done $0x0  }
0xc1: {  	[sflag:s6] =	ssyncadd.s32 $0xFFFFD8F0  }
0xc2: {  	_ =	swait.ge [sflag:s11], $0x2710  }
0xc3: {  	[sflag:s11] =	ssyncset.done $0x0  }
0xc4: {  	[sflag:s11] =	ssyncadd.s32 $0xFFFFD8F0  }
0xc5: {  	[tilespmem:s13], [sflag:$0x1] =	stream.linear.gather [hbm4b:s22+s3], $0x2710, $0x38;
	[tilespmem:$0x8F00] =	vst v63  }
0xc6: {  	_ = 	snop  }
0xc7: {  	[spmem:s2] =	stream.indirect.scatter.add.f32 [tilespmem:s9], [sflag:$0x2], $0x1, s3, s14, $0xb8;
	[tilespmem:$0x8F00] =	vst v63  }
0xc8: {  	_ =	swait.ge [sflag:s6], $0x2710  }
0xc9: {  	[sflag:s6] =	ssyncset.done $0x0  }
0xca: {  	[sflag:s6] =	ssyncadd.s32 $0xFFFFD8F0  }
0xcb: {  	_ =	swait.ge [sflag:s11], $0x2710  }
0xcc: {  	[sflag:s11] =	ssyncset.done $0x0  }
0xcd: {  	[sflag:s11] =	ssyncadd.s32 $0xFFFFD8F0  }
0xce: {  	[spmem:s2] =	stream.indirect.scatter.add.f32 [tilespmem:s9], [sflag:$0x2], $0x1, s13, s14, $0xb8;
	[tilespmem:$0x8F00] =	vst v63  }
0xcf: {  	_ =	swait.ge [sflag:s6], $0x2710  }
0xd0: {  	[sflag:s6] =	ssyncset.done $0x0  }
.Ltmp1:
0xd1: {  	[sflag:s6] =	ssyncadd.s32 $0xFFFFD8F0;
	(pc) =	sbr.rel @p0 .LBB2_1-.Ltmp1, $4  }
0xd2: {  	[bflag:$0x0] =	sbarrier.arrive $0xFFFF  }
0xd3: {  	[hbm:s23@s24], [sflag:s5] =	dma.strided [spmem:s7@s25], $0x310, s11, $0x10   }
0xd4: {  	_ =	swait.ge [sflag:s6], $0x310  }
0xd5: {  	[sflag:s6] =	ssyncset.done $0x0  }
.LBB2_2:
0xd6: {  	[sflag:s6] =	ssyncadd.s32 $0xFFFFFCF0  }
0xd7: {  	_ =	sfence.sel $0x180000  }
0xd8: {  	[bflag:$0x0] =	sbarrier.arrive $0xFFFF  }
0xd9: {  	p0 =	sne.s32 s1, $0x0;
	_ =	strace $0x90000047  }
0xda: {  	s0 =	sadd.s32 @!p0 $0x100000, s0;
	[bflag:$0x2] =	sbarrier.arrive $0xFFFF  }
0xdb: {  	[sflag:s0] =	ssyncadd.tile.s32 @!p0 $0x1;
	_ =	shalt  }
.Lfunc_end2:
_tile_overlayer_lowered:
.L_overlay_start_2:
0xdc: {  	(tag) =	ssettag $0x2  }
0xdd: {  	s0 =	rddreg [dreg:$0x0];
	s2 =	stileid.u32  }
0xde: {  	s1 =	rddreg [dreg:$0x1];
	p0 =	sne.s32 s2, $0x0  }
0xdf: {  	s3 =	rddreg [dreg:$0x2];
	[bflag:$0x3] =	sbarrier.arrive $0xFFFF;
	s2 =	simm.s32 @!p0 $0x1C02  }
0xe0: {  	[timem:s3], [sflag:s2] =	dma.local @!p0 [hbm:s0], s1  }
0xe1: {  	s0 =	simm.s32 @!p0 $0x2  }
0xe2: {  	_ =	swait.ge @!p0 [sflag:s0], s1  }
0xe3: {  	s1 =	ssub.s32 @!p0 $0x0, s1;
	[sflag:s0] =	ssyncset.done @!p0 $0x0  }
0xe4: {  	[sflag:s0] =	ssyncadd.s32 @!p0 s1  }
0xe5: {  	[bflag:$0x3] =	sbarrier.arrive $0xFFFF  }
0xe6: {  	_ =	shalt  }

</sc_bundles>
